<compile_context>
chip_gen: v7x
topology: tpu7x:2x2x1
jax: 0.10.2.dev20260603
libtpu: 0.0.44.dev20260713+nightly
codegen_flags: <defaults>
</compile_context>

<pallas_src>
import functools

import jax
import jax.numpy as jnp
import numpy as np
from jax import lax
from jax.experimental import pallas as pl
from jax.experimental.pallas import tpu as pltpu
from jax.experimental.pallas import tpu_sc as plsc

NC = 2
NS = 16
CH = 128

_SC_PARAMS = pltpu.CompilerParams(use_tc_tiling_on_sc=False)


def _sc_mesh():
    return plsc.VectorSubcoreMesh(
        core_axis_name="c", subcore_axis_name="s", num_cores=NC, num_subcores=NS
    )


def _make_edge_agg(NP, K, D, table_dtype):
    rows = NP // NS
    assert rows % CH == 0
    H = 2 if D >= 128 else 1
    NB = 2 if D >= 128 else 8
    assert K % (2 * H) == 0 and K % NB == 0
    K2 = K // H

    @functools.partial(
        pl.kernel,
        out_type=jax.ShapeDtypeStruct((NC, NP, D), table_dtype),
        mesh=_sc_mesh(),
        compiler_params=_SC_PARAMS,
        scratch_types=[
            pltpu.VMEM((K2, CH), jnp.int32),
            pltpu.VMEM((K2, CH), jnp.int32),
            pltpu.VMEM((NB, CH, D), table_dtype),
            pltpu.VMEM_SHARED((NP, D), table_dtype),
            pltpu.SemaphoreType.DMA((NB,)),
            pltpu.SemaphoreType.DMA((NB,)),
        ],
    )
    def agg(src_hbm, dst_hbm, table_hbm, zblk_hbm, out_hbm, idx_s, idx_d, msg,
            acc, gsem, ssem):
        c = lax.axis_index("c")
        s = lax.axis_index("s")
        wid = c * NS + s
        pltpu.sync_copy(zblk_hbm, msg.at[0])
        for r in range(rows // CH):
            pltpu.sync_copy(msg.at[0], acc.at[pl.ds(s * rows + r * CH, CH)])
        plsc.subcore_barrier()

        if NB == 2:
            for h in range(H):
                pltpu.sync_copy(src_hbm.at[wid, pl.ds(h * K2, K2)], idx_s)
                pltpu.sync_copy(dst_hbm.at[wid, pl.ds(h * K2, K2)], idx_d)

                pltpu.async_copy(table_hbm.at[idx_s.at[0]], msg.at[0],
                                 gsem.at[0])

                @pl.loop(0, K2, step=2)
                def _(j):
                    for b in range(2):
                        jj = j + b
                        pltpu.make_async_copy(
                            table_hbm.at[idx_s.at[jj]], msg.at[b],
                            gsem.at[b]).wait()
                        nb = 1 - b

                        @pl.when(jj + 1 < K2)
                        def _():
                            pltpu.async_copy(
                                table_hbm.at[idx_s.at[jj + 1]], msg.at[nb],
                                gsem.at[nb])

                        pltpu.sync_copy(msg.at[b], acc.at[idx_d.at[jj]],
                                        add=True)
        else:
            pltpu.sync_copy(src_hbm.at[wid], idx_s)
            pltpu.sync_copy(dst_hbm.at[wid], idx_d)

            @pl.loop(0, K, step=NB)
            def _(j):
                for b in range(NB):
                    pltpu.async_copy(table_hbm.at[idx_s.at[j + b]], msg.at[b],
                                     gsem.at[b])
                for b in range(NB):
                    pltpu.make_async_copy(
                        table_hbm.at[idx_s.at[j + b]], msg.at[b],
                        gsem.at[b]).wait()
                    pltpu.async_copy(msg.at[b], acc.at[idx_d.at[j + b]],
                                     ssem.at[b], add=True)
                for b in range(NB):
                    pltpu.make_async_copy(
                        msg.at[b], acc.at[idx_d.at[j + b]],
                        ssem.at[b]).wait()

        plsc.subcore_barrier()
        pltpu.sync_copy(acc.at[pl.ds(s * rows, rows)],
                        out_hbm.at[c, pl.ds(s * rows, rows)])

    return agg


def _make_deg(NP, K):
    D = 16
    rows = NP // NS

    @functools.partial(
        pl.kernel,
        out_type=jax.ShapeDtypeStruct((NC, NP, D), jnp.float32),
        mesh=_sc_mesh(),
        compiler_params=_SC_PARAMS,
        scratch_types=[
            pltpu.VMEM((K, CH), jnp.int32),
            pltpu.VMEM((CH, D), jnp.float32),
            pltpu.VMEM((CH, D), jnp.float32),
            pltpu.VMEM_SHARED((NP, D), jnp.float32),
            pltpu.SemaphoreType.DMA,
        ],
    )
    def deg(dst_hbm, ones_hbm, zblk_hbm, out_hbm, idx_d, ones_v, zv, acc, ssem):
        c = lax.axis_index("c")
        s = lax.axis_index("s")
        wid = c * NS + s
        pltpu.sync_copy(dst_hbm.at[wid], idx_d)
        pltpu.sync_copy(ones_hbm, ones_v)
        pltpu.sync_copy(zblk_hbm, zv)
        for r in range(rows // CH):
            pltpu.sync_copy(zv, acc.at[pl.ds(s * rows + r * CH, CH)])
        plsc.subcore_barrier()

        @pl.loop(0, K)
        def _(j):
            pltpu.async_copy(ones_v, acc.at[idx_d.at[j]], ssem, add=True)

        @pl.loop(0, K)
        def _(j):
            pltpu.make_async_copy(ones_v, acc.at[idx_d.at[j]], ssem).wait()

        plsc.subcore_barrier()
        pltpu.sync_copy(acc.at[pl.ds(s * rows, rows)],
                        out_hbm.at[c, pl.ds(s * rows, rows)])

    return deg


def _tc_norm_scale(dpart, x, w1, BM):
    NP, Din = x.shape
    D = w1.shape[1]

    def body(dp_ref, x_ref, w_ref, y1_ref, dinv_ref):
        xw = jnp.dot(x_ref[...], w_ref[...], preferred_element_type=jnp.float32)
        deg = dp_ref[0, :, 0:1] + dp_ref[1, :, 0:1] + 1.0
        dinv = lax.rsqrt(deg)
        dinv_ref[...] = dinv
        y1_ref[...] = xw * dinv

    return pl.pallas_call(
        body,
        grid=(NP // BM,),
        in_specs=[
            pl.BlockSpec((2, BM, 16), lambda i: (0, i, 0)),
            pl.BlockSpec((BM, Din), lambda i: (i, 0)),
            pl.BlockSpec((Din, D), lambda i: (0, 0)),
        ],
        out_specs=[
            pl.BlockSpec((BM, D), lambda i: (i, 0)),
            pl.BlockSpec((BM, 1), lambda i: (i, 0)),
        ],
        out_shape=[
            jax.ShapeDtypeStruct((NP, D), jnp.float32),
            jax.ShapeDtypeStruct((NP, 1), jnp.float32),
        ],
    )(dpart, x, w1)


def _tc_mid(p, y1, dinv, b1, w2p, BM):
    NP, D = y1.shape
    D2 = w2p.shape[1]

    def body(p_ref, y1_ref, dinv_ref, b1_ref, w2_ref, y2_ref):
        agg = p_ref[0] + p_ref[1] + y1_ref[...]
        h = jnp.maximum(dinv_ref[...] * agg + b1_ref[...], 0.0)
        z = jnp.dot(h, w2_ref[...], preferred_element_type=jnp.float32)
        y2_ref[...] = dinv_ref[...] * z

    return pl.pallas_call(
        body,
        grid=(NP // BM,),
        in_specs=[
            pl.BlockSpec((2, BM, D), lambda i: (0, i, 0)),
            pl.BlockSpec((BM, D), lambda i: (i, 0)),
            pl.BlockSpec((BM, 1), lambda i: (i, 0)),
            pl.BlockSpec((1, D), lambda i: (0, 0)),
            pl.BlockSpec((D, D2), lambda i: (0, 0)),
        ],
        out_specs=pl.BlockSpec((BM, D2), lambda i: (i, 0)),
        out_shape=jax.ShapeDtypeStruct((NP, D2), jnp.float32),
    )(p, y1, dinv, b1, w2p)


def _tc_final(q, y2, dinv, b2p, n_valid, N, BMF):
    NP, D2 = y2.shape

    def body(q_ref, y2_ref, dinv_ref, b2_ref, o_ref):
        o = dinv_ref[...] * (q_ref[0] + q_ref[1] + y2_ref[...]) + b2_ref[...]
        col = lax.broadcasted_iota(jnp.int32, (BMF, D2), 1)
        valid = col < n_valid
        neg = jnp.where(valid, o, -jnp.inf)
        m = jnp.max(neg, axis=1, keepdims=True)
        e = jnp.where(valid, jnp.exp(o - m), 0.0)
        lse = m + jnp.log(jnp.sum(e, axis=1, keepdims=True))
        o_ref[...] = (o - lse)[:, :n_valid]

    return pl.pallas_call(
        body,
        grid=(N // BMF,),
        in_specs=[
            pl.BlockSpec((2, BMF, D2), lambda i: (0, i, 0)),
            pl.BlockSpec((BMF, D2), lambda i: (i, 0)),
            pl.BlockSpec((BMF, 1), lambda i: (i, 0)),
            pl.BlockSpec((1, D2), lambda i: (0, 0)),
        ],
        out_specs=pl.BlockSpec((BMF, n_valid), lambda i: (i, 0)),
        out_shape=jax.ShapeDtypeStruct((N, n_valid), jnp.float32),
    )(q, y2, dinv, b2p)


def kernel(x, edge_index, W1, b1, W2, b2):
    N, D_IN = x.shape
    E = edge_index.shape[1]
    D_HID = W1.shape[1]
    D_OUT = W2.shape[1]
    D2 = 16

    BM = 2560
    NP = ((N + 1 + BM - 1) // BM) * BM
    JUNK = N

    W = NC * NS
    K = (E + W * CH - 1) // (W * CH)
    K = ((K + 15) // 16) * 16
    EP = W * K * CH

    src = edge_index[0]
    dst = edge_index[1]
    pad = jnp.asarray(np.arange(EP - E, dtype=np.int32) % (NP - N) + JUNK)
    src_r = jnp.concatenate([src.astype(jnp.int32), pad]).reshape(W, K, CH)
    dst_r = jnp.concatenate([dst.astype(jnp.int32), pad]).reshape(W, K, CH)
    x_pad = jnp.zeros((NP, D_IN), jnp.float32).at[:N].set(x)
    zblk_hid = jnp.zeros((CH, D_HID), jnp.float32)
    zblk_16 = jnp.zeros((CH, D2), jnp.float32)
    ones_blk = jnp.ones((CH, D2), jnp.float32)
    w2p = jnp.zeros((D_HID, D2), jnp.float32).at[:, :D_OUT].set(W2)
    b1r = b1.reshape(1, D_HID)
    b2p = jnp.zeros((1, D2), jnp.float32).at[0, :D_OUT].set(b2)

    dpart = _make_deg(NP, K)(dst_r, ones_blk, zblk_16)

    y1, dinv = _tc_norm_scale(dpart, x_pad, W1, BM)

    p = _make_edge_agg(NP, K, D_HID, jnp.float32)(src_r, dst_r, y1, zblk_hid)

    y2 = _tc_mid(p, y1, dinv, b1r, w2p, BM)

    q = _make_edge_agg(NP, K, D2, jnp.float32)(src_r, dst_r, y2, zblk_16)

    BMF = 2000
    assert N % BMF == 0
    return _tc_final(q, y2, dinv, b2p, D_OUT, N, BMF)

# --- scband reference (transcript-rebuilt; emitter-appended) ---
"""Pipeline reference for scband-fraud-gnn-20710332301996 (READ-ONLY COPY).

The authoritative reference and input builder live on the scoring server;
editing this copy changes nothing except your own understanding.
"""

import jax, jax.numpy as jnp
import numpy as np

N = 10000
E = 320000
D_IN = 128
D_HID = 128
D_OUT = 2


def gcn_conv(x, edge_index, W, b):
    # PyG-style GCNConv: add self loops, symmetric normalization, sum aggregation
    n = x.shape[0]
    xw = x @ W
    loop = jnp.arange(n, dtype=edge_index.dtype)
    src = jnp.concatenate([edge_index[0], loop])
    dst = jnp.concatenate([edge_index[1], loop])
    deg = jax.ops.segment_sum(jnp.ones(src.shape[0], dtype=xw.dtype), dst, num_segments=n)
    dinv = jnp.where(deg > 0, jax.lax.rsqrt(jnp.maximum(deg, 1e-12)), 0.0)
    norm = dinv[src] * dinv[dst]
    msg = xw[src] * norm[:, None]
    out = jax.ops.segment_sum(msg, dst, num_segments=n)
    return out + b


def setup_inputs(seed: int = 0) -> dict:
    key = jax.random.key(seed)
    k1, k2, k3, k4, k5, k6 = jax.random.split(key, 6)
    x = jax.random.normal(k1, (N, D_IN), dtype=jnp.float32)
    edge_index = jax.random.randint(k2, (2, E), 0, N, dtype=jnp.int32)
    W1 = jax.random.normal(k3, (D_IN, D_HID), dtype=jnp.float32) * (1.0 / np.sqrt(D_IN))
    b1 = jnp.zeros((D_HID,), dtype=jnp.float32)
    W2 = jax.random.normal(k4, (D_HID, D_OUT), dtype=jnp.float32) * (1.0 / np.sqrt(D_HID))
    b2 = jnp.zeros((D_OUT,), dtype=jnp.float32)
    return {"x": x, "edge_index": edge_index, "W1": W1, "b1": b1, "W2": W2, "b2": b2}


def reference(x, edge_index, W1, b1, W2, b2):
    h = gcn_conv(x, edge_index, W1, b1)
    h = jax.nn.relu(h)
    h = gcn_conv(h, edge_index, W2, b2)
    return jax.nn.log_softmax(h, axis=1)

if __name__ == "__main__":
    import jax
    _d = setup_inputs()
    print(jax.jit(kernel)(*tuple(_d.values())))

</pallas_src>

<mosaic_0001>
#map = affine_map<(d0, d1) -> (0, 0, 0)>
#map1 = affine_map<(d0, d1) -> (0, 0)>
module attributes {stable_mosaic.version = 14 : i64} {
  func.func @agg(%arg0: i32, %arg1: i32, %arg2: memref<32x80x128xi32, #tpu.memory_space<hbm>>, %arg3: memref<32x80x128xi32, #tpu.memory_space<hbm>>, %arg4: memref<10240x128xf32, #tpu.memory_space<hbm>>, %arg5: memref<128x128xf32, #tpu.memory_space<hbm>>, %arg6: memref<2x10240x128xf32, #tpu.memory_space<hbm>>, %arg7: memref<40x128xi32, #tpu.memory_space<vmem>>, %arg8: memref<40x128xi32, #tpu.memory_space<vmem>>, %arg9: memref<2x128x128xf32, #tpu.memory_space<vmem>>, %arg10: memref<10240x128xf32, #tpu.memory_space<vmem_shared>>, %arg11: memref<2x!tpu.dma_semaphore, #tpu.memory_space<semaphore_mem>>, %arg12: memref<2x!tpu.dma_semaphore, #tpu.memory_space<semaphore_mem>>) attributes {dimension_semantics = [#tpu.dimension_semantics<core_parallel>, #tpu.dimension_semantics<subcore_parallel>], iteration_bounds = array<i64: 2, 16>, scalar_prefetch = 0 : i64, scratch_operands = 6 : i64, tpu.core_type = #tpu.core_type<sc_vector_subcore>, window_params = [{transform_indices = #map}, {transform_indices = #map}, {transform_indices = #map1}, {transform_indices = #map1}, {transform_indices = #map}]} {
    %mul3A = arith.constant 16 : i32
    %mul3A_0 = arith.muli %arg0, %mul3A : i32
    %add3A = arith.addi %mul3A_0, %arg1 : i32
    %run_scoped3A = arith.constant 0 : i32
    "tpu.region"() ({
      %run_scoped3A_69 = tpu.sem_alloc : memref<!tpu.dma_semaphore, #tpu.memory_space<semaphore_mem>>
      %dma_start3A_70 = arith.constant 0 : i32
      %dma_start3A_71 = arith.constant 0 : i32
      %dma_start3A_72 = tpu.memref_slice %arg9[%run_scoped3A, %dma_start3A_70, %dma_start3A_71] : memref<2x128x128xf32, #tpu.memory_space<vmem>> -> memref<1x128x128xf32, #tpu.memory_space<vmem>>
      %dma_start3A_73 = tpu.memref_squeeze %dma_start3A_72 : memref<1x128x128xf32, #tpu.memory_space<vmem>> -> memref<128x128xf32, #tpu.memory_space<vmem>>
      %dma_start3A_74 = arith.constant 0 : i32
      %dma_start3A_75 = arith.constant 0 : i32
      %dma_start3A_76 = tpu.memref_slice %arg9[%run_scoped3A, %dma_start3A_74, %dma_start3A_75] : memref<2x128x128xf32, #tpu.memory_space<vmem>> -> memref<1x128x128xf32, #tpu.memory_space<vmem>>
      %dma_start3A_77 = tpu.memref_squeeze %dma_start3A_76 : memref<1x128x128xf32, #tpu.memory_space<vmem>> -> memref<128x128xf32, #tpu.memory_space<vmem>>
      tpu.enqueue_dma source(%arg5 : memref<128x128xf32, #tpu.memory_space<hbm>>) target(%dma_start3A_77 : memref<128x128xf32, #tpu.memory_space<vmem>>) target_semaphore(%run_scoped3A_69 : memref<!tpu.dma_semaphore, #tpu.memory_space<semaphore_mem>>)
      %dma_wait3A = arith.constant 0 : i32
      %dma_wait3A_78 = arith.constant 0 : i32
      %dma_wait3A_79 = tpu.memref_slice %arg9[%run_scoped3A, %dma_wait3A, %dma_wait3A_78] : memref<2x128x128xf32, #tpu.memory_space<vmem>> -> memref<1x128x128xf32, #tpu.memory_space<vmem>>
      %dma_wait3A_80 = tpu.memref_squeeze %dma_wait3A_79 : memref<1x128x128xf32, #tpu.memory_space<vmem>> -> memref<128x128xf32, #tpu.memory_space<vmem>>
      %dma_wait3A_81 = arith.constant 0 : i32
      %dma_wait3A_82 = arith.constant 0 : i32
      %dma_wait3A_83 = tpu.memref_slice %arg9[%run_scoped3A, %dma_wait3A_81, %dma_wait3A_82] : memref<2x128x128xf32, #tpu.memory_space<vmem>> -> memref<1x128x128xf32, #tpu.memory_space<vmem>>
      %dma_wait3A_84 = tpu.memref_squeeze %dma_wait3A_83 : memref<1x128x128xf32, #tpu.memory_space<vmem>> -> memref<128x128xf32, #tpu.memory_space<vmem>>
      tpu.wait_dma2 semaphore(%run_scoped3A_69 : memref<!tpu.dma_semaphore, #tpu.memory_space<semaphore_mem>>) src(%arg5 : memref<128x128xf32, #tpu.memory_space<hbm>>) dst(%dma_wait3A_84 : memref<128x128xf32, #tpu.memory_space<vmem>>)
      tpu.yield
    }) : () -> ()
    %mul3A_1 = arith.constant 640 : i32
    %mul3A_2 = arith.muli %arg1, %mul3A_1 : i32
    %add3A_3 = arith.constant 0 : i32
    %add3A_4 = arith.addi %mul3A_2, %add3A_3 : i32
    %run_scoped3A_5 = arith.constant 0 : i32
    "tpu.region"() ({
      %run_scoped3A_69 = tpu.sem_alloc : memref<!tpu.dma_semaphore, #tpu.memory_space<semaphore_mem>>
      %dma_start3A_70 = arith.constant 0 : i32
      %dma_start3A_71 = arith.constant 0 : i32
      %dma_start3A_72 = tpu.memref_slice %arg9[%run_scoped3A_5, %dma_start3A_70, %dma_start3A_71] : memref<2x128x128xf32, #tpu.memory_space<vmem>> -> memref<1x128x128xf32, #tpu.memory_space<vmem>>
      %dma_start3A_73 = tpu.memref_squeeze %dma_start3A_72 : memref<1x128x128xf32, #tpu.memory_space<vmem>> -> memref<128x128xf32, #tpu.memory_space<vmem>>
      %dma_start3A_74 = arith.constant 0 : i32
      %dma_start3A_75 = tpu.memref_slice %arg10[%add3A_4, %dma_start3A_74] : memref<10240x128xf32, #tpu.memory_space<vmem_shared>> -> memref<128x128xf32, #tpu.memory_space<vmem_shared>>
      %dma_start3A_76 = arith.constant 0 : i32
      %dma_start3A_77 = tpu.memref_slice %arg10[%add3A_4, %dma_start3A_76] : memref<10240x128xf32, #tpu.memory_space<vmem_shared>> -> memref<128x128xf32, #tpu.memory_space<vmem_shared>>
      %dma_start3A_78 = arith.constant 0 : i32
      %dma_start3A_79 = arith.constant 0 : i32
      %dma_start3A_80 = tpu.memref_slice %arg9[%run_scoped3A_5, %dma_start3A_78, %dma_start3A_79] : memref<2x128x128xf32, #tpu.memory_space<vmem>> -> memref<1x128x128xf32, #tpu.memory_space<vmem>>
      %dma_start3A_81 = tpu.memref_squeeze %dma_start3A_80 : memref<1x128x128xf32, #tpu.memory_space<vmem>> -> memref<128x128xf32, #tpu.memory_space<vmem>>
      tpu.enqueue_dma source(%dma_start3A_81 : memref<128x128xf32, #tpu.memory_space<vmem>>) target(%dma_start3A_77 : memref<128x128xf32, #tpu.memory_space<vmem_shared>>) target_semaphore(%run_scoped3A_69 : memref<!tpu.dma_semaphore, #tpu.memory_space<semaphore_mem>>)
      %dma_wait3A = arith.constant 0 : i32
      %dma_wait3A_82 = arith.constant 0 : i32
      %dma_wait3A_83 = tpu.memref_slice %arg9[%run_scoped3A_5, %dma_wait3A, %dma_wait3A_82] : memref<2x128x128xf32, #tpu.memory_space<vmem>> -> memref<1x128x128xf32, #tpu.memory_space<vmem>>
      %dma_wait3A_84 = tpu.memref_squeeze %dma_wait3A_83 : memref<1x128x128xf32, #tpu.memory_space<vmem>> -> memref<128x128xf32, #tpu.memory_space<vmem>>
      %dma_wait3A_85 = arith.constant 0 : i32
      %dma_wait3A_86 = tpu.memref_slice %arg10[%add3A_4, %dma_wait3A_85] : memref<10240x128xf32, #tpu.memory_space<vmem_shared>> -> memref<128x128xf32, #tpu.memory_space<vmem_shared>>
      %dma_wait3A_87 = arith.constant 0 : i32
      %dma_wait3A_88 = tpu.memref_slice %arg10[%add3A_4, %dma_wait3A_87] : memref<10240x128xf32, #tpu.memory_space<vmem_shared>> -> memref<128x128xf32, #tpu.memory_space<vmem_shared>>
      %dma_wait3A_89 = arith.constant 0 : i32
      %dma_wait3A_90 = arith.constant 0 : i32
      %dma_wait3A_91 = tpu.memref_slice %arg9[%run_scoped3A_5, %dma_wait3A_89, %dma_wait3A_90] : memref<2x128x128xf32, #tpu.memory_space<vmem>> -> memref<1x128x128xf32, #tpu.memory_space<vmem>>
      %dma_wait3A_92 = tpu.memref_squeeze %dma_wait3A_91 : memref<1x128x128xf32, #tpu.memory_space<vmem>> -> memref<128x128xf32, #tpu.memory_space<vmem>>
      tpu.wait_dma2 semaphore(%run_scoped3A_69 : memref<!tpu.dma_semaphore, #tpu.memory_space<semaphore_mem>>) src(%dma_wait3A_92 : memref<128x128xf32, #tpu.memory_space<vmem>>) dst(%dma_wait3A_88 : memref<128x128xf32, #tpu.memory_space<vmem_shared>>)
      tpu.yield
    }) : () -> ()
    %mul3A_6 = arith.constant 640 : i32
    %mul3A_7 = arith.muli %arg1, %mul3A_6 : i32
    %add3A_8 = arith.constant 128 : i32
    %add3A_9 = arith.addi %mul3A_7, %add3A_8 : i32
    %run_scoped3A_10 = arith.constant 0 : i32
    "tpu.region"() ({
      %run_scoped3A_69 = tpu.sem_alloc : memref<!tpu.dma_semaphore, #tpu.memory_space<semaphore_mem>>
      %dma_start3A_70 = arith.constant 0 : i32
      %dma_start3A_71 = arith.constant 0 : i32
      %dma_start3A_72 = tpu.memref_slice %arg9[%run_scoped3A_10, %dma_start3A_70, %dma_start3A_71] : memref<2x128x128xf32, #tpu.memory_space<vmem>> -> memref<1x128x128xf32, #tpu.memory_space<vmem>>
      %dma_start3A_73 = tpu.memref_squeeze %dma_start3A_72 : memref<1x128x128xf32, #tpu.memory_space<vmem>> -> memref<128x128xf32, #tpu.memory_space<vmem>>
      %dma_start3A_74 = arith.constant 0 : i32
      %dma_start3A_75 = tpu.memref_slice %arg10[%add3A_9, %dma_start3A_74] : memref<10240x128xf32, #tpu.memory_space<vmem_shared>> -> memref<128x128xf32, #tpu.memory_space<vmem_shared>>
      %dma_start3A_76 = arith.constant 0 : i32
      %dma_start3A_77 = tpu.memref_slice %arg10[%add3A_9, %dma_start3A_76] : memref<10240x128xf32, #tpu.memory_space<vmem_shared>> -> memref<128x128xf32, #tpu.memory_space<vmem_shared>>
      %dma_start3A_78 = arith.constant 0 : i32
      %dma_start3A_79 = arith.constant 0 : i32
      %dma_start3A_80 = tpu.memref_slice %arg9[%run_scoped3A_10, %dma_start3A_78, %dma_start3A_79] : memref<2x128x128xf32, #tpu.memory_space<vmem>> -> memref<1x128x128xf32, #tpu.memory_space<vmem>>
      %dma_start3A_81 = tpu.memref_squeeze %dma_start3A_80 : memref<1x128x128xf32, #tpu.memory_space<vmem>> -> memref<128x128xf32, #tpu.memory_space<vmem>>
      tpu.enqueue_dma source(%dma_start3A_81 : memref<128x128xf32, #tpu.memory_space<vmem>>) target(%dma_start3A_77 : memref<128x128xf32, #tpu.memory_space<vmem_shared>>) target_semaphore(%run_scoped3A_69 : memref<!tpu.dma_semaphore, #tpu.memory_space<semaphore_mem>>)
      %dma_wait3A = arith.constant 0 : i32
      %dma_wait3A_82 = arith.constant 0 : i32
      %dma_wait3A_83 = tpu.memref_slice %arg9[%run_scoped3A_10, %dma_wait3A, %dma_wait3A_82] : memref<2x128x128xf32, #tpu.memory_space<vmem>> -> memref<1x128x128xf32, #tpu.memory_space<vmem>>
      %dma_wait3A_84 = tpu.memref_squeeze %dma_wait3A_83 : memref<1x128x128xf32, #tpu.memory_space<vmem>> -> memref<128x128xf32, #tpu.memory_space<vmem>>
      %dma_wait3A_85 = arith.constant 0 : i32
      %dma_wait3A_86 = tpu.memref_slice %arg10[%add3A_9, %dma_wait3A_85] : memref<10240x128xf32, #tpu.memory_space<vmem_shared>> -> memref<128x128xf32, #tpu.memory_space<vmem_shared>>
      %dma_wait3A_87 = arith.constant 0 : i32
      %dma_wait3A_88 = tpu.memref_slice %arg10[%add3A_9, %dma_wait3A_87] : memref<10240x128xf32, #tpu.memory_space<vmem_shared>> -> memref<128x128xf32, #tpu.memory_space<vmem_shared>>
      %dma_wait3A_89 = arith.constant 0 : i32
      %dma_wait3A_90 = arith.constant 0 : i32
      %dma_wait3A_91 = tpu.memref_slice %arg9[%run_scoped3A_10, %dma_wait3A_89, %dma_wait3A_90] : memref<2x128x128xf32, #tpu.memory_space<vmem>> -> memref<1x128x128xf32, #tpu.memory_space<vmem>>
      %dma_wait3A_92 = tpu.memref_squeeze %dma_wait3A_91 : memref<1x128x128xf32, #tpu.memory_space<vmem>> -> memref<128x128xf32, #tpu.memory_space<vmem>>
      tpu.wait_dma2 semaphore(%run_scoped3A_69 : memref<!tpu.dma_semaphore, #tpu.memory_space<semaphore_mem>>) src(%dma_wait3A_92 : memref<128x128xf32, #tpu.memory_space<vmem>>) dst(%dma_wait3A_88 : memref<128x128xf32, #tpu.memory_space<vmem_shared>>)
      tpu.yield
    }) : () -> ()
    %mul3A_11 = arith.constant 640 : i32
    %mul3A_12 = arith.muli %arg1, %mul3A_11 : i32
    %add3A_13 = arith.constant 256 : i32
    %add3A_14 = arith.addi %mul3A_12, %add3A_13 : i32
    %run_scoped3A_15 = arith.constant 0 : i32
    "tpu.region"() ({
      %run_scoped3A_69 = tpu.sem_alloc : memref<!tpu.dma_semaphore, #tpu.memory_space<semaphore_mem>>
      %dma_start3A_70 = arith.constant 0 : i32
      %dma_start3A_71 = arith.constant 0 : i32
      %dma_start3A_72 = tpu.memref_slice %arg9[%run_scoped3A_15, %dma_start3A_70, %dma_start3A_71] : memref<2x128x128xf32, #tpu.memory_space<vmem>> -> memref<1x128x128xf32, #tpu.memory_space<vmem>>
      %dma_start3A_73 = tpu.memref_squeeze %dma_start3A_72 : memref<1x128x128xf32, #tpu.memory_space<vmem>> -> memref<128x128xf32, #tpu.memory_space<vmem>>
      %dma_start3A_74 = arith.constant 0 : i32
      %dma_start3A_75 = tpu.memref_slice %arg10[%add3A_14, %dma_start3A_74] : memref<10240x128xf32, #tpu.memory_space<vmem_shared>> -> memref<128x128xf32, #tpu.memory_space<vmem_shared>>
      %dma_start3A_76 = arith.constant 0 : i32
      %dma_start3A_77 = tpu.memref_slice %arg10[%add3A_14, %dma_start3A_76] : memref<10240x128xf32, #tpu.memory_space<vmem_shared>> -> memref<128x128xf32, #tpu.memory_space<vmem_shared>>
      %dma_start3A_78 = arith.constant 0 : i32
      %dma_start3A_79 = arith.constant 0 : i32
      %dma_start3A_80 = tpu.memref_slice %arg9[%run_scoped3A_15, %dma_start3A_78, %dma_start3A_79] : memref<2x128x128xf32, #tpu.memory_space<vmem>> -> memref<1x128x128xf32, #tpu.memory_space<vmem>>
      %dma_start3A_81 = tpu.memref_squeeze %dma_start3A_80 : memref<1x128x128xf32, #tpu.memory_space<vmem>> -> memref<128x128xf32, #tpu.memory_space<vmem>>
      tpu.enqueue_dma source(%dma_start3A_81 : memref<128x128xf32, #tpu.memory_space<vmem>>) target(%dma_start3A_77 : memref<128x128xf32, #tpu.memory_space<vmem_shared>>) target_semaphore(%run_scoped3A_69 : memref<!tpu.dma_semaphore, #tpu.memory_space<semaphore_mem>>)
      %dma_wait3A = arith.constant 0 : i32
      %dma_wait3A_82 = arith.constant 0 : i32
      %dma_wait3A_83 = tpu.memref_slice %arg9[%run_scoped3A_15, %dma_wait3A, %dma_wait3A_82] : memref<2x128x128xf32, #tpu.memory_space<vmem>> -> memref<1x128x128xf32, #tpu.memory_space<vmem>>
      %dma_wait3A_84 = tpu.memref_squeeze %dma_wait3A_83 : memref<1x128x128xf32, #tpu.memory_space<vmem>> -> memref<128x128xf32, #tpu.memory_space<vmem>>
      %dma_wait3A_85 = arith.constant 0 : i32
      %dma_wait3A_86 = tpu.memref_slice %arg10[%add3A_14, %dma_wait3A_85] : memref<10240x128xf32, #tpu.memory_space<vmem_shared>> -> memref<128x128xf32, #tpu.memory_space<vmem_shared>>
      %dma_wait3A_87 = arith.constant 0 : i32
      %dma_wait3A_88 = tpu.memref_slice %arg10[%add3A_14, %dma_wait3A_87] : memref<10240x128xf32, #tpu.memory_space<vmem_shared>> -> memref<128x128xf32, #tpu.memory_space<vmem_shared>>
      %dma_wait3A_89 = arith.constant 0 : i32
      %dma_wait3A_90 = arith.constant 0 : i32
      %dma_wait3A_91 = tpu.memref_slice %arg9[%run_scoped3A_15, %dma_wait3A_89, %dma_wait3A_90] : memref<2x128x128xf32, #tpu.memory_space<vmem>> -> memref<1x128x128xf32, #tpu.memory_space<vmem>>
      %dma_wait3A_92 = tpu.memref_squeeze %dma_wait3A_91 : memref<1x128x128xf32, #tpu.memory_space<vmem>> -> memref<128x128xf32, #tpu.memory_space<vmem>>
      tpu.wait_dma2 semaphore(%run_scoped3A_69 : memref<!tpu.dma_semaphore, #tpu.memory_space<semaphore_mem>>) src(%dma_wait3A_92 : memref<128x128xf32, #tpu.memory_space<vmem>>) dst(%dma_wait3A_88 : memref<128x128xf32, #tpu.memory_space<vmem_shared>>)
      tpu.yield
    }) : () -> ()
    %mul3A_16 = arith.constant 640 : i32
    %mul3A_17 = arith.muli %arg1, %mul3A_16 : i32
    %add3A_18 = arith.constant 384 : i32
    %add3A_19 = arith.addi %mul3A_17, %add3A_18 : i32
    %run_scoped3A_20 = arith.constant 0 : i32
    "tpu.region"() ({
      %run_scoped3A_69 = tpu.sem_alloc : memref<!tpu.dma_semaphore, #tpu.memory_space<semaphore_mem>>
      %dma_start3A_70 = arith.constant 0 : i32
      %dma_start3A_71 = arith.constant 0 : i32
      %dma_start3A_72 = tpu.memref_slice %arg9[%run_scoped3A_20, %dma_start3A_70, %dma_start3A_71] : memref<2x128x128xf32, #tpu.memory_space<vmem>> -> memref<1x128x128xf32, #tpu.memory_space<vmem>>
      %dma_start3A_73 = tpu.memref_squeeze %dma_start3A_72 : memref<1x128x128xf32, #tpu.memory_space<vmem>> -> memref<128x128xf32, #tpu.memory_space<vmem>>
      %dma_start3A_74 = arith.constant 0 : i32
      %dma_start3A_75 = tpu.memref_slice %arg10[%add3A_19, %dma_start3A_74] : memref<10240x128xf32, #tpu.memory_space<vmem_shared>> -> memref<128x128xf32, #tpu.memory_space<vmem_shared>>
      %dma_start3A_76 = arith.constant 0 : i32
      %dma_start3A_77 = tpu.memref_slice %arg10[%add3A_19, %dma_start3A_76] : memref<10240x128xf32, #tpu.memory_space<vmem_shared>> -> memref<128x128xf32, #tpu.memory_space<vmem_shared>>
      %dma_start3A_78 = arith.constant 0 : i32
      %dma_start3A_79 = arith.constant 0 : i32
      %dma_start3A_80 = tpu.memref_slice %arg9[%run_scoped3A_20, %dma_start3A_78, %dma_start3A_79] : memref<2x128x128xf32, #tpu.memory_space<vmem>> -> memref<1x128x128xf32, #tpu.memory_space<vmem>>
      %dma_start3A_81 = tpu.memref_squeeze %dma_start3A_80 : memref<1x128x128xf32, #tpu.memory_space<vmem>> -> memref<128x128xf32, #tpu.memory_space<vmem>>
      tpu.enqueue_dma source(%dma_start3A_81 : memref<128x128xf32, #tpu.memory_space<vmem>>) target(%dma_start3A_77 : memref<128x128xf32, #tpu.memory_space<vmem_shared>>) target_semaphore(%run_scoped3A_69 : memref<!tpu.dma_semaphore, #tpu.memory_space<semaphore_mem>>)
      %dma_wait3A = arith.constant 0 : i32
      %dma_wait3A_82 = arith.constant 0 : i32
      %dma_wait3A_83 = tpu.memref_slice %arg9[%run_scoped3A_20, %dma_wait3A, %dma_wait3A_82] : memref<2x128x128xf32, #tpu.memory_space<vmem>> -> memref<1x128x128xf32, #tpu.memory_space<vmem>>
      %dma_wait3A_84 = tpu.memref_squeeze %dma_wait3A_83 : memref<1x128x128xf32, #tpu.memory_space<vmem>> -> memref<128x128xf32, #tpu.memory_space<vmem>>
      %dma_wait3A_85 = arith.constant 0 : i32
      %dma_wait3A_86 = tpu.memref_slice %arg10[%add3A_19, %dma_wait3A_85] : memref<10240x128xf32, #tpu.memory_space<vmem_shared>> -> memref<128x128xf32, #tpu.memory_space<vmem_shared>>
      %dma_wait3A_87 = arith.constant 0 : i32
      %dma_wait3A_88 = tpu.memref_slice %arg10[%add3A_19, %dma_wait3A_87] : memref<10240x128xf32, #tpu.memory_space<vmem_shared>> -> memref<128x128xf32, #tpu.memory_space<vmem_shared>>
      %dma_wait3A_89 = arith.constant 0 : i32
      %dma_wait3A_90 = arith.constant 0 : i32
      %dma_wait3A_91 = tpu.memref_slice %arg9[%run_scoped3A_20, %dma_wait3A_89, %dma_wait3A_90] : memref<2x128x128xf32, #tpu.memory_space<vmem>> -> memref<1x128x128xf32, #tpu.memory_space<vmem>>
      %dma_wait3A_92 = tpu.memref_squeeze %dma_wait3A_91 : memref<1x128x128xf32, #tpu.memory_space<vmem>> -> memref<128x128xf32, #tpu.memory_space<vmem>>
      tpu.wait_dma2 semaphore(%run_scoped3A_69 : memref<!tpu.dma_semaphore, #tpu.memory_space<semaphore_mem>>) src(%dma_wait3A_92 : memref<128x128xf32, #tpu.memory_space<vmem>>) dst(%dma_wait3A_88 : memref<128x128xf32, #tpu.memory_space<vmem_shared>>)
      tpu.yield
    }) : () -> ()
    %mul3A_21 = arith.constant 640 : i32
    %mul3A_22 = arith.muli %arg1, %mul3A_21 : i32
    %add3A_23 = arith.constant 512 : i32
    %add3A_24 = arith.addi %mul3A_22, %add3A_23 : i32
    %run_scoped3A_25 = arith.constant 0 : i32
    "tpu.region"() ({
      %run_scoped3A_69 = tpu.sem_alloc : memref<!tpu.dma_semaphore, #tpu.memory_space<semaphore_mem>>
      %dma_start3A_70 = arith.constant 0 : i32
      %dma_start3A_71 = arith.constant 0 : i32
      %dma_start3A_72 = tpu.memref_slice %arg9[%run_scoped3A_25, %dma_start3A_70, %dma_start3A_71] : memref<2x128x128xf32, #tpu.memory_space<vmem>> -> memref<1x128x128xf32, #tpu.memory_space<vmem>>
      %dma_start3A_73 = tpu.memref_squeeze %dma_start3A_72 : memref<1x128x128xf32, #tpu.memory_space<vmem>> -> memref<128x128xf32, #tpu.memory_space<vmem>>
      %dma_start3A_74 = arith.constant 0 : i32
      %dma_start3A_75 = tpu.memref_slice %arg10[%add3A_24, %dma_start3A_74] : memref<10240x128xf32, #tpu.memory_space<vmem_shared>> -> memref<128x128xf32, #tpu.memory_space<vmem_shared>>
      %dma_start3A_76 = arith.constant 0 : i32
      %dma_start3A_77 = tpu.memref_slice %arg10[%add3A_24, %dma_start3A_76] : memref<10240x128xf32, #tpu.memory_space<vmem_shared>> -> memref<128x128xf32, #tpu.memory_space<vmem_shared>>
      %dma_start3A_78 = arith.constant 0 : i32
      %dma_start3A_79 = arith.constant 0 : i32
      %dma_start3A_80 = tpu.memref_slice %arg9[%run_scoped3A_25, %dma_start3A_78, %dma_start3A_79] : memref<2x128x128xf32, #tpu.memory_space<vmem>> -> memref<1x128x128xf32, #tpu.memory_space<vmem>>
      %dma_start3A_81 = tpu.memref_squeeze %dma_start3A_80 : memref<1x128x128xf32, #tpu.memory_space<vmem>> -> memref<128x128xf32, #tpu.memory_space<vmem>>
      tpu.enqueue_dma source(%dma_start3A_81 : memref<128x128xf32, #tpu.memory_space<vmem>>) target(%dma_start3A_77 : memref<128x128xf32, #tpu.memory_space<vmem_shared>>) target_semaphore(%run_scoped3A_69 : memref<!tpu.dma_semaphore, #tpu.memory_space<semaphore_mem>>)
      %dma_wait3A = arith.constant 0 : i32
      %dma_wait3A_82 = arith.constant 0 : i32
      %dma_wait3A_83 = tpu.memref_slice %arg9[%run_scoped3A_25, %dma_wait3A, %dma_wait3A_82] : memref<2x128x128xf32, #tpu.memory_space<vmem>> -> memref<1x128x128xf32, #tpu.memory_space<vmem>>
      %dma_wait3A_84 = tpu.memref_squeeze %dma_wait3A_83 : memref<1x128x128xf32, #tpu.memory_space<vmem>> -> memref<128x128xf32, #tpu.memory_space<vmem>>
      %dma_wait3A_85 = arith.constant 0 : i32
      %dma_wait3A_86 = tpu.memref_slice %arg10[%add3A_24, %dma_wait3A_85] : memref<10240x128xf32, #tpu.memory_space<vmem_shared>> -> memref<128x128xf32, #tpu.memory_space<vmem_shared>>
      %dma_wait3A_87 = arith.constant 0 : i32
      %dma_wait3A_88 = tpu.memref_slice %arg10[%add3A_24, %dma_wait3A_87] : memref<10240x128xf32, #tpu.memory_space<vmem_shared>> -> memref<128x128xf32, #tpu.memory_space<vmem_shared>>
      %dma_wait3A_89 = arith.constant 0 : i32
      %dma_wait3A_90 = arith.constant 0 : i32
      %dma_wait3A_91 = tpu.memref_slice %arg9[%run_scoped3A_25, %dma_wait3A_89, %dma_wait3A_90] : memref<2x128x128xf32, #tpu.memory_space<vmem>> -> memref<1x128x128xf32, #tpu.memory_space<vmem>>
      %dma_wait3A_92 = tpu.memref_squeeze %dma_wait3A_91 : memref<1x128x128xf32, #tpu.memory_space<vmem>> -> memref<128x128xf32, #tpu.memory_space<vmem>>
      tpu.wait_dma2 semaphore(%run_scoped3A_69 : memref<!tpu.dma_semaphore, #tpu.memory_space<semaphore_mem>>) src(%dma_wait3A_92 : memref<128x128xf32, #tpu.memory_space<vmem>>) dst(%dma_wait3A_88 : memref<128x128xf32, #tpu.memory_space<vmem_shared>>)
      tpu.yield
    }) : () -> ()
    %barrier3A = arith.constant 0 : index
    tpu.barrier barrier_id(%barrier3A)
    "tpu.region"() ({
      %run_scoped3A_69 = tpu.sem_alloc : memref<!tpu.dma_semaphore, #tpu.memory_space<semaphore_mem>>
      %dma_start3A_70 = arith.constant 0 : i32
      %dma_start3A_71 = arith.constant 0 : i32
      %dma_start3A_72 = tpu.memref_slice %arg2[%add3A, %dma_start3A_70, %dma_start3A_71] : memref<32x80x128xi32, #tpu.memory_space<hbm>> -> memref<1x40x128xi32, #tpu.memory_space<hbm>>
      %dma_start3A_73 = tpu.memref_squeeze %dma_start3A_72 : memref<1x40x128xi32, #tpu.memory_space<hbm>> -> memref<40x128xi32, #tpu.memory_space<hbm>>
      %dma_start3A_74 = arith.constant 0 : i32
      %dma_start3A_75 = arith.constant 0 : i32
      %dma_start3A_76 = tpu.memref_slice %arg2[%add3A, %dma_start3A_74, %dma_start3A_75] : memref<32x80x128xi32, #tpu.memory_space<hbm>> -> memref<1x40x128xi32, #tpu.memory_space<hbm>>
      %dma_start3A_77 = tpu.memref_squeeze %dma_start3A_76 : memref<1x40x128xi32, #tpu.memory_space<hbm>> -> memref<40x128xi32, #tpu.memory_space<hbm>>
      tpu.enqueue_dma source(%dma_start3A_77 : memref<40x128xi32, #tpu.memory_space<hbm>>) target(%arg7 : memref<40x128xi32, #tpu.memory_space<vmem>>) target_semaphore(%run_scoped3A_69 : memref<!tpu.dma_semaphore, #tpu.memory_space<semaphore_mem>>)
      %dma_wait3A = arith.constant 0 : i32
      %dma_wait3A_78 = arith.constant 0 : i32
      %dma_wait3A_79 = tpu.memref_slice %arg2[%add3A, %dma_wait3A, %dma_wait3A_78] : memref<32x80x128xi32, #tpu.memory_space<hbm>> -> memref<1x40x128xi32, #tpu.memory_space<hbm>>
      %dma_wait3A_80 = tpu.memref_squeeze %dma_wait3A_79 : memref<1x40x128xi32, #tpu.memory_space<hbm>> -> memref<40x128xi32, #tpu.memory_space<hbm>>
      %dma_wait3A_81 = arith.constant 0 : i32
      %dma_wait3A_82 = arith.constant 0 : i32
      %dma_wait3A_83 = tpu.memref_slice %arg2[%add3A, %dma_wait3A_81, %dma_wait3A_82] : memref<32x80x128xi32, #tpu.memory_space<hbm>> -> memref<1x40x128xi32, #tpu.memory_space<hbm>>
      %dma_wait3A_84 = tpu.memref_squeeze %dma_wait3A_83 : memref<1x40x128xi32, #tpu.memory_space<hbm>> -> memref<40x128xi32, #tpu.memory_space<hbm>>
      tpu.wait_dma2 semaphore(%run_scoped3A_69 : memref<!tpu.dma_semaphore, #tpu.memory_space<semaphore_mem>>) src(%dma_wait3A_84 : memref<40x128xi32, #tpu.memory_space<hbm>>) dst(%arg7 : memref<40x128xi32, #tpu.memory_space<vmem>>)
      tpu.yield
    }) : () -> ()
    "tpu.region"() ({
      %run_scoped3A_69 = tpu.sem_alloc : memref<!tpu.dma_semaphore, #tpu.memory_space<semaphore_mem>>
      %dma_start3A_70 = arith.constant 0 : i32
      %dma_start3A_71 = arith.constant 0 : i32
      %dma_start3A_72 = tpu.memref_slice %arg3[%add3A, %dma_start3A_70, %dma_start3A_71] : memref<32x80x128xi32, #tpu.memory_space<hbm>> -> memref<1x40x128xi32, #tpu.memory_space<hbm>>
      %dma_start3A_73 = tpu.memref_squeeze %dma_start3A_72 : memref<1x40x128xi32, #tpu.memory_space<hbm>> -> memref<40x128xi32, #tpu.memory_space<hbm>>
      %dma_start3A_74 = arith.constant 0 : i32
      %dma_start3A_75 = arith.constant 0 : i32
      %dma_start3A_76 = tpu.memref_slice %arg3[%add3A, %dma_start3A_74, %dma_start3A_75] : memref<32x80x128xi32, #tpu.memory_space<hbm>> -> memref<1x40x128xi32, #tpu.memory_space<hbm>>
      %dma_start3A_77 = tpu.memref_squeeze %dma_start3A_76 : memref<1x40x128xi32, #tpu.memory_space<hbm>> -> memref<40x128xi32, #tpu.memory_space<hbm>>
      tpu.enqueue_dma source(%dma_start3A_77 : memref<40x128xi32, #tpu.memory_space<hbm>>) target(%arg8 : memref<40x128xi32, #tpu.memory_space<vmem>>) target_semaphore(%run_scoped3A_69 : memref<!tpu.dma_semaphore, #tpu.memory_space<semaphore_mem>>)
      %dma_wait3A = arith.constant 0 : i32
      %dma_wait3A_78 = arith.constant 0 : i32
      %dma_wait3A_79 = tpu.memref_slice %arg3[%add3A, %dma_wait3A, %dma_wait3A_78] : memref<32x80x128xi32, #tpu.memory_space<hbm>> -> memref<1x40x128xi32, #tpu.memory_space<hbm>>
      %dma_wait3A_80 = tpu.memref_squeeze %dma_wait3A_79 : memref<1x40x128xi32, #tpu.memory_space<hbm>> -> memref<40x128xi32, #tpu.memory_space<hbm>>
      %dma_wait3A_81 = arith.constant 0 : i32
      %dma_wait3A_82 = arith.constant 0 : i32
      %dma_wait3A_83 = tpu.memref_slice %arg3[%add3A, %dma_wait3A_81, %dma_wait3A_82] : memref<32x80x128xi32, #tpu.memory_space<hbm>> -> memref<1x40x128xi32, #tpu.memory_space<hbm>>
      %dma_wait3A_84 = tpu.memref_squeeze %dma_wait3A_83 : memref<1x40x128xi32, #tpu.memory_space<hbm>> -> memref<40x128xi32, #tpu.memory_space<hbm>>
      tpu.wait_dma2 semaphore(%run_scoped3A_69 : memref<!tpu.dma_semaphore, #tpu.memory_space<semaphore_mem>>) src(%dma_wait3A_84 : memref<40x128xi32, #tpu.memory_space<hbm>>) dst(%arg8 : memref<40x128xi32, #tpu.memory_space<vmem>>)
      tpu.yield
    }) : () -> ()
    %dma_start3A = arith.constant 0 : i32
    %dma_start3A_26 = arith.constant 0 : i32
    %dma_start3A_27 = arith.constant 0 : i32
    %dma_start3A_28 = arith.constant 0 : i32
    %dma_start3A_29 = arith.constant 0 : i32
    %dma_start3A_30 = tpu.memref_slice %arg9[%dma_start3A_26, %dma_start3A_28, %dma_start3A_29] : memref<2x128x128xf32, #tpu.memory_space<vmem>> -> memref<1x128x128xf32, #tpu.memory_space<vmem>>
    %dma_start3A_31 = tpu.memref_squeeze %dma_start3A_30 : memref<1x128x128xf32, #tpu.memory_space<vmem>> -> memref<128x128xf32, #tpu.memory_space<vmem>>
    %dma_start3A_32 = arith.constant 0 : i32
    %dma_start3A_33 = tpu.memref_slice %arg7[%dma_start3A, %dma_start3A_32] : memref<40x128xi32, #tpu.memory_space<vmem>> -> memref<1x128xi32, #tpu.memory_space<vmem>>
    %dma_start3A_34 = tpu.memref_squeeze %dma_start3A_33 : memref<1x128xi32, #tpu.memory_space<vmem>> -> memref<128xi32, #tpu.memory_space<vmem>>
    %dma_start3A_35 = arith.constant 0 : i32
    %dma_start3A_36 = arith.constant 0 : i32
    %dma_start3A_37 = tpu.memref_slice %arg4[%dma_start3A_35, %dma_start3A_36] : memref<10240x128xf32, #tpu.memory_space<hbm>> -> memref<10240x128xf32, #tpu.memory_space<hbm>>
    %dma_start3A_38 = tpu.memref_slice %arg11[%dma_start3A_27] : memref<2x!tpu.dma_semaphore, #tpu.memory_space<semaphore_mem>> -> memref<1x!tpu.dma_semaphore, #tpu.memory_space<semaphore_mem>>
    %dma_start3A_39 = tpu.memref_squeeze %dma_start3A_38 : memref<1x!tpu.dma_semaphore, #tpu.memory_space<semaphore_mem>> -> memref<!tpu.dma_semaphore, #tpu.memory_space<semaphore_mem>>
    tpu.enqueue_indirect_dma source(%dma_start3A_37 : memref<10240x128xf32, #tpu.memory_space<hbm>>) target(%dma_start3A_31 : memref<128x128xf32, #tpu.memory_space<vmem>>) offsets(%dma_start3A_34 : memref<128xi32, #tpu.memory_space<vmem>>) semaphore(%dma_start3A_39 : memref<!tpu.dma_semaphore, #tpu.memory_space<semaphore_mem>>)
    %scan3A = arith.constant 0 : i32
    %scan3A_40 = arith.constant 20 : i32
    %scan3A_41 = arith.addi %scan3A, %scan3A_40 : i32
    %scan3A_42 = arith.constant 1 : i32
    scf.for %scan3A_69 = %scan3A to %scan3A_41 step %scan3A_42  : i32 {
      %mul3A_70 = arith.constant 2 : i32
      %mul3A_71 = arith.muli %scan3A_69, %mul3A_70 : i32
      %add3A_72 = arith.constant 0 : i32
      %add3A_73 = arith.addi %add3A_72, %mul3A_71 : i32
      %add3A_74 = arith.constant 0 : i32
      %add3A_75 = arith.addi %add3A_73, %add3A_74 : i32
      %dma_wait3A = arith.constant 0 : i32
      %dma_wait3A_76 = arith.constant 0 : i32
      %dma_wait3A_77 = arith.constant 0 : i32
      %dma_wait3A_78 = arith.constant 0 : i32
      %dma_wait3A_79 = tpu.memref_slice %arg9[%dma_wait3A, %dma_wait3A_77, %dma_wait3A_78] : memref<2x128x128xf32, #tpu.memory_space<vmem>> -> memref<1x128x128xf32, #tpu.memory_space<vmem>>
      %dma_wait3A_80 = tpu.memref_squeeze %dma_wait3A_79 : memref<1x128x128xf32, #tpu.memory_space<vmem>> -> memref<128x128xf32, #tpu.memory_space<vmem>>
      %dma_wait3A_81 = arith.constant 0 : i32
      %dma_wait3A_82 = tpu.memref_slice %arg7[%add3A_75, %dma_wait3A_81] : memref<40x128xi32, #tpu.memory_space<vmem>> -> memref<1x128xi32, #tpu.memory_space<vmem>>
      %dma_wait3A_83 = tpu.memref_squeeze %dma_wait3A_82 : memref<1x128xi32, #tpu.memory_space<vmem>> -> memref<128xi32, #tpu.memory_space<vmem>>
      %dma_wait3A_84 = arith.constant 0 : i32
      %dma_wait3A_85 = arith.constant 0 : i32
      %dma_wait3A_86 = tpu.memref_slice %arg4[%dma_wait3A_84, %dma_wait3A_85] : memref<10240x128xf32, #tpu.memory_space<hbm>> -> memref<10240x128xf32, #tpu.memory_space<hbm>>
      %dma_wait3A_87 = tpu.memref_slice %arg11[%dma_wait3A_76] : memref<2x!tpu.dma_semaphore, #tpu.memory_space<semaphore_mem>> -> memref<1x!tpu.dma_semaphore, #tpu.memory_space<semaphore_mem>>
      %dma_wait3A_88 = tpu.memref_squeeze %dma_wait3A_87 : memref<1x!tpu.dma_semaphore, #tpu.memory_space<semaphore_mem>> -> memref<!tpu.dma_semaphore, #tpu.memory_space<semaphore_mem>>
      tpu.wait_indirect_dma semaphore(%dma_wait3A_88 : memref<!tpu.dma_semaphore, #tpu.memory_space<semaphore_mem>>) src(%dma_wait3A_86 : memref<10240x128xf32, #tpu.memory_space<hbm>>) dst(%dma_wait3A_80 : memref<128x128xf32, #tpu.memory_space<vmem>>)
      %add3A_89 = arith.constant 1 : i32
      %add3A_90 = arith.addi %add3A_75, %add3A_89 : i32
      %lt3A = arith.constant 40 : i32
      %lt3A_91 = arith.cmpi slt, %add3A_90, %lt3A : i32
      %convert_element_type3A = arith.extui %lt3A_91 : i1 to i32
      %cond3A = arith.constant 0 : i32
      %cond3A_92 = arith.cmpi ne, %convert_element_type3A, %cond3A : i32
      scf.if %cond3A_92 {
        %add3A_118 = arith.constant 1 : i32
        %add3A_119 = arith.addi %add3A_75, %add3A_118 : i32
        %dma_start3A_120 = arith.constant 1 : i32
        %dma_start3A_121 = arith.constant 1 : i32
        %dma_start3A_122 = arith.constant 0 : i32
        %dma_start3A_123 = arith.constant 0 : i32
        %dma_start3A_124 = tpu.memref_slice %arg9[%dma_start3A_120, %dma_start3A_122, %dma_start3A_123] : memref<2x128x128xf32, #tpu.memory_space<vmem>> -> memref<1x128x128xf32, #tpu.memory_space<vmem>>
        %dma_start3A_125 = tpu.memref_squeeze %dma_start3A_124 : memref<1x128x128xf32, #tpu.memory_space<vmem>> -> memref<128x128xf32, #tpu.memory_space<vmem>>
        %dma_start3A_126 = arith.constant 0 : i32
        %dma_start3A_127 = tpu.memref_slice %arg7[%add3A_119, %dma_start3A_126] : memref<40x128xi32, #tpu.memory_space<vmem>> -> memref<1x128xi32, #tpu.memory_space<vmem>>
        %dma_start3A_128 = tpu.memref_squeeze %dma_start3A_127 : memref<1x128xi32, #tpu.memory_space<vmem>> -> memref<128xi32, #tpu.memory_space<vmem>>
        %dma_start3A_129 = arith.constant 0 : i32
        %dma_start3A_130 = arith.constant 0 : i32
        %dma_start3A_131 = tpu.memref_slice %arg4[%dma_start3A_129, %dma_start3A_130] : memref<10240x128xf32, #tpu.memory_space<hbm>> -> memref<10240x128xf32, #tpu.memory_space<hbm>>
        %dma_start3A_132 = tpu.memref_slice %arg11[%dma_start3A_121] : memref<2x!tpu.dma_semaphore, #tpu.memory_space<semaphore_mem>> -> memref<1x!tpu.dma_semaphore, #tpu.memory_space<semaphore_mem>>
        %dma_start3A_133 = tpu.memref_squeeze %dma_start3A_132 : memref<1x!tpu.dma_semaphore, #tpu.memory_space<semaphore_mem>> -> memref<!tpu.dma_semaphore, #tpu.memory_space<semaphore_mem>>
        tpu.enqueue_indirect_dma source(%dma_start3A_131 : memref<10240x128xf32, #tpu.memory_space<hbm>>) target(%dma_start3A_125 : memref<128x128xf32, #tpu.memory_space<vmem>>) offsets(%dma_start3A_128 : memref<128xi32, #tpu.memory_space<vmem>>) semaphore(%dma_start3A_133 : memref<!tpu.dma_semaphore, #tpu.memory_space<semaphore_mem>>)
      } else {
      }
      %run_scoped3A_93 = arith.constant 0 : i32
      "tpu.region"() ({
        %run_scoped3A_118 = tpu.sem_alloc : memref<!tpu.dma_semaphore, #tpu.memory_space<semaphore_mem>>
        %dma_start3A_119 = arith.constant 0 : i32
        %dma_start3A_120 = arith.constant 0 : i32
        %dma_start3A_121 = tpu.memref_slice %arg9[%run_scoped3A_93, %dma_start3A_119, %dma_start3A_120] : memref<2x128x128xf32, #tpu.memory_space<vmem>> -> memref<1x128x128xf32, #tpu.memory_space<vmem>>
        %dma_start3A_122 = tpu.memref_squeeze %dma_start3A_121 : memref<1x128x128xf32, #tpu.memory_space<vmem>> -> memref<128x128xf32, #tpu.memory_space<vmem>>
        %dma_start3A_123 = arith.constant 0 : i32
        %dma_start3A_124 = tpu.memref_slice %arg8[%add3A_75, %dma_start3A_123] : memref<40x128xi32, #tpu.memory_space<vmem>> -> memref<1x128xi32, #tpu.memory_space<vmem>>
        %dma_start3A_125 = tpu.memref_squeeze %dma_start3A_124 : memref<1x128xi32, #tpu.memory_space<vmem>> -> memref<128xi32, #tpu.memory_space<vmem>>
        %dma_start3A_126 = arith.constant 0 : i32
        %dma_start3A_127 = arith.constant 0 : i32
        %dma_start3A_128 = tpu.memref_slice %arg10[%dma_start3A_126, %dma_start3A_127] : memref<10240x128xf32, #tpu.memory_space<vmem_shared>> -> memref<10240x128xf32, #tpu.memory_space<vmem_shared>>
        tpu.enqueue_indirect_dma source(%dma_start3A_122 : memref<128x128xf32, #tpu.memory_space<vmem>>) target(%dma_start3A_128 : memref<10240x128xf32, #tpu.memory_space<vmem_shared>>) offsets(%dma_start3A_125 : memref<128xi32, #tpu.memory_space<vmem>>) semaphore(%run_scoped3A_118 : memref<!tpu.dma_semaphore, #tpu.memory_space<semaphore_mem>>) {add = true}
        %dma_wait3A_129 = arith.constant 0 : i32
        %dma_wait3A_130 = arith.constant 0 : i32
        %dma_wait3A_131 = tpu.memref_slice %arg9[%run_scoped3A_93, %dma_wait3A_129, %dma_wait3A_130] : memref<2x128x128xf32, #tpu.memory_space<vmem>> -> memref<1x128x128xf32, #tpu.memory_space<vmem>>
        %dma_wait3A_132 = tpu.memref_squeeze %dma_wait3A_131 : memref<1x128x128xf32, #tpu.memory_space<vmem>> -> memref<128x128xf32, #tpu.memory_space<vmem>>
        %dma_wait3A_133 = arith.constant 0 : i32
        %dma_wait3A_134 = tpu.memref_slice %arg8[%add3A_75, %dma_wait3A_133] : memref<40x128xi32, #tpu.memory_space<vmem>> -> memref<1x128xi32, #tpu.memory_space<vmem>>
        %dma_wait3A_135 = tpu.memref_squeeze %dma_wait3A_134 : memref<1x128xi32, #tpu.memory_space<vmem>> -> memref<128xi32, #tpu.memory_space<vmem>>
        %dma_wait3A_136 = arith.constant 0 : i32
        %dma_wait3A_137 = arith.constant 0 : i32
        %dma_wait3A_138 = tpu.memref_slice %arg10[%dma_wait3A_136, %dma_wait3A_137] : memref<10240x128xf32, #tpu.memory_space<vmem_shared>> -> memref<10240x128xf32, #tpu.memory_space<vmem_shared>>
        tpu.wait_indirect_dma semaphore(%run_scoped3A_118 : memref<!tpu.dma_semaphore, #tpu.memory_space<semaphore_mem>>) src(%dma_wait3A_132 : memref<128x128xf32, #tpu.memory_space<vmem>>) dst(%dma_wait3A_138 : memref<10240x128xf32, #tpu.memory_space<vmem_shared>>)
        tpu.yield
      }) : () -> ()
      %add3A_94 = arith.constant 1 : i32
      %add3A_95 = arith.addi %add3A_73, %add3A_94 : i32
      %dma_wait3A_96 = arith.constant 1 : i32
      %dma_wait3A_97 = arith.constant 1 : i32
      %dma_wait3A_98 = arith.constant 0 : i32
      %dma_wait3A_99 = arith.constant 0 : i32
      %dma_wait3A_100 = tpu.memref_slice %arg9[%dma_wait3A_96, %dma_wait3A_98, %dma_wait3A_99] : memref<2x128x128xf32, #tpu.memory_space<vmem>> -> memref<1x128x128xf32, #tpu.memory_space<vmem>>
      %dma_wait3A_101 = tpu.memref_squeeze %dma_wait3A_100 : memref<1x128x128xf32, #tpu.memory_space<vmem>> -> memref<128x128xf32, #tpu.memory_space<vmem>>
      %dma_wait3A_102 = arith.constant 0 : i32
      %dma_wait3A_103 = tpu.memref_slice %arg7[%add3A_95, %dma_wait3A_102] : memref<40x128xi32, #tpu.memory_space<vmem>> -> memref<1x128xi32, #tpu.memory_space<vmem>>
      %dma_wait3A_104 = tpu.memref_squeeze %dma_wait3A_103 : memref<1x128xi32, #tpu.memory_space<vmem>> -> memref<128xi32, #tpu.memory_space<vmem>>
      %dma_wait3A_105 = arith.constant 0 : i32
      %dma_wait3A_106 = arith.constant 0 : i32
      %dma_wait3A_107 = tpu.memref_slice %arg4[%dma_wait3A_105, %dma_wait3A_106] : memref<10240x128xf32, #tpu.memory_space<hbm>> -> memref<10240x128xf32, #tpu.memory_space<hbm>>
      %dma_wait3A_108 = tpu.memref_slice %arg11[%dma_wait3A_97] : memref<2x!tpu.dma_semaphore, #tpu.memory_space<semaphore_mem>> -> memref<1x!tpu.dma_semaphore, #tpu.memory_space<semaphore_mem>>
      %dma_wait3A_109 = tpu.memref_squeeze %dma_wait3A_108 : memref<1x!tpu.dma_semaphore, #tpu.memory_space<semaphore_mem>> -> memref<!tpu.dma_semaphore, #tpu.memory_space<semaphore_mem>>
      tpu.wait_indirect_dma semaphore(%dma_wait3A_109 : memref<!tpu.dma_semaphore, #tpu.memory_space<semaphore_mem>>) src(%dma_wait3A_107 : memref<10240x128xf32, #tpu.memory_space<hbm>>) dst(%dma_wait3A_101 : memref<128x128xf32, #tpu.memory_space<vmem>>)
      %add3A_110 = arith.constant 1 : i32
      %add3A_111 = arith.addi %add3A_95, %add3A_110 : i32
      %lt3A_112 = arith.constant 40 : i32
      %lt3A_113 = arith.cmpi slt, %add3A_111, %lt3A_112 : i32
      %convert_element_type3A_114 = arith.extui %lt3A_113 : i1 to i32
      %cond3A_115 = arith.constant 0 : i32
      %cond3A_116 = arith.cmpi ne, %convert_element_type3A_114, %cond3A_115 : i32
      scf.if %cond3A_116 {
        %add3A_118 = arith.constant 1 : i32
        %add3A_119 = arith.addi %add3A_95, %add3A_118 : i32
        %dma_start3A_120 = arith.constant 0 : i32
        %dma_start3A_121 = arith.constant 0 : i32
        %dma_start3A_122 = arith.constant 0 : i32
        %dma_start3A_123 = arith.constant 0 : i32
        %dma_start3A_124 = tpu.memref_slice %arg9[%dma_start3A_120, %dma_start3A_122, %dma_start3A_123] : memref<2x128x128xf32, #tpu.memory_space<vmem>> -> memref<1x128x128xf32, #tpu.memory_space<vmem>>
        %dma_start3A_125 = tpu.memref_squeeze %dma_start3A_124 : memref<1x128x128xf32, #tpu.memory_space<vmem>> -> memref<128x128xf32, #tpu.memory_space<vmem>>
        %dma_start3A_126 = arith.constant 0 : i32
        %dma_start3A_127 = tpu.memref_slice %arg7[%add3A_119, %dma_start3A_126] : memref<40x128xi32, #tpu.memory_space<vmem>> -> memref<1x128xi32, #tpu.memory_space<vmem>>
        %dma_start3A_128 = tpu.memref_squeeze %dma_start3A_127 : memref<1x128xi32, #tpu.memory_space<vmem>> -> memref<128xi32, #tpu.memory_space<vmem>>
        %dma_start3A_129 = arith.constant 0 : i32
        %dma_start3A_130 = arith.constant 0 : i32
        %dma_start3A_131 = tpu.memref_slice %arg4[%dma_start3A_129, %dma_start3A_130] : memref<10240x128xf32, #tpu.memory_space<hbm>> -> memref<10240x128xf32, #tpu.memory_space<hbm>>
        %dma_start3A_132 = tpu.memref_slice %arg11[%dma_start3A_121] : memref<2x!tpu.dma_semaphore, #tpu.memory_space<semaphore_mem>> -> memref<1x!tpu.dma_semaphore, #tpu.memory_space<semaphore_mem>>
        %dma_start3A_133 = tpu.memref_squeeze %dma_start3A_132 : memref<1x!tpu.dma_semaphore, #tpu.memory_space<semaphore_mem>> -> memref<!tpu.dma_semaphore, #tpu.memory_space<semaphore_mem>>
        tpu.enqueue_indirect_dma source(%dma_start3A_131 : memref<10240x128xf32, #tpu.memory_space<hbm>>) target(%dma_start3A_125 : memref<128x128xf32, #tpu.memory_space<vmem>>) offsets(%dma_start3A_128 : memref<128xi32, #tpu.memory_space<vmem>>) semaphore(%dma_start3A_133 : memref<!tpu.dma_semaphore, #tpu.memory_space<semaphore_mem>>)
      } else {
      }
      %run_scoped3A_117 = arith.constant 1 : i32
      "tpu.region"() ({
        %run_scoped3A_118 = tpu.sem_alloc : memref<!tpu.dma_semaphore, #tpu.memory_space<semaphore_mem>>
        %dma_start3A_119 = arith.constant 0 : i32
        %dma_start3A_120 = arith.constant 0 : i32
        %dma_start3A_121 = tpu.memref_slice %arg9[%run_scoped3A_117, %dma_start3A_119, %dma_start3A_120] : memref<2x128x128xf32, #tpu.memory_space<vmem>> -> memref<1x128x128xf32, #tpu.memory_space<vmem>>
        %dma_start3A_122 = tpu.memref_squeeze %dma_start3A_121 : memref<1x128x128xf32, #tpu.memory_space<vmem>> -> memref<128x128xf32, #tpu.memory_space<vmem>>
        %dma_start3A_123 = arith.constant 0 : i32
        %dma_start3A_124 = tpu.memref_slice %arg8[%add3A_95, %dma_start3A_123] : memref<40x128xi32, #tpu.memory_space<vmem>> -> memref<1x128xi32, #tpu.memory_space<vmem>>
        %dma_start3A_125 = tpu.memref_squeeze %dma_start3A_124 : memref<1x128xi32, #tpu.memory_space<vmem>> -> memref<128xi32, #tpu.memory_space<vmem>>
        %dma_start3A_126 = arith.constant 0 : i32
        %dma_start3A_127 = arith.constant 0 : i32
        %dma_start3A_128 = tpu.memref_slice %arg10[%dma_start3A_126, %dma_start3A_127] : memref<10240x128xf32, #tpu.memory_space<vmem_shared>> -> memref<10240x128xf32, #tpu.memory_space<vmem_shared>>
        tpu.enqueue_indirect_dma source(%dma_start3A_122 : memref<128x128xf32, #tpu.memory_space<vmem>>) target(%dma_start3A_128 : memref<10240x128xf32, #tpu.memory_space<vmem_shared>>) offsets(%dma_start3A_125 : memref<128xi32, #tpu.memory_space<vmem>>) semaphore(%run_scoped3A_118 : memref<!tpu.dma_semaphore, #tpu.memory_space<semaphore_mem>>) {add = true}
        %dma_wait3A_129 = arith.constant 0 : i32
        %dma_wait3A_130 = arith.constant 0 : i32
        %dma_wait3A_131 = tpu.memref_slice %arg9[%run_scoped3A_117, %dma_wait3A_129, %dma_wait3A_130] : memref<2x128x128xf32, #tpu.memory_space<vmem>> -> memref<1x128x128xf32, #tpu.memory_space<vmem>>
        %dma_wait3A_132 = tpu.memref_squeeze %dma_wait3A_131 : memref<1x128x128xf32, #tpu.memory_space<vmem>> -> memref<128x128xf32, #tpu.memory_space<vmem>>
        %dma_wait3A_133 = arith.constant 0 : i32
        %dma_wait3A_134 = tpu.memref_slice %arg8[%add3A_95, %dma_wait3A_133] : memref<40x128xi32, #tpu.memory_space<vmem>> -> memref<1x128xi32, #tpu.memory_space<vmem>>
        %dma_wait3A_135 = tpu.memref_squeeze %dma_wait3A_134 : memref<1x128xi32, #tpu.memory_space<vmem>> -> memref<128xi32, #tpu.memory_space<vmem>>
        %dma_wait3A_136 = arith.constant 0 : i32
        %dma_wait3A_137 = arith.constant 0 : i32
        %dma_wait3A_138 = tpu.memref_slice %arg10[%dma_wait3A_136, %dma_wait3A_137] : memref<10240x128xf32, #tpu.memory_space<vmem_shared>> -> memref<10240x128xf32, #tpu.memory_space<vmem_shared>>
        tpu.wait_indirect_dma semaphore(%run_scoped3A_118 : memref<!tpu.dma_semaphore, #tpu.memory_space<semaphore_mem>>) src(%dma_wait3A_132 : memref<128x128xf32, #tpu.memory_space<vmem>>) dst(%dma_wait3A_138 : memref<10240x128xf32, #tpu.memory_space<vmem_shared>>)
        tpu.yield
      }) : () -> ()
    }
    %scan3A_43 = arith.constant 20 : i32
    "tpu.region"() ({
      %run_scoped3A_69 = tpu.sem_alloc : memref<!tpu.dma_semaphore, #tpu.memory_space<semaphore_mem>>
      %dma_start3A_70 = arith.constant 40 : i32
      %dma_start3A_71 = arith.constant 0 : i32
      %dma_start3A_72 = tpu.memref_slice %arg2[%add3A, %dma_start3A_70, %dma_start3A_71] : memref<32x80x128xi32, #tpu.memory_space<hbm>> -> memref<1x40x128xi32, #tpu.memory_space<hbm>>
      %dma_start3A_73 = tpu.memref_squeeze %dma_start3A_72 : memref<1x40x128xi32, #tpu.memory_space<hbm>> -> memref<40x128xi32, #tpu.memory_space<hbm>>
      %dma_start3A_74 = arith.constant 40 : i32
      %dma_start3A_75 = arith.constant 0 : i32
      %dma_start3A_76 = tpu.memref_slice %arg2[%add3A, %dma_start3A_74, %dma_start3A_75] : memref<32x80x128xi32, #tpu.memory_space<hbm>> -> memref<1x40x128xi32, #tpu.memory_space<hbm>>
      %dma_start3A_77 = tpu.memref_squeeze %dma_start3A_76 : memref<1x40x128xi32, #tpu.memory_space<hbm>> -> memref<40x128xi32, #tpu.memory_space<hbm>>
      tpu.enqueue_dma source(%dma_start3A_77 : memref<40x128xi32, #tpu.memory_space<hbm>>) target(%arg7 : memref<40x128xi32, #tpu.memory_space<vmem>>) target_semaphore(%run_scoped3A_69 : memref<!tpu.dma_semaphore, #tpu.memory_space<semaphore_mem>>)
      %dma_wait3A = arith.constant 40 : i32
      %dma_wait3A_78 = arith.constant 0 : i32
      %dma_wait3A_79 = tpu.memref_slice %arg2[%add3A, %dma_wait3A, %dma_wait3A_78] : memref<32x80x128xi32, #tpu.memory_space<hbm>> -> memref<1x40x128xi32, #tpu.memory_space<hbm>>
      %dma_wait3A_80 = tpu.memref_squeeze %dma_wait3A_79 : memref<1x40x128xi32, #tpu.memory_space<hbm>> -> memref<40x128xi32, #tpu.memory_space<hbm>>
      %dma_wait3A_81 = arith.constant 40 : i32
      %dma_wait3A_82 = arith.constant 0 : i32
      %dma_wait3A_83 = tpu.memref_slice %arg2[%add3A, %dma_wait3A_81, %dma_wait3A_82] : memref<32x80x128xi32, #tpu.memory_space<hbm>> -> memref<1x40x128xi32, #tpu.memory_space<hbm>>
      %dma_wait3A_84 = tpu.memref_squeeze %dma_wait3A_83 : memref<1x40x128xi32, #tpu.memory_space<hbm>> -> memref<40x128xi32, #tpu.memory_space<hbm>>
      tpu.wait_dma2 semaphore(%run_scoped3A_69 : memref<!tpu.dma_semaphore, #tpu.memory_space<semaphore_mem>>) src(%dma_wait3A_84 : memref<40x128xi32, #tpu.memory_space<hbm>>) dst(%arg7 : memref<40x128xi32, #tpu.memory_space<vmem>>)
      tpu.yield
    }) : () -> ()
    "tpu.region"() ({
      %run_scoped3A_69 = tpu.sem_alloc : memref<!tpu.dma_semaphore, #tpu.memory_space<semaphore_mem>>
      %dma_start3A_70 = arith.constant 40 : i32
      %dma_start3A_71 = arith.constant 0 : i32
      %dma_start3A_72 = tpu.memref_slice %arg3[%add3A, %dma_start3A_70, %dma_start3A_71] : memref<32x80x128xi32, #tpu.memory_space<hbm>> -> memref<1x40x128xi32, #tpu.memory_space<hbm>>
      %dma_start3A_73 = tpu.memref_squeeze %dma_start3A_72 : memref<1x40x128xi32, #tpu.memory_space<hbm>> -> memref<40x128xi32, #tpu.memory_space<hbm>>
      %dma_start3A_74 = arith.constant 40 : i32
      %dma_start3A_75 = arith.constant 0 : i32
      %dma_start3A_76 = tpu.memref_slice %arg3[%add3A, %dma_start3A_74, %dma_start3A_75] : memref<32x80x128xi32, #tpu.memory_space<hbm>> -> memref<1x40x128xi32, #tpu.memory_space<hbm>>
      %dma_start3A_77 = tpu.memref_squeeze %dma_start3A_76 : memref<1x40x128xi32, #tpu.memory_space<hbm>> -> memref<40x128xi32, #tpu.memory_space<hbm>>
      tpu.enqueue_dma source(%dma_start3A_77 : memref<40x128xi32, #tpu.memory_space<hbm>>) target(%arg8 : memref<40x128xi32, #tpu.memory_space<vmem>>) target_semaphore(%run_scoped3A_69 : memref<!tpu.dma_semaphore, #tpu.memory_space<semaphore_mem>>)
      %dma_wait3A = arith.constant 40 : i32
      %dma_wait3A_78 = arith.constant 0 : i32
      %dma_wait3A_79 = tpu.memref_slice %arg3[%add3A, %dma_wait3A, %dma_wait3A_78] : memref<32x80x128xi32, #tpu.memory_space<hbm>> -> memref<1x40x128xi32, #tpu.memory_space<hbm>>
      %dma_wait3A_80 = tpu.memref_squeeze %dma_wait3A_79 : memref<1x40x128xi32, #tpu.memory_space<hbm>> -> memref<40x128xi32, #tpu.memory_space<hbm>>
      %dma_wait3A_81 = arith.constant 40 : i32
      %dma_wait3A_82 = arith.constant 0 : i32
      %dma_wait3A_83 = tpu.memref_slice %arg3[%add3A, %dma_wait3A_81, %dma_wait3A_82] : memref<32x80x128xi32, #tpu.memory_space<hbm>> -> memref<1x40x128xi32, #tpu.memory_space<hbm>>
      %dma_wait3A_84 = tpu.memref_squeeze %dma_wait3A_83 : memref<1x40x128xi32, #tpu.memory_space<hbm>> -> memref<40x128xi32, #tpu.memory_space<hbm>>
      tpu.wait_dma2 semaphore(%run_scoped3A_69 : memref<!tpu.dma_semaphore, #tpu.memory_space<semaphore_mem>>) src(%dma_wait3A_84 : memref<40x128xi32, #tpu.memory_space<hbm>>) dst(%arg8 : memref<40x128xi32, #tpu.memory_space<vmem>>)
      tpu.yield
    }) : () -> ()
    %dma_start3A_44 = arith.constant 0 : i32
    %dma_start3A_45 = arith.constant 0 : i32
    %dma_start3A_46 = arith.constant 0 : i32
    %dma_start3A_47 = arith.constant 0 : i32
    %dma_start3A_48 = arith.constant 0 : i32
    %dma_start3A_49 = tpu.memref_slice %arg9[%dma_start3A_45, %dma_start3A_47, %dma_start3A_48] : memref<2x128x128xf32, #tpu.memory_space<vmem>> -> memref<1x128x128xf32, #tpu.memory_space<vmem>>
    %dma_start3A_50 = tpu.memref_squeeze %dma_start3A_49 : memref<1x128x128xf32, #tpu.memory_space<vmem>> -> memref<128x128xf32, #tpu.memory_space<vmem>>
    %dma_start3A_51 = arith.constant 0 : i32
    %dma_start3A_52 = tpu.memref_slice %arg7[%dma_start3A_44, %dma_start3A_51] : memref<40x128xi32, #tpu.memory_space<vmem>> -> memref<1x128xi32, #tpu.memory_space<vmem>>
    %dma_start3A_53 = tpu.memref_squeeze %dma_start3A_52 : memref<1x128xi32, #tpu.memory_space<vmem>> -> memref<128xi32, #tpu.memory_space<vmem>>
    %dma_start3A_54 = arith.constant 0 : i32
    %dma_start3A_55 = arith.constant 0 : i32
    %dma_start3A_56 = tpu.memref_slice %arg4[%dma_start3A_54, %dma_start3A_55] : memref<10240x128xf32, #tpu.memory_space<hbm>> -> memref<10240x128xf32, #tpu.memory_space<hbm>>
    %dma_start3A_57 = tpu.memref_slice %arg11[%dma_start3A_46] : memref<2x!tpu.dma_semaphore, #tpu.memory_space<semaphore_mem>> -> memref<1x!tpu.dma_semaphore, #tpu.memory_space<semaphore_mem>>
    %dma_start3A_58 = tpu.memref_squeeze %dma_start3A_57 : memref<1x!tpu.dma_semaphore, #tpu.memory_space<semaphore_mem>> -> memref<!tpu.dma_semaphore, #tpu.memory_space<semaphore_mem>>
    tpu.enqueue_indirect_dma source(%dma_start3A_56 : memref<10240x128xf32, #tpu.memory_space<hbm>>) target(%dma_start3A_50 : memref<128x128xf32, #tpu.memory_space<vmem>>) offsets(%dma_start3A_53 : memref<128xi32, #tpu.memory_space<vmem>>) semaphore(%dma_start3A_58 : memref<!tpu.dma_semaphore, #tpu.memory_space<semaphore_mem>>)
    %scan3A_59 = arith.constant 0 : i32
    %scan3A_60 = arith.constant 20 : i32
    %scan3A_61 = arith.addi %scan3A_59, %scan3A_60 : i32
    %scan3A_62 = arith.constant 1 : i32
    scf.for %scan3A_69 = %scan3A_59 to %scan3A_61 step %scan3A_62  : i32 {
      %mul3A_70 = arith.constant 2 : i32
      %mul3A_71 = arith.muli %scan3A_69, %mul3A_70 : i32
      %add3A_72 = arith.constant 0 : i32
      %add3A_73 = arith.addi %add3A_72, %mul3A_71 : i32
      %add3A_74 = arith.constant 0 : i32
      %add3A_75 = arith.addi %add3A_73, %add3A_74 : i32
      %dma_wait3A = arith.constant 0 : i32
      %dma_wait3A_76 = arith.constant 0 : i32
      %dma_wait3A_77 = arith.constant 0 : i32
      %dma_wait3A_78 = arith.constant 0 : i32
      %dma_wait3A_79 = tpu.memref_slice %arg9[%dma_wait3A, %dma_wait3A_77, %dma_wait3A_78] : memref<2x128x128xf32, #tpu.memory_space<vmem>> -> memref<1x128x128xf32, #tpu.memory_space<vmem>>
      %dma_wait3A_80 = tpu.memref_squeeze %dma_wait3A_79 : memref<1x128x128xf32, #tpu.memory_space<vmem>> -> memref<128x128xf32, #tpu.memory_space<vmem>>
      %dma_wait3A_81 = arith.constant 0 : i32
      %dma_wait3A_82 = tpu.memref_slice %arg7[%add3A_75, %dma_wait3A_81] : memref<40x128xi32, #tpu.memory_space<vmem>> -> memref<1x128xi32, #tpu.memory_space<vmem>>
      %dma_wait3A_83 = tpu.memref_squeeze %dma_wait3A_82 : memref<1x128xi32, #tpu.memory_space<vmem>> -> memref<128xi32, #tpu.memory_space<vmem>>
      %dma_wait3A_84 = arith.constant 0 : i32
      %dma_wait3A_85 = arith.constant 0 : i32
      %dma_wait3A_86 = tpu.memref_slice %arg4[%dma_wait3A_84, %dma_wait3A_85] : memref<10240x128xf32, #tpu.memory_space<hbm>> -> memref<10240x128xf32, #tpu.memory_space<hbm>>
      %dma_wait3A_87 = tpu.memref_slice %arg11[%dma_wait3A_76] : memref<2x!tpu.dma_semaphore, #tpu.memory_space<semaphore_mem>> -> memref<1x!tpu.dma_semaphore, #tpu.memory_space<semaphore_mem>>
      %dma_wait3A_88 = tpu.memref_squeeze %dma_wait3A_87 : memref<1x!tpu.dma_semaphore, #tpu.memory_space<semaphore_mem>> -> memref<!tpu.dma_semaphore, #tpu.memory_space<semaphore_mem>>
      tpu.wait_indirect_dma semaphore(%dma_wait3A_88 : memref<!tpu.dma_semaphore, #tpu.memory_space<semaphore_mem>>) src(%dma_wait3A_86 : memref<10240x128xf32, #tpu.memory_space<hbm>>) dst(%dma_wait3A_80 : memref<128x128xf32, #tpu.memory_space<vmem>>)
      %add3A_89 = arith.constant 1 : i32
      %add3A_90 = arith.addi %add3A_75, %add3A_89 : i32
      %lt3A = arith.constant 40 : i32
      %lt3A_91 = arith.cmpi slt, %add3A_90, %lt3A : i32
      %convert_element_type3A = arith.extui %lt3A_91 : i1 to i32
      %cond3A = arith.constant 0 : i32
      %cond3A_92 = arith.cmpi ne, %convert_element_type3A, %cond3A : i32
      scf.if %cond3A_92 {
        %add3A_118 = arith.constant 1 : i32
        %add3A_119 = arith.addi %add3A_75, %add3A_118 : i32
        %dma_start3A_120 = arith.constant 1 : i32
        %dma_start3A_121 = arith.constant 1 : i32
        %dma_start3A_122 = arith.constant 0 : i32
        %dma_start3A_123 = arith.constant 0 : i32
        %dma_start3A_124 = tpu.memref_slice %arg9[%dma_start3A_120, %dma_start3A_122, %dma_start3A_123] : memref<2x128x128xf32, #tpu.memory_space<vmem>> -> memref<1x128x128xf32, #tpu.memory_space<vmem>>
        %dma_start3A_125 = tpu.memref_squeeze %dma_start3A_124 : memref<1x128x128xf32, #tpu.memory_space<vmem>> -> memref<128x128xf32, #tpu.memory_space<vmem>>
        %dma_start3A_126 = arith.constant 0 : i32
        %dma_start3A_127 = tpu.memref_slice %arg7[%add3A_119, %dma_start3A_126] : memref<40x128xi32, #tpu.memory_space<vmem>> -> memref<1x128xi32, #tpu.memory_space<vmem>>
        %dma_start3A_128 = tpu.memref_squeeze %dma_start3A_127 : memref<1x128xi32, #tpu.memory_space<vmem>> -> memref<128xi32, #tpu.memory_space<vmem>>
        %dma_start3A_129 = arith.constant 0 : i32
        %dma_start3A_130 = arith.constant 0 : i32
        %dma_start3A_131 = tpu.memref_slice %arg4[%dma_start3A_129, %dma_start3A_130] : memref<10240x128xf32, #tpu.memory_space<hbm>> -> memref<10240x128xf32, #tpu.memory_space<hbm>>
        %dma_start3A_132 = tpu.memref_slice %arg11[%dma_start3A_121] : memref<2x!tpu.dma_semaphore, #tpu.memory_space<semaphore_mem>> -> memref<1x!tpu.dma_semaphore, #tpu.memory_space<semaphore_mem>>
        %dma_start3A_133 = tpu.memref_squeeze %dma_start3A_132 : memref<1x!tpu.dma_semaphore, #tpu.memory_space<semaphore_mem>> -> memref<!tpu.dma_semaphore, #tpu.memory_space<semaphore_mem>>
        tpu.enqueue_indirect_dma source(%dma_start3A_131 : memref<10240x128xf32, #tpu.memory_space<hbm>>) target(%dma_start3A_125 : memref<128x128xf32, #tpu.memory_space<vmem>>) offsets(%dma_start3A_128 : memref<128xi32, #tpu.memory_space<vmem>>) semaphore(%dma_start3A_133 : memref<!tpu.dma_semaphore, #tpu.memory_space<semaphore_mem>>)
      } else {
      }
      %run_scoped3A_93 = arith.constant 0 : i32
      "tpu.region"() ({
        %run_scoped3A_118 = tpu.sem_alloc : memref<!tpu.dma_semaphore, #tpu.memory_space<semaphore_mem>>
        %dma_start3A_119 = arith.constant 0 : i32
        %dma_start3A_120 = arith.constant 0 : i32
        %dma_start3A_121 = tpu.memref_slice %arg9[%run_scoped3A_93, %dma_start3A_119, %dma_start3A_120] : memref<2x128x128xf32, #tpu.memory_space<vmem>> -> memref<1x128x128xf32, #tpu.memory_space<vmem>>
        %dma_start3A_122 = tpu.memref_squeeze %dma_start3A_121 : memref<1x128x128xf32, #tpu.memory_space<vmem>> -> memref<128x128xf32, #tpu.memory_space<vmem>>
        %dma_start3A_123 = arith.constant 0 : i32
        %dma_start3A_124 = tpu.memref_slice %arg8[%add3A_75, %dma_start3A_123] : memref<40x128xi32, #tpu.memory_space<vmem>> -> memref<1x128xi32, #tpu.memory_space<vmem>>
        %dma_start3A_125 = tpu.memref_squeeze %dma_start3A_124 : memref<1x128xi32, #tpu.memory_space<vmem>> -> memref<128xi32, #tpu.memory_space<vmem>>
        %dma_start3A_126 = arith.constant 0 : i32
        %dma_start3A_127 = arith.constant 0 : i32
        %dma_start3A_128 = tpu.memref_slice %arg10[%dma_start3A_126, %dma_start3A_127] : memref<10240x128xf32, #tpu.memory_space<vmem_shared>> -> memref<10240x128xf32, #tpu.memory_space<vmem_shared>>
        tpu.enqueue_indirect_dma source(%dma_start3A_122 : memref<128x128xf32, #tpu.memory_space<vmem>>) target(%dma_start3A_128 : memref<10240x128xf32, #tpu.memory_space<vmem_shared>>) offsets(%dma_start3A_125 : memref<128xi32, #tpu.memory_space<vmem>>) semaphore(%run_scoped3A_118 : memref<!tpu.dma_semaphore, #tpu.memory_space<semaphore_mem>>) {add = true}
        %dma_wait3A_129 = arith.constant 0 : i32
        %dma_wait3A_130 = arith.constant 0 : i32
        %dma_wait3A_131 = tpu.memref_slice %arg9[%run_scoped3A_93, %dma_wait3A_129, %dma_wait3A_130] : memref<2x128x128xf32, #tpu.memory_space<vmem>> -> memref<1x128x128xf32, #tpu.memory_space<vmem>>
        %dma_wait3A_132 = tpu.memref_squeeze %dma_wait3A_131 : memref<1x128x128xf32, #tpu.memory_space<vmem>> -> memref<128x128xf32, #tpu.memory_space<vmem>>
        %dma_wait3A_133 = arith.constant 0 : i32
        %dma_wait3A_134 = tpu.memref_slice %arg8[%add3A_75, %dma_wait3A_133] : memref<40x128xi32, #tpu.memory_space<vmem>> -> memref<1x128xi32, #tpu.memory_space<vmem>>
        %dma_wait3A_135 = tpu.memref_squeeze %dma_wait3A_134 : memref<1x128xi32, #tpu.memory_space<vmem>> -> memref<128xi32, #tpu.memory_space<vmem>>
        %dma_wait3A_136 = arith.constant 0 : i32
        %dma_wait3A_137 = arith.constant 0 : i32
        %dma_wait3A_138 = tpu.memref_slice %arg10[%dma_wait3A_136, %dma_wait3A_137] : memref<10240x128xf32, #tpu.memory_space<vmem_shared>> -> memref<10240x128xf32, #tpu.memory_space<vmem_shared>>
        tpu.wait_indirect_dma semaphore(%run_scoped3A_118 : memref<!tpu.dma_semaphore, #tpu.memory_space<semaphore_mem>>) src(%dma_wait3A_132 : memref<128x128xf32, #tpu.memory_space<vmem>>) dst(%dma_wait3A_138 : memref<10240x128xf32, #tpu.memory_space<vmem_shared>>)
        tpu.yield
      }) : () -> ()
      %add3A_94 = arith.constant 1 : i32
      %add3A_95 = arith.addi %add3A_73, %add3A_94 : i32
      %dma_wait3A_96 = arith.constant 1 : i32
      %dma_wait3A_97 = arith.constant 1 : i32
      %dma_wait3A_98 = arith.constant 0 : i32
      %dma_wait3A_99 = arith.constant 0 : i32
      %dma_wait3A_100 = tpu.memref_slice %arg9[%dma_wait3A_96, %dma_wait3A_98, %dma_wait3A_99] : memref<2x128x128xf32, #tpu.memory_space<vmem>> -> memref<1x128x128xf32, #tpu.memory_space<vmem>>
      %dma_wait3A_101 = tpu.memref_squeeze %dma_wait3A_100 : memref<1x128x128xf32, #tpu.memory_space<vmem>> -> memref<128x128xf32, #tpu.memory_space<vmem>>
      %dma_wait3A_102 = arith.constant 0 : i32
      %dma_wait3A_103 = tpu.memref_slice %arg7[%add3A_95, %dma_wait3A_102] : memref<40x128xi32, #tpu.memory_space<vmem>> -> memref<1x128xi32, #tpu.memory_space<vmem>>
      %dma_wait3A_104 = tpu.memref_squeeze %dma_wait3A_103 : memref<1x128xi32, #tpu.memory_space<vmem>> -> memref<128xi32, #tpu.memory_space<vmem>>
      %dma_wait3A_105 = arith.constant 0 : i32
      %dma_wait3A_106 = arith.constant 0 : i32
      %dma_wait3A_107 = tpu.memref_slice %arg4[%dma_wait3A_105, %dma_wait3A_106] : memref<10240x128xf32, #tpu.memory_space<hbm>> -> memref<10240x128xf32, #tpu.memory_space<hbm>>
      %dma_wait3A_108 = tpu.memref_slice %arg11[%dma_wait3A_97] : memref<2x!tpu.dma_semaphore, #tpu.memory_space<semaphore_mem>> -> memref<1x!tpu.dma_semaphore, #tpu.memory_space<semaphore_mem>>
      %dma_wait3A_109 = tpu.memref_squeeze %dma_wait3A_108 : memref<1x!tpu.dma_semaphore, #tpu.memory_space<semaphore_mem>> -> memref<!tpu.dma_semaphore, #tpu.memory_space<semaphore_mem>>
      tpu.wait_indirect_dma semaphore(%dma_wait3A_109 : memref<!tpu.dma_semaphore, #tpu.memory_space<semaphore_mem>>) src(%dma_wait3A_107 : memref<10240x128xf32, #tpu.memory_space<hbm>>) dst(%dma_wait3A_101 : memref<128x128xf32, #tpu.memory_space<vmem>>)
      %add3A_110 = arith.constant 1 : i32
      %add3A_111 = arith.addi %add3A_95, %add3A_110 : i32
      %lt3A_112 = arith.constant 40 : i32
      %lt3A_113 = arith.cmpi slt, %add3A_111, %lt3A_112 : i32
      %convert_element_type3A_114 = arith.extui %lt3A_113 : i1 to i32
      %cond3A_115 = arith.constant 0 : i32
      %cond3A_116 = arith.cmpi ne, %convert_element_type3A_114, %cond3A_115 : i32
      scf.if %cond3A_116 {
        %add3A_118 = arith.constant 1 : i32
        %add3A_119 = arith.addi %add3A_95, %add3A_118 : i32
        %dma_start3A_120 = arith.constant 0 : i32
        %dma_start3A_121 = arith.constant 0 : i32
        %dma_start3A_122 = arith.constant 0 : i32
        %dma_start3A_123 = arith.constant 0 : i32
        %dma_start3A_124 = tpu.memref_slice %arg9[%dma_start3A_120, %dma_start3A_122, %dma_start3A_123] : memref<2x128x128xf32, #tpu.memory_space<vmem>> -> memref<1x128x128xf32, #tpu.memory_space<vmem>>
        %dma_start3A_125 = tpu.memref_squeeze %dma_start3A_124 : memref<1x128x128xf32, #tpu.memory_space<vmem>> -> memref<128x128xf32, #tpu.memory_space<vmem>>
        %dma_start3A_126 = arith.constant 0 : i32
        %dma_start3A_127 = tpu.memref_slice %arg7[%add3A_119, %dma_start3A_126] : memref<40x128xi32, #tpu.memory_space<vmem>> -> memref<1x128xi32, #tpu.memory_space<vmem>>
        %dma_start3A_128 = tpu.memref_squeeze %dma_start3A_127 : memref<1x128xi32, #tpu.memory_space<vmem>> -> memref<128xi32, #tpu.memory_space<vmem>>
        %dma_start3A_129 = arith.constant 0 : i32
        %dma_start3A_130 = arith.constant 0 : i32
        %dma_start3A_131 = tpu.memref_slice %arg4[%dma_start3A_129, %dma_start3A_130] : memref<10240x128xf32, #tpu.memory_space<hbm>> -> memref<10240x128xf32, #tpu.memory_space<hbm>>
        %dma_start3A_132 = tpu.memref_slice %arg11[%dma_start3A_121] : memref<2x!tpu.dma_semaphore, #tpu.memory_space<semaphore_mem>> -> memref<1x!tpu.dma_semaphore, #tpu.memory_space<semaphore_mem>>
        %dma_start3A_133 = tpu.memref_squeeze %dma_start3A_132 : memref<1x!tpu.dma_semaphore, #tpu.memory_space<semaphore_mem>> -> memref<!tpu.dma_semaphore, #tpu.memory_space<semaphore_mem>>
        tpu.enqueue_indirect_dma source(%dma_start3A_131 : memref<10240x128xf32, #tpu.memory_space<hbm>>) target(%dma_start3A_125 : memref<128x128xf32, #tpu.memory_space<vmem>>) offsets(%dma_start3A_128 : memref<128xi32, #tpu.memory_space<vmem>>) semaphore(%dma_start3A_133 : memref<!tpu.dma_semaphore, #tpu.memory_space<semaphore_mem>>)
      } else {
      }
      %run_scoped3A_117 = arith.constant 1 : i32
      "tpu.region"() ({
        %run_scoped3A_118 = tpu.sem_alloc : memref<!tpu.dma_semaphore, #tpu.memory_space<semaphore_mem>>
        %dma_start3A_119 = arith.constant 0 : i32
        %dma_start3A_120 = arith.constant 0 : i32
        %dma_start3A_121 = tpu.memref_slice %arg9[%run_scoped3A_117, %dma_start3A_119, %dma_start3A_120] : memref<2x128x128xf32, #tpu.memory_space<vmem>> -> memref<1x128x128xf32, #tpu.memory_space<vmem>>
        %dma_start3A_122 = tpu.memref_squeeze %dma_start3A_121 : memref<1x128x128xf32, #tpu.memory_space<vmem>> -> memref<128x128xf32, #tpu.memory_space<vmem>>
        %dma_start3A_123 = arith.constant 0 : i32
        %dma_start3A_124 = tpu.memref_slice %arg8[%add3A_95, %dma_start3A_123] : memref<40x128xi32, #tpu.memory_space<vmem>> -> memref<1x128xi32, #tpu.memory_space<vmem>>
        %dma_start3A_125 = tpu.memref_squeeze %dma_start3A_124 : memref<1x128xi32, #tpu.memory_space<vmem>> -> memref<128xi32, #tpu.memory_space<vmem>>
        %dma_start3A_126 = arith.constant 0 : i32
        %dma_start3A_127 = arith.constant 0 : i32
        %dma_start3A_128 = tpu.memref_slice %arg10[%dma_start3A_126, %dma_start3A_127] : memref<10240x128xf32, #tpu.memory_space<vmem_shared>> -> memref<10240x128xf32, #tpu.memory_space<vmem_shared>>
        tpu.enqueue_indirect_dma source(%dma_start3A_122 : memref<128x128xf32, #tpu.memory_space<vmem>>) target(%dma_start3A_128 : memref<10240x128xf32, #tpu.memory_space<vmem_shared>>) offsets(%dma_start3A_125 : memref<128xi32, #tpu.memory_space<vmem>>) semaphore(%run_scoped3A_118 : memref<!tpu.dma_semaphore, #tpu.memory_space<semaphore_mem>>) {add = true}
        %dma_wait3A_129 = arith.constant 0 : i32
        %dma_wait3A_130 = arith.constant 0 : i32
        %dma_wait3A_131 = tpu.memref_slice %arg9[%run_scoped3A_117, %dma_wait3A_129, %dma_wait3A_130] : memref<2x128x128xf32, #tpu.memory_space<vmem>> -> memref<1x128x128xf32, #tpu.memory_space<vmem>>
        %dma_wait3A_132 = tpu.memref_squeeze %dma_wait3A_131 : memref<1x128x128xf32, #tpu.memory_space<vmem>> -> memref<128x128xf32, #tpu.memory_space<vmem>>
        %dma_wait3A_133 = arith.constant 0 : i32
        %dma_wait3A_134 = tpu.memref_slice %arg8[%add3A_95, %dma_wait3A_133] : memref<40x128xi32, #tpu.memory_space<vmem>> -> memref<1x128xi32, #tpu.memory_space<vmem>>
        %dma_wait3A_135 = tpu.memref_squeeze %dma_wait3A_134 : memref<1x128xi32, #tpu.memory_space<vmem>> -> memref<128xi32, #tpu.memory_space<vmem>>
        %dma_wait3A_136 = arith.constant 0 : i32
        %dma_wait3A_137 = arith.constant 0 : i32
        %dma_wait3A_138 = tpu.memref_slice %arg10[%dma_wait3A_136, %dma_wait3A_137] : memref<10240x128xf32, #tpu.memory_space<vmem_shared>> -> memref<10240x128xf32, #tpu.memory_space<vmem_shared>>
        tpu.wait_indirect_dma semaphore(%run_scoped3A_118 : memref<!tpu.dma_semaphore, #tpu.memory_space<semaphore_mem>>) src(%dma_wait3A_132 : memref<128x128xf32, #tpu.memory_space<vmem>>) dst(%dma_wait3A_138 : memref<10240x128xf32, #tpu.memory_space<vmem_shared>>)
        tpu.yield
      }) : () -> ()
    }
    %scan3A_63 = arith.constant 20 : i32
    %barrier3A_64 = arith.constant 0 : index
    tpu.barrier barrier_id(%barrier3A_64)
    %mul3A_65 = arith.constant 640 : i32
    %mul3A_66 = arith.muli %arg1, %mul3A_65 : i32
    %mul3A_67 = arith.constant 640 : i32
    %mul3A_68 = arith.muli %arg1, %mul3A_67 : i32
    "tpu.region"() ({
      %run_scoped3A_69 = tpu.sem_alloc : memref<!tpu.dma_semaphore, #tpu.memory_space<semaphore_mem>>
      %dma_start3A_70 = arith.constant 0 : i32
      %dma_start3A_71 = tpu.memref_slice %arg6[%arg0, %mul3A_68, %dma_start3A_70] : memref<2x10240x128xf32, #tpu.memory_space<hbm>> -> memref<1x640x128xf32, #tpu.memory_space<hbm>>
      %dma_start3A_72 = tpu.memref_squeeze %dma_start3A_71 : memref<1x640x128xf32, #tpu.memory_space<hbm>> -> memref<640x128xf32, #tpu.memory_space<hbm>>
      %dma_start3A_73 = arith.constant 0 : i32
      %dma_start3A_74 = tpu.memref_slice %arg10[%mul3A_66, %dma_start3A_73] : memref<10240x128xf32, #tpu.memory_space<vmem_shared>> -> memref<640x128xf32, #tpu.memory_space<vmem_shared>>
      tpu.enqueue_dma source(%dma_start3A_74 : memref<640x128xf32, #tpu.memory_space<vmem_shared>>) target(%dma_start3A_72 : memref<640x128xf32, #tpu.memory_space<hbm>>) target_semaphore(%run_scoped3A_69 : memref<!tpu.dma_semaphore, #tpu.memory_space<semaphore_mem>>)
      %dma_wait3A = arith.constant 0 : i32
      %dma_wait3A_75 = tpu.memref_slice %arg6[%arg0, %mul3A_68, %dma_wait3A] : memref<2x10240x128xf32, #tpu.memory_space<hbm>> -> memref<1x640x128xf32, #tpu.memory_space<hbm>>
      %dma_wait3A_76 = tpu.memref_squeeze %dma_wait3A_75 : memref<1x640x128xf32, #tpu.memory_space<hbm>> -> memref<640x128xf32, #tpu.memory_space<hbm>>
      %dma_wait3A_77 = arith.constant 0 : i32
      %dma_wait3A_78 = tpu.memref_slice %arg10[%mul3A_66, %dma_wait3A_77] : memref<10240x128xf32, #tpu.memory_space<vmem_shared>> -> memref<640x128xf32, #tpu.memory_space<vmem_shared>>
      tpu.wait_dma2 semaphore(%run_scoped3A_69 : memref<!tpu.dma_semaphore, #tpu.memory_space<semaphore_mem>>) src(%dma_wait3A_78 : memref<640x128xf32, #tpu.memory_space<vmem_shared>>) dst(%dma_wait3A_76 : memref<640x128xf32, #tpu.memory_space<hbm>>)
      tpu.yield
    }) : () -> ()
    return
  }
}

#map = affine_map<(d0, d1) -> (0, 0, 0)>
#map1 = affine_map<(d0, d1) -> (0, 0)>
module attributes {stable_mosaic.version = 14 : i64} {
  func.func @deg(%arg0: i32, %arg1: i32, %arg2: memref<32x80x128xi32, #tpu.memory_space<hbm>>, %arg3: memref<128x16xf32, #tpu.memory_space<hbm>>, %arg4: memref<128x16xf32, #tpu.memory_space<hbm>>, %arg5: memref<2x10240x16xf32, #tpu.memory_space<hbm>>, %arg6: memref<80x128xi32, #tpu.memory_space<vmem>>, %arg7: memref<128x16xf32, #tpu.memory_space<vmem>>, %arg8: memref<128x16xf32, #tpu.memory_space<vmem>>, %arg9: memref<10240x16xf32, #tpu.memory_space<vmem_shared>>, %arg10: memref<!tpu.dma_semaphore, #tpu.memory_space<semaphore_mem>>) attributes {dimension_semantics = [#tpu.dimension_semantics<core_parallel>, #tpu.dimension_semantics<subcore_parallel>], iteration_bounds = array<i64: 2, 16>, scalar_prefetch = 0 : i64, scratch_operands = 5 : i64, tpu.core_type = #tpu.core_type<sc_vector_subcore>, window_params = [{transform_indices = #map}, {transform_indices = #map1}, {transform_indices = #map1}, {transform_indices = #map}]} {
    %mul3A = arith.constant 16 : i32
    %mul3A_0 = arith.muli %arg0, %mul3A : i32
    %add3A = arith.addi %mul3A_0, %arg1 : i32
    "tpu.region"() ({
      %run_scoped3A = tpu.sem_alloc : memref<!tpu.dma_semaphore, #tpu.memory_space<semaphore_mem>>
      %dma_start3A = arith.constant 0 : i32
      %dma_start3A_35 = arith.constant 0 : i32
      %dma_start3A_36 = tpu.memref_slice %arg2[%add3A, %dma_start3A, %dma_start3A_35] : memref<32x80x128xi32, #tpu.memory_space<hbm>> -> memref<1x80x128xi32, #tpu.memory_space<hbm>>
      %dma_start3A_37 = tpu.memref_squeeze %dma_start3A_36 : memref<1x80x128xi32, #tpu.memory_space<hbm>> -> memref<80x128xi32, #tpu.memory_space<hbm>>
      %dma_start3A_38 = arith.constant 0 : i32
      %dma_start3A_39 = arith.constant 0 : i32
      %dma_start3A_40 = tpu.memref_slice %arg2[%add3A, %dma_start3A_38, %dma_start3A_39] : memref<32x80x128xi32, #tpu.memory_space<hbm>> -> memref<1x80x128xi32, #tpu.memory_space<hbm>>
      %dma_start3A_41 = tpu.memref_squeeze %dma_start3A_40 : memref<1x80x128xi32, #tpu.memory_space<hbm>> -> memref<80x128xi32, #tpu.memory_space<hbm>>
      tpu.enqueue_dma source(%dma_start3A_41 : memref<80x128xi32, #tpu.memory_space<hbm>>) target(%arg6 : memref<80x128xi32, #tpu.memory_space<vmem>>) target_semaphore(%run_scoped3A : memref<!tpu.dma_semaphore, #tpu.memory_space<semaphore_mem>>)
      %dma_wait3A = arith.constant 0 : i32
      %dma_wait3A_42 = arith.constant 0 : i32
      %dma_wait3A_43 = tpu.memref_slice %arg2[%add3A, %dma_wait3A, %dma_wait3A_42] : memref<32x80x128xi32, #tpu.memory_space<hbm>> -> memref<1x80x128xi32, #tpu.memory_space<hbm>>
      %dma_wait3A_44 = tpu.memref_squeeze %dma_wait3A_43 : memref<1x80x128xi32, #tpu.memory_space<hbm>> -> memref<80x128xi32, #tpu.memory_space<hbm>>
      %dma_wait3A_45 = arith.constant 0 : i32
      %dma_wait3A_46 = arith.constant 0 : i32
      %dma_wait3A_47 = tpu.memref_slice %arg2[%add3A, %dma_wait3A_45, %dma_wait3A_46] : memref<32x80x128xi32, #tpu.memory_space<hbm>> -> memref<1x80x128xi32, #tpu.memory_space<hbm>>
      %dma_wait3A_48 = tpu.memref_squeeze %dma_wait3A_47 : memref<1x80x128xi32, #tpu.memory_space<hbm>> -> memref<80x128xi32, #tpu.memory_space<hbm>>
      tpu.wait_dma2 semaphore(%run_scoped3A : memref<!tpu.dma_semaphore, #tpu.memory_space<semaphore_mem>>) src(%dma_wait3A_48 : memref<80x128xi32, #tpu.memory_space<hbm>>) dst(%arg6 : memref<80x128xi32, #tpu.memory_space<vmem>>)
      tpu.yield
    }) : () -> ()
    "tpu.region"() ({
      %run_scoped3A = tpu.sem_alloc : memref<!tpu.dma_semaphore, #tpu.memory_space<semaphore_mem>>
      tpu.enqueue_dma source(%arg3 : memref<128x16xf32, #tpu.memory_space<hbm>>) target(%arg7 : memref<128x16xf32, #tpu.memory_space<vmem>>) target_semaphore(%run_scoped3A : memref<!tpu.dma_semaphore, #tpu.memory_space<semaphore_mem>>)
      tpu.wait_dma2 semaphore(%run_scoped3A : memref<!tpu.dma_semaphore, #tpu.memory_space<semaphore_mem>>) src(%arg3 : memref<128x16xf32, #tpu.memory_space<hbm>>) dst(%arg7 : memref<128x16xf32, #tpu.memory_space<vmem>>)
      tpu.yield
    }) : () -> ()
    "tpu.region"() ({
      %run_scoped3A = tpu.sem_alloc : memref<!tpu.dma_semaphore, #tpu.memory_space<semaphore_mem>>
      tpu.enqueue_dma source(%arg4 : memref<128x16xf32, #tpu.memory_space<hbm>>) target(%arg8 : memref<128x16xf32, #tpu.memory_space<vmem>>) target_semaphore(%run_scoped3A : memref<!tpu.dma_semaphore, #tpu.memory_space<semaphore_mem>>)
      tpu.wait_dma2 semaphore(%run_scoped3A : memref<!tpu.dma_semaphore, #tpu.memory_space<semaphore_mem>>) src(%arg4 : memref<128x16xf32, #tpu.memory_space<hbm>>) dst(%arg8 : memref<128x16xf32, #tpu.memory_space<vmem>>)
      tpu.yield
    }) : () -> ()
    %mul3A_1 = arith.constant 640 : i32
    %mul3A_2 = arith.muli %arg1, %mul3A_1 : i32
    %add3A_3 = arith.constant 0 : i32
    %add3A_4 = arith.addi %mul3A_2, %add3A_3 : i32
    "tpu.region"() ({
      %run_scoped3A = tpu.sem_alloc : memref<!tpu.dma_semaphore, #tpu.memory_space<semaphore_mem>>
      %dma_start3A = arith.constant 0 : i32
      %dma_start3A_35 = tpu.memref_slice %arg9[%add3A_4, %dma_start3A] : memref<10240x16xf32, #tpu.memory_space<vmem_shared>> -> memref<128x16xf32, #tpu.memory_space<vmem_shared>>
      %dma_start3A_36 = arith.constant 0 : i32
      %dma_start3A_37 = tpu.memref_slice %arg9[%add3A_4, %dma_start3A_36] : memref<10240x16xf32, #tpu.memory_space<vmem_shared>> -> memref<128x16xf32, #tpu.memory_space<vmem_shared>>
      tpu.enqueue_dma source(%arg8 : memref<128x16xf32, #tpu.memory_space<vmem>>) target(%dma_start3A_37 : memref<128x16xf32, #tpu.memory_space<vmem_shared>>) target_semaphore(%run_scoped3A : memref<!tpu.dma_semaphore, #tpu.memory_space<semaphore_mem>>)
      %dma_wait3A = arith.constant 0 : i32
      %dma_wait3A_38 = tpu.memref_slice %arg9[%add3A_4, %dma_wait3A] : memref<10240x16xf32, #tpu.memory_space<vmem_shared>> -> memref<128x16xf32, #tpu.memory_space<vmem_shared>>
      %dma_wait3A_39 = arith.constant 0 : i32
      %dma_wait3A_40 = tpu.memref_slice %arg9[%add3A_4, %dma_wait3A_39] : memref<10240x16xf32, #tpu.memory_space<vmem_shared>> -> memref<128x16xf32, #tpu.memory_space<vmem_shared>>
      tpu.wait_dma2 semaphore(%run_scoped3A : memref<!tpu.dma_semaphore, #tpu.memory_space<semaphore_mem>>) src(%arg8 : memref<128x16xf32, #tpu.memory_space<vmem>>) dst(%dma_wait3A_40 : memref<128x16xf32, #tpu.memory_space<vmem_shared>>)
      tpu.yield
    }) : () -> ()
    %mul3A_5 = arith.constant 640 : i32
    %mul3A_6 = arith.muli %arg1, %mul3A_5 : i32
    %add3A_7 = arith.constant 128 : i32
    %add3A_8 = arith.addi %mul3A_6, %add3A_7 : i32
    "tpu.region"() ({
      %run_scoped3A = tpu.sem_alloc : memref<!tpu.dma_semaphore, #tpu.memory_space<semaphore_mem>>
      %dma_start3A = arith.constant 0 : i32
      %dma_start3A_35 = tpu.memref_slice %arg9[%add3A_8, %dma_start3A] : memref<10240x16xf32, #tpu.memory_space<vmem_shared>> -> memref<128x16xf32, #tpu.memory_space<vmem_shared>>
      %dma_start3A_36 = arith.constant 0 : i32
      %dma_start3A_37 = tpu.memref_slice %arg9[%add3A_8, %dma_start3A_36] : memref<10240x16xf32, #tpu.memory_space<vmem_shared>> -> memref<128x16xf32, #tpu.memory_space<vmem_shared>>
      tpu.enqueue_dma source(%arg8 : memref<128x16xf32, #tpu.memory_space<vmem>>) target(%dma_start3A_37 : memref<128x16xf32, #tpu.memory_space<vmem_shared>>) target_semaphore(%run_scoped3A : memref<!tpu.dma_semaphore, #tpu.memory_space<semaphore_mem>>)
      %dma_wait3A = arith.constant 0 : i32
      %dma_wait3A_38 = tpu.memref_slice %arg9[%add3A_8, %dma_wait3A] : memref<10240x16xf32, #tpu.memory_space<vmem_shared>> -> memref<128x16xf32, #tpu.memory_space<vmem_shared>>
      %dma_wait3A_39 = arith.constant 0 : i32
      %dma_wait3A_40 = tpu.memref_slice %arg9[%add3A_8, %dma_wait3A_39] : memref<10240x16xf32, #tpu.memory_space<vmem_shared>> -> memref<128x16xf32, #tpu.memory_space<vmem_shared>>
      tpu.wait_dma2 semaphore(%run_scoped3A : memref<!tpu.dma_semaphore, #tpu.memory_space<semaphore_mem>>) src(%arg8 : memref<128x16xf32, #tpu.memory_space<vmem>>) dst(%dma_wait3A_40 : memref<128x16xf32, #tpu.memory_space<vmem_shared>>)
      tpu.yield
    }) : () -> ()
    %mul3A_9 = arith.constant 640 : i32
    %mul3A_10 = arith.muli %arg1, %mul3A_9 : i32
    %add3A_11 = arith.constant 256 : i32
    %add3A_12 = arith.addi %mul3A_10, %add3A_11 : i32
    "tpu.region"() ({
      %run_scoped3A = tpu.sem_alloc : memref<!tpu.dma_semaphore, #tpu.memory_space<semaphore_mem>>
      %dma_start3A = arith.constant 0 : i32
      %dma_start3A_35 = tpu.memref_slice %arg9[%add3A_12, %dma_start3A] : memref<10240x16xf32, #tpu.memory_space<vmem_shared>> -> memref<128x16xf32, #tpu.memory_space<vmem_shared>>
      %dma_start3A_36 = arith.constant 0 : i32
      %dma_start3A_37 = tpu.memref_slice %arg9[%add3A_12, %dma_start3A_36] : memref<10240x16xf32, #tpu.memory_space<vmem_shared>> -> memref<128x16xf32, #tpu.memory_space<vmem_shared>>
      tpu.enqueue_dma source(%arg8 : memref<128x16xf32, #tpu.memory_space<vmem>>) target(%dma_start3A_37 : memref<128x16xf32, #tpu.memory_space<vmem_shared>>) target_semaphore(%run_scoped3A : memref<!tpu.dma_semaphore, #tpu.memory_space<semaphore_mem>>)
      %dma_wait3A = arith.constant 0 : i32
      %dma_wait3A_38 = tpu.memref_slice %arg9[%add3A_12, %dma_wait3A] : memref<10240x16xf32, #tpu.memory_space<vmem_shared>> -> memref<128x16xf32, #tpu.memory_space<vmem_shared>>
      %dma_wait3A_39 = arith.constant 0 : i32
      %dma_wait3A_40 = tpu.memref_slice %arg9[%add3A_12, %dma_wait3A_39] : memref<10240x16xf32, #tpu.memory_space<vmem_shared>> -> memref<128x16xf32, #tpu.memory_space<vmem_shared>>
      tpu.wait_dma2 semaphore(%run_scoped3A : memref<!tpu.dma_semaphore, #tpu.memory_space<semaphore_mem>>) src(%arg8 : memref<128x16xf32, #tpu.memory_space<vmem>>) dst(%dma_wait3A_40 : memref<128x16xf32, #tpu.memory_space<vmem_shared>>)
      tpu.yield
    }) : () -> ()
    %mul3A_13 = arith.constant 640 : i32
    %mul3A_14 = arith.muli %arg1, %mul3A_13 : i32
    %add3A_15 = arith.constant 384 : i32
    %add3A_16 = arith.addi %mul3A_14, %add3A_15 : i32
    "tpu.region"() ({
      %run_scoped3A = tpu.sem_alloc : memref<!tpu.dma_semaphore, #tpu.memory_space<semaphore_mem>>
      %dma_start3A = arith.constant 0 : i32
      %dma_start3A_35 = tpu.memref_slice %arg9[%add3A_16, %dma_start3A] : memref<10240x16xf32, #tpu.memory_space<vmem_shared>> -> memref<128x16xf32, #tpu.memory_space<vmem_shared>>
      %dma_start3A_36 = arith.constant 0 : i32
      %dma_start3A_37 = tpu.memref_slice %arg9[%add3A_16, %dma_start3A_36] : memref<10240x16xf32, #tpu.memory_space<vmem_shared>> -> memref<128x16xf32, #tpu.memory_space<vmem_shared>>
      tpu.enqueue_dma source(%arg8 : memref<128x16xf32, #tpu.memory_space<vmem>>) target(%dma_start3A_37 : memref<128x16xf32, #tpu.memory_space<vmem_shared>>) target_semaphore(%run_scoped3A : memref<!tpu.dma_semaphore, #tpu.memory_space<semaphore_mem>>)
      %dma_wait3A = arith.constant 0 : i32
      %dma_wait3A_38 = tpu.memref_slice %arg9[%add3A_16, %dma_wait3A] : memref<10240x16xf32, #tpu.memory_space<vmem_shared>> -> memref<128x16xf32, #tpu.memory_space<vmem_shared>>
      %dma_wait3A_39 = arith.constant 0 : i32
      %dma_wait3A_40 = tpu.memref_slice %arg9[%add3A_16, %dma_wait3A_39] : memref<10240x16xf32, #tpu.memory_space<vmem_shared>> -> memref<128x16xf32, #tpu.memory_space<vmem_shared>>
      tpu.wait_dma2 semaphore(%run_scoped3A : memref<!tpu.dma_semaphore, #tpu.memory_space<semaphore_mem>>) src(%arg8 : memref<128x16xf32, #tpu.memory_space<vmem>>) dst(%dma_wait3A_40 : memref<128x16xf32, #tpu.memory_space<vmem_shared>>)
      tpu.yield
    }) : () -> ()
    %mul3A_17 = arith.constant 640 : i32
    %mul3A_18 = arith.muli %arg1, %mul3A_17 : i32
    %add3A_19 = arith.constant 512 : i32
    %add3A_20 = arith.addi %mul3A_18, %add3A_19 : i32
    "tpu.region"() ({
      %run_scoped3A = tpu.sem_alloc : memref<!tpu.dma_semaphore, #tpu.memory_space<semaphore_mem>>
      %dma_start3A = arith.constant 0 : i32
      %dma_start3A_35 = tpu.memref_slice %arg9[%add3A_20, %dma_start3A] : memref<10240x16xf32, #tpu.memory_space<vmem_shared>> -> memref<128x16xf32, #tpu.memory_space<vmem_shared>>
      %dma_start3A_36 = arith.constant 0 : i32
      %dma_start3A_37 = tpu.memref_slice %arg9[%add3A_20, %dma_start3A_36] : memref<10240x16xf32, #tpu.memory_space<vmem_shared>> -> memref<128x16xf32, #tpu.memory_space<vmem_shared>>
      tpu.enqueue_dma source(%arg8 : memref<128x16xf32, #tpu.memory_space<vmem>>) target(%dma_start3A_37 : memref<128x16xf32, #tpu.memory_space<vmem_shared>>) target_semaphore(%run_scoped3A : memref<!tpu.dma_semaphore, #tpu.memory_space<semaphore_mem>>)
      %dma_wait3A = arith.constant 0 : i32
      %dma_wait3A_38 = tpu.memref_slice %arg9[%add3A_20, %dma_wait3A] : memref<10240x16xf32, #tpu.memory_space<vmem_shared>> -> memref<128x16xf32, #tpu.memory_space<vmem_shared>>
      %dma_wait3A_39 = arith.constant 0 : i32
      %dma_wait3A_40 = tpu.memref_slice %arg9[%add3A_20, %dma_wait3A_39] : memref<10240x16xf32, #tpu.memory_space<vmem_shared>> -> memref<128x16xf32, #tpu.memory_space<vmem_shared>>
      tpu.wait_dma2 semaphore(%run_scoped3A : memref<!tpu.dma_semaphore, #tpu.memory_space<semaphore_mem>>) src(%arg8 : memref<128x16xf32, #tpu.memory_space<vmem>>) dst(%dma_wait3A_40 : memref<128x16xf32, #tpu.memory_space<vmem_shared>>)
      tpu.yield
    }) : () -> ()
    %barrier3A = arith.constant 0 : index
    tpu.barrier barrier_id(%barrier3A)
    %scan3A = arith.constant 0 : i32
    %scan3A_21 = arith.constant 80 : i32
    %scan3A_22 = arith.addi %scan3A, %scan3A_21 : i32
    %scan3A_23 = arith.constant 1 : i32
    scf.for %scan3A_35 = %scan3A to %scan3A_22 step %scan3A_23  : i32 {
      %mul3A_36 = arith.constant 1 : i32
      %mul3A_37 = arith.muli %scan3A_35, %mul3A_36 : i32
      %add3A_38 = arith.constant 0 : i32
      %add3A_39 = arith.addi %add3A_38, %mul3A_37 : i32
      %dma_start3A = arith.constant 0 : i32
      %dma_start3A_40 = tpu.memref_slice %arg6[%add3A_39, %dma_start3A] : memref<80x128xi32, #tpu.memory_space<vmem>> -> memref<1x128xi32, #tpu.memory_space<vmem>>
      %dma_start3A_41 = tpu.memref_squeeze %dma_start3A_40 : memref<1x128xi32, #tpu.memory_space<vmem>> -> memref<128xi32, #tpu.memory_space<vmem>>
      %dma_start3A_42 = arith.constant 0 : i32
      %dma_start3A_43 = arith.constant 0 : i32
      %dma_start3A_44 = tpu.memref_slice %arg9[%dma_start3A_42, %dma_start3A_43] : memref<10240x16xf32, #tpu.memory_space<vmem_shared>> -> memref<10240x16xf32, #tpu.memory_space<vmem_shared>>
      tpu.enqueue_indirect_dma source(%arg7 : memref<128x16xf32, #tpu.memory_space<vmem>>) target(%dma_start3A_44 : memref<10240x16xf32, #tpu.memory_space<vmem_shared>>) offsets(%dma_start3A_41 : memref<128xi32, #tpu.memory_space<vmem>>) semaphore(%arg10 : memref<!tpu.dma_semaphore, #tpu.memory_space<semaphore_mem>>) {add = true}
    }
    %scan3A_24 = arith.constant 80 : i32
    %scan3A_25 = arith.constant 0 : i32
    %scan3A_26 = arith.constant 80 : i32
    %scan3A_27 = arith.addi %scan3A_25, %scan3A_26 : i32
    %scan3A_28 = arith.constant 1 : i32
    scf.for %scan3A_35 = %scan3A_25 to %scan3A_27 step %scan3A_28  : i32 {
      %mul3A_36 = arith.constant 1 : i32
      %mul3A_37 = arith.muli %scan3A_35, %mul3A_36 : i32
      %add3A_38 = arith.constant 0 : i32
      %add3A_39 = arith.addi %add3A_38, %mul3A_37 : i32
      %dma_wait3A = arith.constant 0 : i32
      %dma_wait3A_40 = tpu.memref_slice %arg6[%add3A_39, %dma_wait3A] : memref<80x128xi32, #tpu.memory_space<vmem>> -> memref<1x128xi32, #tpu.memory_space<vmem>>
      %dma_wait3A_41 = tpu.memref_squeeze %dma_wait3A_40 : memref<1x128xi32, #tpu.memory_space<vmem>> -> memref<128xi32, #tpu.memory_space<vmem>>
      %dma_wait3A_42 = arith.constant 0 : i32
      %dma_wait3A_43 = arith.constant 0 : i32
      %dma_wait3A_44 = tpu.memref_slice %arg9[%dma_wait3A_42, %dma_wait3A_43] : memref<10240x16xf32, #tpu.memory_space<vmem_shared>> -> memref<10240x16xf32, #tpu.memory_space<vmem_shared>>
      tpu.wait_indirect_dma semaphore(%arg10 : memref<!tpu.dma_semaphore, #tpu.memory_space<semaphore_mem>>) src(%arg7 : memref<128x16xf32, #tpu.memory_space<vmem>>) dst(%dma_wait3A_44 : memref<10240x16xf32, #tpu.memory_space<vmem_shared>>)
    }
    %scan3A_29 = arith.constant 80 : i32
    %barrier3A_30 = arith.constant 0 : index
    tpu.barrier barrier_id(%barrier3A_30)
    %mul3A_31 = arith.constant 640 : i32
    %mul3A_32 = arith.muli %arg1, %mul3A_31 : i32
    %mul3A_33 = arith.constant 640 : i32
    %mul3A_34 = arith.muli %arg1, %mul3A_33 : i32
    "tpu.region"() ({
      %run_scoped3A = tpu.sem_alloc : memref<!tpu.dma_semaphore, #tpu.memory_space<semaphore_mem>>
      %dma_start3A = arith.constant 0 : i32
      %dma_start3A_35 = tpu.memref_slice %arg5[%arg0, %mul3A_34, %dma_start3A] : memref<2x10240x16xf32, #tpu.memory_space<hbm>> -> memref<1x640x16xf32, #tpu.memory_space<hbm>>
      %dma_start3A_36 = tpu.memref_squeeze %dma_start3A_35 : memref<1x640x16xf32, #tpu.memory_space<hbm>> -> memref<640x16xf32, #tpu.memory_space<hbm>>
      %dma_start3A_37 = arith.constant 0 : i32
      %dma_start3A_38 = tpu.memref_slice %arg9[%mul3A_32, %dma_start3A_37] : memref<10240x16xf32, #tpu.memory_space<vmem_shared>> -> memref<640x16xf32, #tpu.memory_space<vmem_shared>>
      tpu.enqueue_dma source(%dma_start3A_38 : memref<640x16xf32, #tpu.memory_space<vmem_shared>>) target(%dma_start3A_36 : memref<640x16xf32, #tpu.memory_space<hbm>>) target_semaphore(%run_scoped3A : memref<!tpu.dma_semaphore, #tpu.memory_space<semaphore_mem>>)
      %dma_wait3A = arith.constant 0 : i32
      %dma_wait3A_39 = tpu.memref_slice %arg5[%arg0, %mul3A_34, %dma_wait3A] : memref<2x10240x16xf32, #tpu.memory_space<hbm>> -> memref<1x640x16xf32, #tpu.memory_space<hbm>>
      %dma_wait3A_40 = tpu.memref_squeeze %dma_wait3A_39 : memref<1x640x16xf32, #tpu.memory_space<hbm>> -> memref<640x16xf32, #tpu.memory_space<hbm>>
      %dma_wait3A_41 = arith.constant 0 : i32
      %dma_wait3A_42 = tpu.memref_slice %arg9[%mul3A_32, %dma_wait3A_41] : memref<10240x16xf32, #tpu.memory_space<vmem_shared>> -> memref<640x16xf32, #tpu.memory_space<vmem_shared>>
      tpu.wait_dma2 semaphore(%run_scoped3A : memref<!tpu.dma_semaphore, #tpu.memory_space<semaphore_mem>>) src(%dma_wait3A_42 : memref<640x16xf32, #tpu.memory_space<vmem_shared>>) dst(%dma_wait3A_40 : memref<640x16xf32, #tpu.memory_space<hbm>>)
      tpu.yield
    }) : () -> ()
    return
  }
}

#map = affine_map<(d0, d1) -> (0, 0, 0)>
#map1 = affine_map<(d0, d1) -> (0, 0)>
module attributes {stable_mosaic.version = 14 : i64} {
  func.func @agg(%arg0: i32, %arg1: i32, %arg2: memref<32x80x128xi32, #tpu.memory_space<hbm>>, %arg3: memref<32x80x128xi32, #tpu.memory_space<hbm>>, %arg4: memref<10240x16xf32, #tpu.memory_space<hbm>>, %arg5: memref<128x16xf32, #tpu.memory_space<hbm>>, %arg6: memref<2x10240x16xf32, #tpu.memory_space<hbm>>, %arg7: memref<80x128xi32, #tpu.memory_space<vmem>>, %arg8: memref<80x128xi32, #tpu.memory_space<vmem>>, %arg9: memref<8x128x16xf32, #tpu.memory_space<vmem>>, %arg10: memref<10240x16xf32, #tpu.memory_space<vmem_shared>>, %arg11: memref<8x!tpu.dma_semaphore, #tpu.memory_space<semaphore_mem>>, %arg12: memref<8x!tpu.dma_semaphore, #tpu.memory_space<semaphore_mem>>) attributes {dimension_semantics = [#tpu.dimension_semantics<core_parallel>, #tpu.dimension_semantics<subcore_parallel>], iteration_bounds = array<i64: 2, 16>, scalar_prefetch = 0 : i64, scratch_operands = 6 : i64, tpu.core_type = #tpu.core_type<sc_vector_subcore>, window_params = [{transform_indices = #map}, {transform_indices = #map}, {transform_indices = #map1}, {transform_indices = #map1}, {transform_indices = #map}]} {
    %mul3A = arith.constant 16 : i32
    %mul3A_0 = arith.muli %arg0, %mul3A : i32
    %add3A = arith.addi %mul3A_0, %arg1 : i32
    %run_scoped3A = arith.constant 0 : i32
    "tpu.region"() ({
      %run_scoped3A_35 = tpu.sem_alloc : memref<!tpu.dma_semaphore, #tpu.memory_space<semaphore_mem>>
      %dma_start3A = arith.constant 0 : i32
      %dma_start3A_36 = arith.constant 0 : i32
      %dma_start3A_37 = tpu.memref_slice %arg9[%run_scoped3A, %dma_start3A, %dma_start3A_36] : memref<8x128x16xf32, #tpu.memory_space<vmem>> -> memref<1x128x16xf32, #tpu.memory_space<vmem>>
      %dma_start3A_38 = tpu.memref_squeeze %dma_start3A_37 : memref<1x128x16xf32, #tpu.memory_space<vmem>> -> memref<128x16xf32, #tpu.memory_space<vmem>>
      %dma_start3A_39 = arith.constant 0 : i32
      %dma_start3A_40 = arith.constant 0 : i32
      %dma_start3A_41 = tpu.memref_slice %arg9[%run_scoped3A, %dma_start3A_39, %dma_start3A_40] : memref<8x128x16xf32, #tpu.memory_space<vmem>> -> memref<1x128x16xf32, #tpu.memory_space<vmem>>
      %dma_start3A_42 = tpu.memref_squeeze %dma_start3A_41 : memref<1x128x16xf32, #tpu.memory_space<vmem>> -> memref<128x16xf32, #tpu.memory_space<vmem>>
      tpu.enqueue_dma source(%arg5 : memref<128x16xf32, #tpu.memory_space<hbm>>) target(%dma_start3A_42 : memref<128x16xf32, #tpu.memory_space<vmem>>) target_semaphore(%run_scoped3A_35 : memref<!tpu.dma_semaphore, #tpu.memory_space<semaphore_mem>>)
      %dma_wait3A = arith.constant 0 : i32
      %dma_wait3A_43 = arith.constant 0 : i32
      %dma_wait3A_44 = tpu.memref_slice %arg9[%run_scoped3A, %dma_wait3A, %dma_wait3A_43] : memref<8x128x16xf32, #tpu.memory_space<vmem>> -> memref<1x128x16xf32, #tpu.memory_space<vmem>>
      %dma_wait3A_45 = tpu.memref_squeeze %dma_wait3A_44 : memref<1x128x16xf32, #tpu.memory_space<vmem>> -> memref<128x16xf32, #tpu.memory_space<vmem>>
      %dma_wait3A_46 = arith.constant 0 : i32
      %dma_wait3A_47 = arith.constant 0 : i32
      %dma_wait3A_48 = tpu.memref_slice %arg9[%run_scoped3A, %dma_wait3A_46, %dma_wait3A_47] : memref<8x128x16xf32, #tpu.memory_space<vmem>> -> memref<1x128x16xf32, #tpu.memory_space<vmem>>
      %dma_wait3A_49 = tpu.memref_squeeze %dma_wait3A_48 : memref<1x128x16xf32, #tpu.memory_space<vmem>> -> memref<128x16xf32, #tpu.memory_space<vmem>>
      tpu.wait_dma2 semaphore(%run_scoped3A_35 : memref<!tpu.dma_semaphore, #tpu.memory_space<semaphore_mem>>) src(%arg5 : memref<128x16xf32, #tpu.memory_space<hbm>>) dst(%dma_wait3A_49 : memref<128x16xf32, #tpu.memory_space<vmem>>)
      tpu.yield
    }) : () -> ()
    %mul3A_1 = arith.constant 640 : i32
    %mul3A_2 = arith.muli %arg1, %mul3A_1 : i32
    %add3A_3 = arith.constant 0 : i32
    %add3A_4 = arith.addi %mul3A_2, %add3A_3 : i32
    %run_scoped3A_5 = arith.constant 0 : i32
    "tpu.region"() ({
      %run_scoped3A_35 = tpu.sem_alloc : memref<!tpu.dma_semaphore, #tpu.memory_space<semaphore_mem>>
      %dma_start3A = arith.constant 0 : i32
      %dma_start3A_36 = arith.constant 0 : i32
      %dma_start3A_37 = tpu.memref_slice %arg9[%run_scoped3A_5, %dma_start3A, %dma_start3A_36] : memref<8x128x16xf32, #tpu.memory_space<vmem>> -> memref<1x128x16xf32, #tpu.memory_space<vmem>>
      %dma_start3A_38 = tpu.memref_squeeze %dma_start3A_37 : memref<1x128x16xf32, #tpu.memory_space<vmem>> -> memref<128x16xf32, #tpu.memory_space<vmem>>
      %dma_start3A_39 = arith.constant 0 : i32
      %dma_start3A_40 = tpu.memref_slice %arg10[%add3A_4, %dma_start3A_39] : memref<10240x16xf32, #tpu.memory_space<vmem_shared>> -> memref<128x16xf32, #tpu.memory_space<vmem_shared>>
      %dma_start3A_41 = arith.constant 0 : i32
      %dma_start3A_42 = tpu.memref_slice %arg10[%add3A_4, %dma_start3A_41] : memref<10240x16xf32, #tpu.memory_space<vmem_shared>> -> memref<128x16xf32, #tpu.memory_space<vmem_shared>>
      %dma_start3A_43 = arith.constant 0 : i32
      %dma_start3A_44 = arith.constant 0 : i32
      %dma_start3A_45 = tpu.memref_slice %arg9[%run_scoped3A_5, %dma_start3A_43, %dma_start3A_44] : memref<8x128x16xf32, #tpu.memory_space<vmem>> -> memref<1x128x16xf32, #tpu.memory_space<vmem>>
      %dma_start3A_46 = tpu.memref_squeeze %dma_start3A_45 : memref<1x128x16xf32, #tpu.memory_space<vmem>> -> memref<128x16xf32, #tpu.memory_space<vmem>>
      tpu.enqueue_dma source(%dma_start3A_46 : memref<128x16xf32, #tpu.memory_space<vmem>>) target(%dma_start3A_42 : memref<128x16xf32, #tpu.memory_space<vmem_shared>>) target_semaphore(%run_scoped3A_35 : memref<!tpu.dma_semaphore, #tpu.memory_space<semaphore_mem>>)
      %dma_wait3A = arith.constant 0 : i32
      %dma_wait3A_47 = arith.constant 0 : i32
      %dma_wait3A_48 = tpu.memref_slice %arg9[%run_scoped3A_5, %dma_wait3A, %dma_wait3A_47] : memref<8x128x16xf32, #tpu.memory_space<vmem>> -> memref<1x128x16xf32, #tpu.memory_space<vmem>>
      %dma_wait3A_49 = tpu.memref_squeeze %dma_wait3A_48 : memref<1x128x16xf32, #tpu.memory_space<vmem>> -> memref<128x16xf32, #tpu.memory_space<vmem>>
      %dma_wait3A_50 = arith.constant 0 : i32
      %dma_wait3A_51 = tpu.memref_slice %arg10[%add3A_4, %dma_wait3A_50] : memref<10240x16xf32, #tpu.memory_space<vmem_shared>> -> memref<128x16xf32, #tpu.memory_space<vmem_shared>>
      %dma_wait3A_52 = arith.constant 0 : i32
      %dma_wait3A_53 = tpu.memref_slice %arg10[%add3A_4, %dma_wait3A_52] : memref<10240x16xf32, #tpu.memory_space<vmem_shared>> -> memref<128x16xf32, #tpu.memory_space<vmem_shared>>
      %dma_wait3A_54 = arith.constant 0 : i32
      %dma_wait3A_55 = arith.constant 0 : i32
      %dma_wait3A_56 = tpu.memref_slice %arg9[%run_scoped3A_5, %dma_wait3A_54, %dma_wait3A_55] : memref<8x128x16xf32, #tpu.memory_space<vmem>> -> memref<1x128x16xf32, #tpu.memory_space<vmem>>
      %dma_wait3A_57 = tpu.memref_squeeze %dma_wait3A_56 : memref<1x128x16xf32, #tpu.memory_space<vmem>> -> memref<128x16xf32, #tpu.memory_space<vmem>>
      tpu.wait_dma2 semaphore(%run_scoped3A_35 : memref<!tpu.dma_semaphore, #tpu.memory_space<semaphore_mem>>) src(%dma_wait3A_57 : memref<128x16xf32, #tpu.memory_space<vmem>>) dst(%dma_wait3A_53 : memref<128x16xf32, #tpu.memory_space<vmem_shared>>)
      tpu.yield
    }) : () -> ()
    %mul3A_6 = arith.constant 640 : i32
    %mul3A_7 = arith.muli %arg1, %mul3A_6 : i32
    %add3A_8 = arith.constant 128 : i32
    %add3A_9 = arith.addi %mul3A_7, %add3A_8 : i32
    %run_scoped3A_10 = arith.constant 0 : i32
    "tpu.region"() ({
      %run_scoped3A_35 = tpu.sem_alloc : memref<!tpu.dma_semaphore, #tpu.memory_space<semaphore_mem>>
      %dma_start3A = arith.constant 0 : i32
      %dma_start3A_36 = arith.constant 0 : i32
      %dma_start3A_37 = tpu.memref_slice %arg9[%run_scoped3A_10, %dma_start3A, %dma_start3A_36] : memref<8x128x16xf32, #tpu.memory_space<vmem>> -> memref<1x128x16xf32, #tpu.memory_space<vmem>>
      %dma_start3A_38 = tpu.memref_squeeze %dma_start3A_37 : memref<1x128x16xf32, #tpu.memory_space<vmem>> -> memref<128x16xf32, #tpu.memory_space<vmem>>
      %dma_start3A_39 = arith.constant 0 : i32
      %dma_start3A_40 = tpu.memref_slice %arg10[%add3A_9, %dma_start3A_39] : memref<10240x16xf32, #tpu.memory_space<vmem_shared>> -> memref<128x16xf32, #tpu.memory_space<vmem_shared>>
      %dma_start3A_41 = arith.constant 0 : i32
      %dma_start3A_42 = tpu.memref_slice %arg10[%add3A_9, %dma_start3A_41] : memref<10240x16xf32, #tpu.memory_space<vmem_shared>> -> memref<128x16xf32, #tpu.memory_space<vmem_shared>>
      %dma_start3A_43 = arith.constant 0 : i32
      %dma_start3A_44 = arith.constant 0 : i32
      %dma_start3A_45 = tpu.memref_slice %arg9[%run_scoped3A_10, %dma_start3A_43, %dma_start3A_44] : memref<8x128x16xf32, #tpu.memory_space<vmem>> -> memref<1x128x16xf32, #tpu.memory_space<vmem>>
      %dma_start3A_46 = tpu.memref_squeeze %dma_start3A_45 : memref<1x128x16xf32, #tpu.memory_space<vmem>> -> memref<128x16xf32, #tpu.memory_space<vmem>>
      tpu.enqueue_dma source(%dma_start3A_46 : memref<128x16xf32, #tpu.memory_space<vmem>>) target(%dma_start3A_42 : memref<128x16xf32, #tpu.memory_space<vmem_shared>>) target_semaphore(%run_scoped3A_35 : memref<!tpu.dma_semaphore, #tpu.memory_space<semaphore_mem>>)
      %dma_wait3A = arith.constant 0 : i32
      %dma_wait3A_47 = arith.constant 0 : i32
      %dma_wait3A_48 = tpu.memref_slice %arg9[%run_scoped3A_10, %dma_wait3A, %dma_wait3A_47] : memref<8x128x16xf32, #tpu.memory_space<vmem>> -> memref<1x128x16xf32, #tpu.memory_space<vmem>>
      %dma_wait3A_49 = tpu.memref_squeeze %dma_wait3A_48 : memref<1x128x16xf32, #tpu.memory_space<vmem>> -> memref<128x16xf32, #tpu.memory_space<vmem>>
      %dma_wait3A_50 = arith.constant 0 : i32
      %dma_wait3A_51 = tpu.memref_slice %arg10[%add3A_9, %dma_wait3A_50] : memref<10240x16xf32, #tpu.memory_space<vmem_shared>> -> memref<128x16xf32, #tpu.memory_space<vmem_shared>>
      %dma_wait3A_52 = arith.constant 0 : i32
      %dma_wait3A_53 = tpu.memref_slice %arg10[%add3A_9, %dma_wait3A_52] : memref<10240x16xf32, #tpu.memory_space<vmem_shared>> -> memref<128x16xf32, #tpu.memory_space<vmem_shared>>
      %dma_wait3A_54 = arith.constant 0 : i32
      %dma_wait3A_55 = arith.constant 0 : i32
      %dma_wait3A_56 = tpu.memref_slice %arg9[%run_scoped3A_10, %dma_wait3A_54, %dma_wait3A_55] : memref<8x128x16xf32, #tpu.memory_space<vmem>> -> memref<1x128x16xf32, #tpu.memory_space<vmem>>
      %dma_wait3A_57 = tpu.memref_squeeze %dma_wait3A_56 : memref<1x128x16xf32, #tpu.memory_space<vmem>> -> memref<128x16xf32, #tpu.memory_space<vmem>>
      tpu.wait_dma2 semaphore(%run_scoped3A_35 : memref<!tpu.dma_semaphore, #tpu.memory_space<semaphore_mem>>) src(%dma_wait3A_57 : memref<128x16xf32, #tpu.memory_space<vmem>>) dst(%dma_wait3A_53 : memref<128x16xf32, #tpu.memory_space<vmem_shared>>)
      tpu.yield
    }) : () -> ()
    %mul3A_11 = arith.constant 640 : i32
    %mul3A_12 = arith.muli %arg1, %mul3A_11 : i32
    %add3A_13 = arith.constant 256 : i32
    %add3A_14 = arith.addi %mul3A_12, %add3A_13 : i32
    %run_scoped3A_15 = arith.constant 0 : i32
    "tpu.region"() ({
      %run_scoped3A_35 = tpu.sem_alloc : memref<!tpu.dma_semaphore, #tpu.memory_space<semaphore_mem>>
      %dma_start3A = arith.constant 0 : i32
      %dma_start3A_36 = arith.constant 0 : i32
      %dma_start3A_37 = tpu.memref_slice %arg9[%run_scoped3A_15, %dma_start3A, %dma_start3A_36] : memref<8x128x16xf32, #tpu.memory_space<vmem>> -> memref<1x128x16xf32, #tpu.memory_space<vmem>>
      %dma_start3A_38 = tpu.memref_squeeze %dma_start3A_37 : memref<1x128x16xf32, #tpu.memory_space<vmem>> -> memref<128x16xf32, #tpu.memory_space<vmem>>
      %dma_start3A_39 = arith.constant 0 : i32
      %dma_start3A_40 = tpu.memref_slice %arg10[%add3A_14, %dma_start3A_39] : memref<10240x16xf32, #tpu.memory_space<vmem_shared>> -> memref<128x16xf32, #tpu.memory_space<vmem_shared>>
      %dma_start3A_41 = arith.constant 0 : i32
      %dma_start3A_42 = tpu.memref_slice %arg10[%add3A_14, %dma_start3A_41] : memref<10240x16xf32, #tpu.memory_space<vmem_shared>> -> memref<128x16xf32, #tpu.memory_space<vmem_shared>>
      %dma_start3A_43 = arith.constant 0 : i32
      %dma_start3A_44 = arith.constant 0 : i32
      %dma_start3A_45 = tpu.memref_slice %arg9[%run_scoped3A_15, %dma_start3A_43, %dma_start3A_44] : memref<8x128x16xf32, #tpu.memory_space<vmem>> -> memref<1x128x16xf32, #tpu.memory_space<vmem>>
      %dma_start3A_46 = tpu.memref_squeeze %dma_start3A_45 : memref<1x128x16xf32, #tpu.memory_space<vmem>> -> memref<128x16xf32, #tpu.memory_space<vmem>>
      tpu.enqueue_dma source(%dma_start3A_46 : memref<128x16xf32, #tpu.memory_space<vmem>>) target(%dma_start3A_42 : memref<128x16xf32, #tpu.memory_space<vmem_shared>>) target_semaphore(%run_scoped3A_35 : memref<!tpu.dma_semaphore, #tpu.memory_space<semaphore_mem>>)
      %dma_wait3A = arith.constant 0 : i32
      %dma_wait3A_47 = arith.constant 0 : i32
      %dma_wait3A_48 = tpu.memref_slice %arg9[%run_scoped3A_15, %dma_wait3A, %dma_wait3A_47] : memref<8x128x16xf32, #tpu.memory_space<vmem>> -> memref<1x128x16xf32, #tpu.memory_space<vmem>>
      %dma_wait3A_49 = tpu.memref_squeeze %dma_wait3A_48 : memref<1x128x16xf32, #tpu.memory_space<vmem>> -> memref<128x16xf32, #tpu.memory_space<vmem>>
      %dma_wait3A_50 = arith.constant 0 : i32
      %dma_wait3A_51 = tpu.memref_slice %arg10[%add3A_14, %dma_wait3A_50] : memref<10240x16xf32, #tpu.memory_space<vmem_shared>> -> memref<128x16xf32, #tpu.memory_space<vmem_shared>>
      %dma_wait3A_52 = arith.constant 0 : i32
      %dma_wait3A_53 = tpu.memref_slice %arg10[%add3A_14, %dma_wait3A_52] : memref<10240x16xf32, #tpu.memory_space<vmem_shared>> -> memref<128x16xf32, #tpu.memory_space<vmem_shared>>
      %dma_wait3A_54 = arith.constant 0 : i32
      %dma_wait3A_55 = arith.constant 0 : i32
      %dma_wait3A_56 = tpu.memref_slice %arg9[%run_scoped3A_15, %dma_wait3A_54, %dma_wait3A_55] : memref<8x128x16xf32, #tpu.memory_space<vmem>> -> memref<1x128x16xf32, #tpu.memory_space<vmem>>
      %dma_wait3A_57 = tpu.memref_squeeze %dma_wait3A_56 : memref<1x128x16xf32, #tpu.memory_space<vmem>> -> memref<128x16xf32, #tpu.memory_space<vmem>>
      tpu.wait_dma2 semaphore(%run_scoped3A_35 : memref<!tpu.dma_semaphore, #tpu.memory_space<semaphore_mem>>) src(%dma_wait3A_57 : memref<128x16xf32, #tpu.memory_space<vmem>>) dst(%dma_wait3A_53 : memref<128x16xf32, #tpu.memory_space<vmem_shared>>)
      tpu.yield
    }) : () -> ()
    %mul3A_16 = arith.constant 640 : i32
    %mul3A_17 = arith.muli %arg1, %mul3A_16 : i32
    %add3A_18 = arith.constant 384 : i32
    %add3A_19 = arith.addi %mul3A_17, %add3A_18 : i32
    %run_scoped3A_20 = arith.constant 0 : i32
    "tpu.region"() ({
      %run_scoped3A_35 = tpu.sem_alloc : memref<!tpu.dma_semaphore, #tpu.memory_space<semaphore_mem>>
      %dma_start3A = arith.constant 0 : i32
      %dma_start3A_36 = arith.constant 0 : i32
      %dma_start3A_37 = tpu.memref_slice %arg9[%run_scoped3A_20, %dma_start3A, %dma_start3A_36] : memref<8x128x16xf32, #tpu.memory_space<vmem>> -> memref<1x128x16xf32, #tpu.memory_space<vmem>>
      %dma_start3A_38 = tpu.memref_squeeze %dma_start3A_37 : memref<1x128x16xf32, #tpu.memory_space<vmem>> -> memref<128x16xf32, #tpu.memory_space<vmem>>
      %dma_start3A_39 = arith.constant 0 : i32
      %dma_start3A_40 = tpu.memref_slice %arg10[%add3A_19, %dma_start3A_39] : memref<10240x16xf32, #tpu.memory_space<vmem_shared>> -> memref<128x16xf32, #tpu.memory_space<vmem_shared>>
      %dma_start3A_41 = arith.constant 0 : i32
      %dma_start3A_42 = tpu.memref_slice %arg10[%add3A_19, %dma_start3A_41] : memref<10240x16xf32, #tpu.memory_space<vmem_shared>> -> memref<128x16xf32, #tpu.memory_space<vmem_shared>>
      %dma_start3A_43 = arith.constant 0 : i32
      %dma_start3A_44 = arith.constant 0 : i32
      %dma_start3A_45 = tpu.memref_slice %arg9[%run_scoped3A_20, %dma_start3A_43, %dma_start3A_44] : memref<8x128x16xf32, #tpu.memory_space<vmem>> -> memref<1x128x16xf32, #tpu.memory_space<vmem>>
      %dma_start3A_46 = tpu.memref_squeeze %dma_start3A_45 : memref<1x128x16xf32, #tpu.memory_space<vmem>> -> memref<128x16xf32, #tpu.memory_space<vmem>>
      tpu.enqueue_dma source(%dma_start3A_46 : memref<128x16xf32, #tpu.memory_space<vmem>>) target(%dma_start3A_42 : memref<128x16xf32, #tpu.memory_space<vmem_shared>>) target_semaphore(%run_scoped3A_35 : memref<!tpu.dma_semaphore, #tpu.memory_space<semaphore_mem>>)
      %dma_wait3A = arith.constant 0 : i32
      %dma_wait3A_47 = arith.constant 0 : i32
      %dma_wait3A_48 = tpu.memref_slice %arg9[%run_scoped3A_20, %dma_wait3A, %dma_wait3A_47] : memref<8x128x16xf32, #tpu.memory_space<vmem>> -> memref<1x128x16xf32, #tpu.memory_space<vmem>>
      %dma_wait3A_49 = tpu.memref_squeeze %dma_wait3A_48 : memref<1x128x16xf32, #tpu.memory_space<vmem>> -> memref<128x16xf32, #tpu.memory_space<vmem>>
      %dma_wait3A_50 = arith.constant 0 : i32
      %dma_wait3A_51 = tpu.memref_slice %arg10[%add3A_19, %dma_wait3A_50] : memref<10240x16xf32, #tpu.memory_space<vmem_shared>> -> memref<128x16xf32, #tpu.memory_space<vmem_shared>>
      %dma_wait3A_52 = arith.constant 0 : i32
      %dma_wait3A_53 = tpu.memref_slice %arg10[%add3A_19, %dma_wait3A_52] : memref<10240x16xf32, #tpu.memory_space<vmem_shared>> -> memref<128x16xf32, #tpu.memory_space<vmem_shared>>
      %dma_wait3A_54 = arith.constant 0 : i32
      %dma_wait3A_55 = arith.constant 0 : i32
      %dma_wait3A_56 = tpu.memref_slice %arg9[%run_scoped3A_20, %dma_wait3A_54, %dma_wait3A_55] : memref<8x128x16xf32, #tpu.memory_space<vmem>> -> memref<1x128x16xf32, #tpu.memory_space<vmem>>
      %dma_wait3A_57 = tpu.memref_squeeze %dma_wait3A_56 : memref<1x128x16xf32, #tpu.memory_space<vmem>> -> memref<128x16xf32, #tpu.memory_space<vmem>>
      tpu.wait_dma2 semaphore(%run_scoped3A_35 : memref<!tpu.dma_semaphore, #tpu.memory_space<semaphore_mem>>) src(%dma_wait3A_57 : memref<128x16xf32, #tpu.memory_space<vmem>>) dst(%dma_wait3A_53 : memref<128x16xf32, #tpu.memory_space<vmem_shared>>)
      tpu.yield
    }) : () -> ()
    %mul3A_21 = arith.constant 640 : i32
    %mul3A_22 = arith.muli %arg1, %mul3A_21 : i32
    %add3A_23 = arith.constant 512 : i32
    %add3A_24 = arith.addi %mul3A_22, %add3A_23 : i32
    %run_scoped3A_25 = arith.constant 0 : i32
    "tpu.region"() ({
      %run_scoped3A_35 = tpu.sem_alloc : memref<!tpu.dma_semaphore, #tpu.memory_space<semaphore_mem>>
      %dma_start3A = arith.constant 0 : i32
      %dma_start3A_36 = arith.constant 0 : i32
      %dma_start3A_37 = tpu.memref_slice %arg9[%run_scoped3A_25, %dma_start3A, %dma_start3A_36] : memref<8x128x16xf32, #tpu.memory_space<vmem>> -> memref<1x128x16xf32, #tpu.memory_space<vmem>>
      %dma_start3A_38 = tpu.memref_squeeze %dma_start3A_37 : memref<1x128x16xf32, #tpu.memory_space<vmem>> -> memref<128x16xf32, #tpu.memory_space<vmem>>
      %dma_start3A_39 = arith.constant 0 : i32
      %dma_start3A_40 = tpu.memref_slice %arg10[%add3A_24, %dma_start3A_39] : memref<10240x16xf32, #tpu.memory_space<vmem_shared>> -> memref<128x16xf32, #tpu.memory_space<vmem_shared>>
      %dma_start3A_41 = arith.constant 0 : i32
      %dma_start3A_42 = tpu.memref_slice %arg10[%add3A_24, %dma_start3A_41] : memref<10240x16xf32, #tpu.memory_space<vmem_shared>> -> memref<128x16xf32, #tpu.memory_space<vmem_shared>>
      %dma_start3A_43 = arith.constant 0 : i32
      %dma_start3A_44 = arith.constant 0 : i32
      %dma_start3A_45 = tpu.memref_slice %arg9[%run_scoped3A_25, %dma_start3A_43, %dma_start3A_44] : memref<8x128x16xf32, #tpu.memory_space<vmem>> -> memref<1x128x16xf32, #tpu.memory_space<vmem>>
      %dma_start3A_46 = tpu.memref_squeeze %dma_start3A_45 : memref<1x128x16xf32, #tpu.memory_space<vmem>> -> memref<128x16xf32, #tpu.memory_space<vmem>>
      tpu.enqueue_dma source(%dma_start3A_46 : memref<128x16xf32, #tpu.memory_space<vmem>>) target(%dma_start3A_42 : memref<128x16xf32, #tpu.memory_space<vmem_shared>>) target_semaphore(%run_scoped3A_35 : memref<!tpu.dma_semaphore, #tpu.memory_space<semaphore_mem>>)
      %dma_wait3A = arith.constant 0 : i32
      %dma_wait3A_47 = arith.constant 0 : i32
      %dma_wait3A_48 = tpu.memref_slice %arg9[%run_scoped3A_25, %dma_wait3A, %dma_wait3A_47] : memref<8x128x16xf32, #tpu.memory_space<vmem>> -> memref<1x128x16xf32, #tpu.memory_space<vmem>>
      %dma_wait3A_49 = tpu.memref_squeeze %dma_wait3A_48 : memref<1x128x16xf32, #tpu.memory_space<vmem>> -> memref<128x16xf32, #tpu.memory_space<vmem>>
      %dma_wait3A_50 = arith.constant 0 : i32
      %dma_wait3A_51 = tpu.memref_slice %arg10[%add3A_24, %dma_wait3A_50] : memref<10240x16xf32, #tpu.memory_space<vmem_shared>> -> memref<128x16xf32, #tpu.memory_space<vmem_shared>>
      %dma_wait3A_52 = arith.constant 0 : i32
      %dma_wait3A_53 = tpu.memref_slice %arg10[%add3A_24, %dma_wait3A_52] : memref<10240x16xf32, #tpu.memory_space<vmem_shared>> -> memref<128x16xf32, #tpu.memory_space<vmem_shared>>
      %dma_wait3A_54 = arith.constant 0 : i32
      %dma_wait3A_55 = arith.constant 0 : i32
      %dma_wait3A_56 = tpu.memref_slice %arg9[%run_scoped3A_25, %dma_wait3A_54, %dma_wait3A_55] : memref<8x128x16xf32, #tpu.memory_space<vmem>> -> memref<1x128x16xf32, #tpu.memory_space<vmem>>
      %dma_wait3A_57 = tpu.memref_squeeze %dma_wait3A_56 : memref<1x128x16xf32, #tpu.memory_space<vmem>> -> memref<128x16xf32, #tpu.memory_space<vmem>>
      tpu.wait_dma2 semaphore(%run_scoped3A_35 : memref<!tpu.dma_semaphore, #tpu.memory_space<semaphore_mem>>) src(%dma_wait3A_57 : memref<128x16xf32, #tpu.memory_space<vmem>>) dst(%dma_wait3A_53 : memref<128x16xf32, #tpu.memory_space<vmem_shared>>)
      tpu.yield
    }) : () -> ()
    %barrier3A = arith.constant 0 : index
    tpu.barrier barrier_id(%barrier3A)
    "tpu.region"() ({
      %run_scoped3A_35 = tpu.sem_alloc : memref<!tpu.dma_semaphore, #tpu.memory_space<semaphore_mem>>
      %dma_start3A = arith.constant 0 : i32
      %dma_start3A_36 = arith.constant 0 : i32
      %dma_start3A_37 = tpu.memref_slice %arg2[%add3A, %dma_start3A, %dma_start3A_36] : memref<32x80x128xi32, #tpu.memory_space<hbm>> -> memref<1x80x128xi32, #tpu.memory_space<hbm>>
      %dma_start3A_38 = tpu.memref_squeeze %dma_start3A_37 : memref<1x80x128xi32, #tpu.memory_space<hbm>> -> memref<80x128xi32, #tpu.memory_space<hbm>>
      %dma_start3A_39 = arith.constant 0 : i32
      %dma_start3A_40 = arith.constant 0 : i32
      %dma_start3A_41 = tpu.memref_slice %arg2[%add3A, %dma_start3A_39, %dma_start3A_40] : memref<32x80x128xi32, #tpu.memory_space<hbm>> -> memref<1x80x128xi32, #tpu.memory_space<hbm>>
      %dma_start3A_42 = tpu.memref_squeeze %dma_start3A_41 : memref<1x80x128xi32, #tpu.memory_space<hbm>> -> memref<80x128xi32, #tpu.memory_space<hbm>>
      tpu.enqueue_dma source(%dma_start3A_42 : memref<80x128xi32, #tpu.memory_space<hbm>>) target(%arg7 : memref<80x128xi32, #tpu.memory_space<vmem>>) target_semaphore(%run_scoped3A_35 : memref<!tpu.dma_semaphore, #tpu.memory_space<semaphore_mem>>)
      %dma_wait3A = arith.constant 0 : i32
      %dma_wait3A_43 = arith.constant 0 : i32
      %dma_wait3A_44 = tpu.memref_slice %arg2[%add3A, %dma_wait3A, %dma_wait3A_43] : memref<32x80x128xi32, #tpu.memory_space<hbm>> -> memref<1x80x128xi32, #tpu.memory_space<hbm>>
      %dma_wait3A_45 = tpu.memref_squeeze %dma_wait3A_44 : memref<1x80x128xi32, #tpu.memory_space<hbm>> -> memref<80x128xi32, #tpu.memory_space<hbm>>
      %dma_wait3A_46 = arith.constant 0 : i32
      %dma_wait3A_47 = arith.constant 0 : i32
      %dma_wait3A_48 = tpu.memref_slice %arg2[%add3A, %dma_wait3A_46, %dma_wait3A_47] : memref<32x80x128xi32, #tpu.memory_space<hbm>> -> memref<1x80x128xi32, #tpu.memory_space<hbm>>
      %dma_wait3A_49 = tpu.memref_squeeze %dma_wait3A_48 : memref<1x80x128xi32, #tpu.memory_space<hbm>> -> memref<80x128xi32, #tpu.memory_space<hbm>>
      tpu.wait_dma2 semaphore(%run_scoped3A_35 : memref<!tpu.dma_semaphore, #tpu.memory_space<semaphore_mem>>) src(%dma_wait3A_49 : memref<80x128xi32, #tpu.memory_space<hbm>>) dst(%arg7 : memref<80x128xi32, #tpu.memory_space<vmem>>)
      tpu.yield
    }) : () -> ()
    "tpu.region"() ({
      %run_scoped3A_35 = tpu.sem_alloc : memref<!tpu.dma_semaphore, #tpu.memory_space<semaphore_mem>>
      %dma_start3A = arith.constant 0 : i32
      %dma_start3A_36 = arith.constant 0 : i32
      %dma_start3A_37 = tpu.memref_slice %arg3[%add3A, %dma_start3A, %dma_start3A_36] : memref<32x80x128xi32, #tpu.memory_space<hbm>> -> memref<1x80x128xi32, #tpu.memory_space<hbm>>
      %dma_start3A_38 = tpu.memref_squeeze %dma_start3A_37 : memref<1x80x128xi32, #tpu.memory_space<hbm>> -> memref<80x128xi32, #tpu.memory_space<hbm>>
      %dma_start3A_39 = arith.constant 0 : i32
      %dma_start3A_40 = arith.constant 0 : i32
      %dma_start3A_41 = tpu.memref_slice %arg3[%add3A, %dma_start3A_39, %dma_start3A_40] : memref<32x80x128xi32, #tpu.memory_space<hbm>> -> memref<1x80x128xi32, #tpu.memory_space<hbm>>
      %dma_start3A_42 = tpu.memref_squeeze %dma_start3A_41 : memref<1x80x128xi32, #tpu.memory_space<hbm>> -> memref<80x128xi32, #tpu.memory_space<hbm>>
      tpu.enqueue_dma source(%dma_start3A_42 : memref<80x128xi32, #tpu.memory_space<hbm>>) target(%arg8 : memref<80x128xi32, #tpu.memory_space<vmem>>) target_semaphore(%run_scoped3A_35 : memref<!tpu.dma_semaphore, #tpu.memory_space<semaphore_mem>>)
      %dma_wait3A = arith.constant 0 : i32
      %dma_wait3A_43 = arith.constant 0 : i32
      %dma_wait3A_44 = tpu.memref_slice %arg3[%add3A, %dma_wait3A, %dma_wait3A_43] : memref<32x80x128xi32, #tpu.memory_space<hbm>> -> memref<1x80x128xi32, #tpu.memory_space<hbm>>
      %dma_wait3A_45 = tpu.memref_squeeze %dma_wait3A_44 : memref<1x80x128xi32, #tpu.memory_space<hbm>> -> memref<80x128xi32, #tpu.memory_space<hbm>>
      %dma_wait3A_46 = arith.constant 0 : i32
      %dma_wait3A_47 = arith.constant 0 : i32
      %dma_wait3A_48 = tpu.memref_slice %arg3[%add3A, %dma_wait3A_46, %dma_wait3A_47] : memref<32x80x128xi32, #tpu.memory_space<hbm>> -> memref<1x80x128xi32, #tpu.memory_space<hbm>>
      %dma_wait3A_49 = tpu.memref_squeeze %dma_wait3A_48 : memref<1x80x128xi32, #tpu.memory_space<hbm>> -> memref<80x128xi32, #tpu.memory_space<hbm>>
      tpu.wait_dma2 semaphore(%run_scoped3A_35 : memref<!tpu.dma_semaphore, #tpu.memory_space<semaphore_mem>>) src(%dma_wait3A_49 : memref<80x128xi32, #tpu.memory_space<hbm>>) dst(%arg8 : memref<80x128xi32, #tpu.memory_space<vmem>>)
      tpu.yield
    }) : () -> ()
    %scan3A = arith.constant 0 : i32
    %scan3A_26 = arith.constant 10 : i32
    %scan3A_27 = arith.addi %scan3A, %scan3A_26 : i32
    %scan3A_28 = arith.constant 1 : i32
    scf.for %scan3A_35 = %scan3A to %scan3A_27 step %scan3A_28  : i32 {
      %mul3A_36 = arith.constant 8 : i32
      %mul3A_37 = arith.muli %scan3A_35, %mul3A_36 : i32
      %add3A_38 = arith.constant 0 : i32
      %add3A_39 = arith.addi %add3A_38, %mul3A_37 : i32
      %add3A_40 = arith.constant 0 : i32
      %add3A_41 = arith.addi %add3A_39, %add3A_40 : i32
      %dma_start3A = arith.constant 0 : i32
      %dma_start3A_42 = arith.constant 0 : i32
      %dma_start3A_43 = arith.constant 0 : i32
      %dma_start3A_44 = arith.constant 0 : i32
      %dma_start3A_45 = tpu.memref_slice %arg9[%dma_start3A, %dma_start3A_43, %dma_start3A_44] : memref<8x128x16xf32, #tpu.memory_space<vmem>> -> memref<1x128x16xf32, #tpu.memory_space<vmem>>
      %dma_start3A_46 = tpu.memref_squeeze %dma_start3A_45 : memref<1x128x16xf32, #tpu.memory_space<vmem>> -> memref<128x16xf32, #tpu.memory_space<vmem>>
      %dma_start3A_47 = arith.constant 0 : i32
      %dma_start3A_48 = tpu.memref_slice %arg7[%add3A_41, %dma_start3A_47] : memref<80x128xi32, #tpu.memory_space<vmem>> -> memref<1x128xi32, #tpu.memory_space<vmem>>
      %dma_start3A_49 = tpu.memref_squeeze %dma_start3A_48 : memref<1x128xi32, #tpu.memory_space<vmem>> -> memref<128xi32, #tpu.memory_space<vmem>>
      %dma_start3A_50 = arith.constant 0 : i32
      %dma_start3A_51 = arith.constant 0 : i32
      %dma_start3A_52 = tpu.memref_slice %arg4[%dma_start3A_50, %dma_start3A_51] : memref<10240x16xf32, #tpu.memory_space<hbm>> -> memref<10240x16xf32, #tpu.memory_space<hbm>>
      %dma_start3A_53 = tpu.memref_slice %arg11[%dma_start3A_42] : memref<8x!tpu.dma_semaphore, #tpu.memory_space<semaphore_mem>> -> memref<1x!tpu.dma_semaphore, #tpu.memory_space<semaphore_mem>>
      %dma_start3A_54 = tpu.memref_squeeze %dma_start3A_53 : memref<1x!tpu.dma_semaphore, #tpu.memory_space<semaphore_mem>> -> memref<!tpu.dma_semaphore, #tpu.memory_space<semaphore_mem>>
      tpu.enqueue_indirect_dma source(%dma_start3A_52 : memref<10240x16xf32, #tpu.memory_space<hbm>>) target(%dma_start3A_46 : memref<128x16xf32, #tpu.memory_space<vmem>>) offsets(%dma_start3A_49 : memref<128xi32, #tpu.memory_space<vmem>>) semaphore(%dma_start3A_54 : memref<!tpu.dma_semaphore, #tpu.memory_space<semaphore_mem>>)
      %add3A_55 = arith.constant 1 : i32
      %add3A_56 = arith.addi %add3A_39, %add3A_55 : i32
      %dma_start3A_57 = arith.constant 1 : i32
      %dma_start3A_58 = arith.constant 1 : i32
      %dma_start3A_59 = arith.constant 0 : i32
      %dma_start3A_60 = arith.constant 0 : i32
      %dma_start3A_61 = tpu.memref_slice %arg9[%dma_start3A_57, %dma_start3A_59, %dma_start3A_60] : memref<8x128x16xf32, #tpu.memory_space<vmem>> -> memref<1x128x16xf32, #tpu.memory_space<vmem>>
      %dma_start3A_62 = tpu.memref_squeeze %dma_start3A_61 : memref<1x128x16xf32, #tpu.memory_space<vmem>> -> memref<128x16xf32, #tpu.memory_space<vmem>>
      %dma_start3A_63 = arith.constant 0 : i32
      %dma_start3A_64 = tpu.memref_slice %arg7[%add3A_56, %dma_start3A_63] : memref<80x128xi32, #tpu.memory_space<vmem>> -> memref<1x128xi32, #tpu.memory_space<vmem>>
      %dma_start3A_65 = tpu.memref_squeeze %dma_start3A_64 : memref<1x128xi32, #tpu.memory_space<vmem>> -> memref<128xi32, #tpu.memory_space<vmem>>
      %dma_start3A_66 = arith.constant 0 : i32
      %dma_start3A_67 = arith.constant 0 : i32
      %dma_start3A_68 = tpu.memref_slice %arg4[%dma_start3A_66, %dma_start3A_67] : memref<10240x16xf32, #tpu.memory_space<hbm>> -> memref<10240x16xf32, #tpu.memory_space<hbm>>
      %dma_start3A_69 = tpu.memref_slice %arg11[%dma_start3A_58] : memref<8x!tpu.dma_semaphore, #tpu.memory_space<semaphore_mem>> -> memref<1x!tpu.dma_semaphore, #tpu.memory_space<semaphore_mem>>
      %dma_start3A_70 = tpu.memref_squeeze %dma_start3A_69 : memref<1x!tpu.dma_semaphore, #tpu.memory_space<semaphore_mem>> -> memref<!tpu.dma_semaphore, #tpu.memory_space<semaphore_mem>>
      tpu.enqueue_indirect_dma source(%dma_start3A_68 : memref<10240x16xf32, #tpu.memory_space<hbm>>) target(%dma_start3A_62 : memref<128x16xf32, #tpu.memory_space<vmem>>) offsets(%dma_start3A_65 : memref<128xi32, #tpu.memory_space<vmem>>) semaphore(%dma_start3A_70 : memref<!tpu.dma_semaphore, #tpu.memory_space<semaphore_mem>>)
      %add3A_71 = arith.constant 2 : i32
      %add3A_72 = arith.addi %add3A_39, %add3A_71 : i32
      %dma_start3A_73 = arith.constant 2 : i32
      %dma_start3A_74 = arith.constant 2 : i32
      %dma_start3A_75 = arith.constant 0 : i32
      %dma_start3A_76 = arith.constant 0 : i32
      %dma_start3A_77 = tpu.memref_slice %arg9[%dma_start3A_73, %dma_start3A_75, %dma_start3A_76] : memref<8x128x16xf32, #tpu.memory_space<vmem>> -> memref<1x128x16xf32, #tpu.memory_space<vmem>>
      %dma_start3A_78 = tpu.memref_squeeze %dma_start3A_77 : memref<1x128x16xf32, #tpu.memory_space<vmem>> -> memref<128x16xf32, #tpu.memory_space<vmem>>
      %dma_start3A_79 = arith.constant 0 : i32
      %dma_start3A_80 = tpu.memref_slice %arg7[%add3A_72, %dma_start3A_79] : memref<80x128xi32, #tpu.memory_space<vmem>> -> memref<1x128xi32, #tpu.memory_space<vmem>>
      %dma_start3A_81 = tpu.memref_squeeze %dma_start3A_80 : memref<1x128xi32, #tpu.memory_space<vmem>> -> memref<128xi32, #tpu.memory_space<vmem>>
      %dma_start3A_82 = arith.constant 0 : i32
      %dma_start3A_83 = arith.constant 0 : i32
      %dma_start3A_84 = tpu.memref_slice %arg4[%dma_start3A_82, %dma_start3A_83] : memref<10240x16xf32, #tpu.memory_space<hbm>> -> memref<10240x16xf32, #tpu.memory_space<hbm>>
      %dma_start3A_85 = tpu.memref_slice %arg11[%dma_start3A_74] : memref<8x!tpu.dma_semaphore, #tpu.memory_space<semaphore_mem>> -> memref<1x!tpu.dma_semaphore, #tpu.memory_space<semaphore_mem>>
      %dma_start3A_86 = tpu.memref_squeeze %dma_start3A_85 : memref<1x!tpu.dma_semaphore, #tpu.memory_space<semaphore_mem>> -> memref<!tpu.dma_semaphore, #tpu.memory_space<semaphore_mem>>
      tpu.enqueue_indirect_dma source(%dma_start3A_84 : memref<10240x16xf32, #tpu.memory_space<hbm>>) target(%dma_start3A_78 : memref<128x16xf32, #tpu.memory_space<vmem>>) offsets(%dma_start3A_81 : memref<128xi32, #tpu.memory_space<vmem>>) semaphore(%dma_start3A_86 : memref<!tpu.dma_semaphore, #tpu.memory_space<semaphore_mem>>)
      %add3A_87 = arith.constant 3 : i32
      %add3A_88 = arith.addi %add3A_39, %add3A_87 : i32
      %dma_start3A_89 = arith.constant 3 : i32
      %dma_start3A_90 = arith.constant 3 : i32
      %dma_start3A_91 = arith.constant 0 : i32
      %dma_start3A_92 = arith.constant 0 : i32
      %dma_start3A_93 = tpu.memref_slice %arg9[%dma_start3A_89, %dma_start3A_91, %dma_start3A_92] : memref<8x128x16xf32, #tpu.memory_space<vmem>> -> memref<1x128x16xf32, #tpu.memory_space<vmem>>
      %dma_start3A_94 = tpu.memref_squeeze %dma_start3A_93 : memref<1x128x16xf32, #tpu.memory_space<vmem>> -> memref<128x16xf32, #tpu.memory_space<vmem>>
      %dma_start3A_95 = arith.constant 0 : i32
      %dma_start3A_96 = tpu.memref_slice %arg7[%add3A_88, %dma_start3A_95] : memref<80x128xi32, #tpu.memory_space<vmem>> -> memref<1x128xi32, #tpu.memory_space<vmem>>
      %dma_start3A_97 = tpu.memref_squeeze %dma_start3A_96 : memref<1x128xi32, #tpu.memory_space<vmem>> -> memref<128xi32, #tpu.memory_space<vmem>>
      %dma_start3A_98 = arith.constant 0 : i32
      %dma_start3A_99 = arith.constant 0 : i32
      %dma_start3A_100 = tpu.memref_slice %arg4[%dma_start3A_98, %dma_start3A_99] : memref<10240x16xf32, #tpu.memory_space<hbm>> -> memref<10240x16xf32, #tpu.memory_space<hbm>>
      %dma_start3A_101 = tpu.memref_slice %arg11[%dma_start3A_90] : memref<8x!tpu.dma_semaphore, #tpu.memory_space<semaphore_mem>> -> memref<1x!tpu.dma_semaphore, #tpu.memory_space<semaphore_mem>>
      %dma_start3A_102 = tpu.memref_squeeze %dma_start3A_101 : memref<1x!tpu.dma_semaphore, #tpu.memory_space<semaphore_mem>> -> memref<!tpu.dma_semaphore, #tpu.memory_space<semaphore_mem>>
      tpu.enqueue_indirect_dma source(%dma_start3A_100 : memref<10240x16xf32, #tpu.memory_space<hbm>>) target(%dma_start3A_94 : memref<128x16xf32, #tpu.memory_space<vmem>>) offsets(%dma_start3A_97 : memref<128xi32, #tpu.memory_space<vmem>>) semaphore(%dma_start3A_102 : memref<!tpu.dma_semaphore, #tpu.memory_space<semaphore_mem>>)
      %add3A_103 = arith.constant 4 : i32
      %add3A_104 = arith.addi %add3A_39, %add3A_103 : i32
      %dma_start3A_105 = arith.constant 4 : i32
      %dma_start3A_106 = arith.constant 4 : i32
      %dma_start3A_107 = arith.constant 0 : i32
      %dma_start3A_108 = arith.constant 0 : i32
      %dma_start3A_109 = tpu.memref_slice %arg9[%dma_start3A_105, %dma_start3A_107, %dma_start3A_108] : memref<8x128x16xf32, #tpu.memory_space<vmem>> -> memref<1x128x16xf32, #tpu.memory_space<vmem>>
      %dma_start3A_110 = tpu.memref_squeeze %dma_start3A_109 : memref<1x128x16xf32, #tpu.memory_space<vmem>> -> memref<128x16xf32, #tpu.memory_space<vmem>>
      %dma_start3A_111 = arith.constant 0 : i32
      %dma_start3A_112 = tpu.memref_slice %arg7[%add3A_104, %dma_start3A_111] : memref<80x128xi32, #tpu.memory_space<vmem>> -> memref<1x128xi32, #tpu.memory_space<vmem>>
      %dma_start3A_113 = tpu.memref_squeeze %dma_start3A_112 : memref<1x128xi32, #tpu.memory_space<vmem>> -> memref<128xi32, #tpu.memory_space<vmem>>
      %dma_start3A_114 = arith.constant 0 : i32
      %dma_start3A_115 = arith.constant 0 : i32
      %dma_start3A_116 = tpu.memref_slice %arg4[%dma_start3A_114, %dma_start3A_115] : memref<10240x16xf32, #tpu.memory_space<hbm>> -> memref<10240x16xf32, #tpu.memory_space<hbm>>
      %dma_start3A_117 = tpu.memref_slice %arg11[%dma_start3A_106] : memref<8x!tpu.dma_semaphore, #tpu.memory_space<semaphore_mem>> -> memref<1x!tpu.dma_semaphore, #tpu.memory_space<semaphore_mem>>
      %dma_start3A_118 = tpu.memref_squeeze %dma_start3A_117 : memref<1x!tpu.dma_semaphore, #tpu.memory_space<semaphore_mem>> -> memref<!tpu.dma_semaphore, #tpu.memory_space<semaphore_mem>>
      tpu.enqueue_indirect_dma source(%dma_start3A_116 : memref<10240x16xf32, #tpu.memory_space<hbm>>) target(%dma_start3A_110 : memref<128x16xf32, #tpu.memory_space<vmem>>) offsets(%dma_start3A_113 : memref<128xi32, #tpu.memory_space<vmem>>) semaphore(%dma_start3A_118 : memref<!tpu.dma_semaphore, #tpu.memory_space<semaphore_mem>>)
      %add3A_119 = arith.constant 5 : i32
      %add3A_120 = arith.addi %add3A_39, %add3A_119 : i32
      %dma_start3A_121 = arith.constant 5 : i32
      %dma_start3A_122 = arith.constant 5 : i32
      %dma_start3A_123 = arith.constant 0 : i32
      %dma_start3A_124 = arith.constant 0 : i32
      %dma_start3A_125 = tpu.memref_slice %arg9[%dma_start3A_121, %dma_start3A_123, %dma_start3A_124] : memref<8x128x16xf32, #tpu.memory_space<vmem>> -> memref<1x128x16xf32, #tpu.memory_space<vmem>>
      %dma_start3A_126 = tpu.memref_squeeze %dma_start3A_125 : memref<1x128x16xf32, #tpu.memory_space<vmem>> -> memref<128x16xf32, #tpu.memory_space<vmem>>
      %dma_start3A_127 = arith.constant 0 : i32
      %dma_start3A_128 = tpu.memref_slice %arg7[%add3A_120, %dma_start3A_127] : memref<80x128xi32, #tpu.memory_space<vmem>> -> memref<1x128xi32, #tpu.memory_space<vmem>>
      %dma_start3A_129 = tpu.memref_squeeze %dma_start3A_128 : memref<1x128xi32, #tpu.memory_space<vmem>> -> memref<128xi32, #tpu.memory_space<vmem>>
      %dma_start3A_130 = arith.constant 0 : i32
      %dma_start3A_131 = arith.constant 0 : i32
      %dma_start3A_132 = tpu.memref_slice %arg4[%dma_start3A_130, %dma_start3A_131] : memref<10240x16xf32, #tpu.memory_space<hbm>> -> memref<10240x16xf32, #tpu.memory_space<hbm>>
      %dma_start3A_133 = tpu.memref_slice %arg11[%dma_start3A_122] : memref<8x!tpu.dma_semaphore, #tpu.memory_space<semaphore_mem>> -> memref<1x!tpu.dma_semaphore, #tpu.memory_space<semaphore_mem>>
      %dma_start3A_134 = tpu.memref_squeeze %dma_start3A_133 : memref<1x!tpu.dma_semaphore, #tpu.memory_space<semaphore_mem>> -> memref<!tpu.dma_semaphore, #tpu.memory_space<semaphore_mem>>
      tpu.enqueue_indirect_dma source(%dma_start3A_132 : memref<10240x16xf32, #tpu.memory_space<hbm>>) target(%dma_start3A_126 : memref<128x16xf32, #tpu.memory_space<vmem>>) offsets(%dma_start3A_129 : memref<128xi32, #tpu.memory_space<vmem>>) semaphore(%dma_start3A_134 : memref<!tpu.dma_semaphore, #tpu.memory_space<semaphore_mem>>)
      %add3A_135 = arith.constant 6 : i32
      %add3A_136 = arith.addi %add3A_39, %add3A_135 : i32
      %dma_start3A_137 = arith.constant 6 : i32
      %dma_start3A_138 = arith.constant 6 : i32
      %dma_start3A_139 = arith.constant 0 : i32
      %dma_start3A_140 = arith.constant 0 : i32
      %dma_start3A_141 = tpu.memref_slice %arg9[%dma_start3A_137, %dma_start3A_139, %dma_start3A_140] : memref<8x128x16xf32, #tpu.memory_space<vmem>> -> memref<1x128x16xf32, #tpu.memory_space<vmem>>
      %dma_start3A_142 = tpu.memref_squeeze %dma_start3A_141 : memref<1x128x16xf32, #tpu.memory_space<vmem>> -> memref<128x16xf32, #tpu.memory_space<vmem>>
      %dma_start3A_143 = arith.constant 0 : i32
      %dma_start3A_144 = tpu.memref_slice %arg7[%add3A_136, %dma_start3A_143] : memref<80x128xi32, #tpu.memory_space<vmem>> -> memref<1x128xi32, #tpu.memory_space<vmem>>
      %dma_start3A_145 = tpu.memref_squeeze %dma_start3A_144 : memref<1x128xi32, #tpu.memory_space<vmem>> -> memref<128xi32, #tpu.memory_space<vmem>>
      %dma_start3A_146 = arith.constant 0 : i32
      %dma_start3A_147 = arith.constant 0 : i32
      %dma_start3A_148 = tpu.memref_slice %arg4[%dma_start3A_146, %dma_start3A_147] : memref<10240x16xf32, #tpu.memory_space<hbm>> -> memref<10240x16xf32, #tpu.memory_space<hbm>>
      %dma_start3A_149 = tpu.memref_slice %arg11[%dma_start3A_138] : memref<8x!tpu.dma_semaphore, #tpu.memory_space<semaphore_mem>> -> memref<1x!tpu.dma_semaphore, #tpu.memory_space<semaphore_mem>>
      %dma_start3A_150 = tpu.memref_squeeze %dma_start3A_149 : memref<1x!tpu.dma_semaphore, #tpu.memory_space<semaphore_mem>> -> memref<!tpu.dma_semaphore, #tpu.memory_space<semaphore_mem>>
      tpu.enqueue_indirect_dma source(%dma_start3A_148 : memref<10240x16xf32, #tpu.memory_space<hbm>>) target(%dma_start3A_142 : memref<128x16xf32, #tpu.memory_space<vmem>>) offsets(%dma_start3A_145 : memref<128xi32, #tpu.memory_space<vmem>>) semaphore(%dma_start3A_150 : memref<!tpu.dma_semaphore, #tpu.memory_space<semaphore_mem>>)
      %add3A_151 = arith.constant 7 : i32
      %add3A_152 = arith.addi %add3A_39, %add3A_151 : i32
      %dma_start3A_153 = arith.constant 7 : i32
      %dma_start3A_154 = arith.constant 7 : i32
      %dma_start3A_155 = arith.constant 0 : i32
      %dma_start3A_156 = arith.constant 0 : i32
      %dma_start3A_157 = tpu.memref_slice %arg9[%dma_start3A_153, %dma_start3A_155, %dma_start3A_156] : memref<8x128x16xf32, #tpu.memory_space<vmem>> -> memref<1x128x16xf32, #tpu.memory_space<vmem>>
      %dma_start3A_158 = tpu.memref_squeeze %dma_start3A_157 : memref<1x128x16xf32, #tpu.memory_space<vmem>> -> memref<128x16xf32, #tpu.memory_space<vmem>>
      %dma_start3A_159 = arith.constant 0 : i32
      %dma_start3A_160 = tpu.memref_slice %arg7[%add3A_152, %dma_start3A_159] : memref<80x128xi32, #tpu.memory_space<vmem>> -> memref<1x128xi32, #tpu.memory_space<vmem>>
      %dma_start3A_161 = tpu.memref_squeeze %dma_start3A_160 : memref<1x128xi32, #tpu.memory_space<vmem>> -> memref<128xi32, #tpu.memory_space<vmem>>
      %dma_start3A_162 = arith.constant 0 : i32
      %dma_start3A_163 = arith.constant 0 : i32
      %dma_start3A_164 = tpu.memref_slice %arg4[%dma_start3A_162, %dma_start3A_163] : memref<10240x16xf32, #tpu.memory_space<hbm>> -> memref<10240x16xf32, #tpu.memory_space<hbm>>
      %dma_start3A_165 = tpu.memref_slice %arg11[%dma_start3A_154] : memref<8x!tpu.dma_semaphore, #tpu.memory_space<semaphore_mem>> -> memref<1x!tpu.dma_semaphore, #tpu.memory_space<semaphore_mem>>
      %dma_start3A_166 = tpu.memref_squeeze %dma_start3A_165 : memref<1x!tpu.dma_semaphore, #tpu.memory_space<semaphore_mem>> -> memref<!tpu.dma_semaphore, #tpu.memory_space<semaphore_mem>>
      tpu.enqueue_indirect_dma source(%dma_start3A_164 : memref<10240x16xf32, #tpu.memory_space<hbm>>) target(%dma_start3A_158 : memref<128x16xf32, #tpu.memory_space<vmem>>) offsets(%dma_start3A_161 : memref<128xi32, #tpu.memory_space<vmem>>) semaphore(%dma_start3A_166 : memref<!tpu.dma_semaphore, #tpu.memory_space<semaphore_mem>>)
      %add3A_167 = arith.constant 0 : i32
      %add3A_168 = arith.addi %add3A_39, %add3A_167 : i32
      %dma_wait3A = arith.constant 0 : i32
      %dma_wait3A_169 = arith.constant 0 : i32
      %dma_wait3A_170 = arith.constant 0 : i32
      %dma_wait3A_171 = arith.constant 0 : i32
      %dma_wait3A_172 = tpu.memref_slice %arg9[%dma_wait3A, %dma_wait3A_170, %dma_wait3A_171] : memref<8x128x16xf32, #tpu.memory_space<vmem>> -> memref<1x128x16xf32, #tpu.memory_space<vmem>>
      %dma_wait3A_173 = tpu.memref_squeeze %dma_wait3A_172 : memref<1x128x16xf32, #tpu.memory_space<vmem>> -> memref<128x16xf32, #tpu.memory_space<vmem>>
      %dma_wait3A_174 = arith.constant 0 : i32
      %dma_wait3A_175 = tpu.memref_slice %arg7[%add3A_168, %dma_wait3A_174] : memref<80x128xi32, #tpu.memory_space<vmem>> -> memref<1x128xi32, #tpu.memory_space<vmem>>
      %dma_wait3A_176 = tpu.memref_squeeze %dma_wait3A_175 : memref<1x128xi32, #tpu.memory_space<vmem>> -> memref<128xi32, #tpu.memory_space<vmem>>
      %dma_wait3A_177 = arith.constant 0 : i32
      %dma_wait3A_178 = arith.constant 0 : i32
      %dma_wait3A_179 = tpu.memref_slice %arg4[%dma_wait3A_177, %dma_wait3A_178] : memref<10240x16xf32, #tpu.memory_space<hbm>> -> memref<10240x16xf32, #tpu.memory_space<hbm>>
      %dma_wait3A_180 = tpu.memref_slice %arg11[%dma_wait3A_169] : memref<8x!tpu.dma_semaphore, #tpu.memory_space<semaphore_mem>> -> memref<1x!tpu.dma_semaphore, #tpu.memory_space<semaphore_mem>>
      %dma_wait3A_181 = tpu.memref_squeeze %dma_wait3A_180 : memref<1x!tpu.dma_semaphore, #tpu.memory_space<semaphore_mem>> -> memref<!tpu.dma_semaphore, #tpu.memory_space<semaphore_mem>>
      tpu.wait_indirect_dma semaphore(%dma_wait3A_181 : memref<!tpu.dma_semaphore, #tpu.memory_space<semaphore_mem>>) src(%dma_wait3A_179 : memref<10240x16xf32, #tpu.memory_space<hbm>>) dst(%dma_wait3A_173 : memref<128x16xf32, #tpu.memory_space<vmem>>)
      %add3A_182 = arith.constant 0 : i32
      %add3A_183 = arith.addi %add3A_39, %add3A_182 : i32
      %dma_start3A_184 = arith.constant 0 : i32
      %dma_start3A_185 = arith.constant 0 : i32
      %dma_start3A_186 = arith.constant 0 : i32
      %dma_start3A_187 = arith.constant 0 : i32
      %dma_start3A_188 = tpu.memref_slice %arg9[%dma_start3A_184, %dma_start3A_186, %dma_start3A_187] : memref<8x128x16xf32, #tpu.memory_space<vmem>> -> memref<1x128x16xf32, #tpu.memory_space<vmem>>
      %dma_start3A_189 = tpu.memref_squeeze %dma_start3A_188 : memref<1x128x16xf32, #tpu.memory_space<vmem>> -> memref<128x16xf32, #tpu.memory_space<vmem>>
      %dma_start3A_190 = arith.constant 0 : i32
      %dma_start3A_191 = tpu.memref_slice %arg8[%add3A_183, %dma_start3A_190] : memref<80x128xi32, #tpu.memory_space<vmem>> -> memref<1x128xi32, #tpu.memory_space<vmem>>
      %dma_start3A_192 = tpu.memref_squeeze %dma_start3A_191 : memref<1x128xi32, #tpu.memory_space<vmem>> -> memref<128xi32, #tpu.memory_space<vmem>>
      %dma_start3A_193 = arith.constant 0 : i32
      %dma_start3A_194 = arith.constant 0 : i32
      %dma_start3A_195 = tpu.memref_slice %arg10[%dma_start3A_193, %dma_start3A_194] : memref<10240x16xf32, #tpu.memory_space<vmem_shared>> -> memref<10240x16xf32, #tpu.memory_space<vmem_shared>>
      %dma_start3A_196 = tpu.memref_slice %arg12[%dma_start3A_185] : memref<8x!tpu.dma_semaphore, #tpu.memory_space<semaphore_mem>> -> memref<1x!tpu.dma_semaphore, #tpu.memory_space<semaphore_mem>>
      %dma_start3A_197 = tpu.memref_squeeze %dma_start3A_196 : memref<1x!tpu.dma_semaphore, #tpu.memory_space<semaphore_mem>> -> memref<!tpu.dma_semaphore, #tpu.memory_space<semaphore_mem>>
      tpu.enqueue_indirect_dma source(%dma_start3A_189 : memref<128x16xf32, #tpu.memory_space<vmem>>) target(%dma_start3A_195 : memref<10240x16xf32, #tpu.memory_space<vmem_shared>>) offsets(%dma_start3A_192 : memref<128xi32, #tpu.memory_space<vmem>>) semaphore(%dma_start3A_197 : memref<!tpu.dma_semaphore, #tpu.memory_space<semaphore_mem>>) {add = true}
      %add3A_198 = arith.constant 1 : i32
      %add3A_199 = arith.addi %add3A_39, %add3A_198 : i32
      %dma_wait3A_200 = arith.constant 1 : i32
      %dma_wait3A_201 = arith.constant 1 : i32
      %dma_wait3A_202 = arith.constant 0 : i32
      %dma_wait3A_203 = arith.constant 0 : i32
      %dma_wait3A_204 = tpu.memref_slice %arg9[%dma_wait3A_200, %dma_wait3A_202, %dma_wait3A_203] : memref<8x128x16xf32, #tpu.memory_space<vmem>> -> memref<1x128x16xf32, #tpu.memory_space<vmem>>
      %dma_wait3A_205 = tpu.memref_squeeze %dma_wait3A_204 : memref<1x128x16xf32, #tpu.memory_space<vmem>> -> memref<128x16xf32, #tpu.memory_space<vmem>>
      %dma_wait3A_206 = arith.constant 0 : i32
      %dma_wait3A_207 = tpu.memref_slice %arg7[%add3A_199, %dma_wait3A_206] : memref<80x128xi32, #tpu.memory_space<vmem>> -> memref<1x128xi32, #tpu.memory_space<vmem>>
      %dma_wait3A_208 = tpu.memref_squeeze %dma_wait3A_207 : memref<1x128xi32, #tpu.memory_space<vmem>> -> memref<128xi32, #tpu.memory_space<vmem>>
      %dma_wait3A_209 = arith.constant 0 : i32
      %dma_wait3A_210 = arith.constant 0 : i32
      %dma_wait3A_211 = tpu.memref_slice %arg4[%dma_wait3A_209, %dma_wait3A_210] : memref<10240x16xf32, #tpu.memory_space<hbm>> -> memref<10240x16xf32, #tpu.memory_space<hbm>>
      %dma_wait3A_212 = tpu.memref_slice %arg11[%dma_wait3A_201] : memref<8x!tpu.dma_semaphore, #tpu.memory_space<semaphore_mem>> -> memref<1x!tpu.dma_semaphore, #tpu.memory_space<semaphore_mem>>
      %dma_wait3A_213 = tpu.memref_squeeze %dma_wait3A_212 : memref<1x!tpu.dma_semaphore, #tpu.memory_space<semaphore_mem>> -> memref<!tpu.dma_semaphore, #tpu.memory_space<semaphore_mem>>
      tpu.wait_indirect_dma semaphore(%dma_wait3A_213 : memref<!tpu.dma_semaphore, #tpu.memory_space<semaphore_mem>>) src(%dma_wait3A_211 : memref<10240x16xf32, #tpu.memory_space<hbm>>) dst(%dma_wait3A_205 : memref<128x16xf32, #tpu.memory_space<vmem>>)
      %add3A_214 = arith.constant 1 : i32
      %add3A_215 = arith.addi %add3A_39, %add3A_214 : i32
      %dma_start3A_216 = arith.constant 1 : i32
      %dma_start3A_217 = arith.constant 1 : i32
      %dma_start3A_218 = arith.constant 0 : i32
      %dma_start3A_219 = arith.constant 0 : i32
      %dma_start3A_220 = tpu.memref_slice %arg9[%dma_start3A_216, %dma_start3A_218, %dma_start3A_219] : memref<8x128x16xf32, #tpu.memory_space<vmem>> -> memref<1x128x16xf32, #tpu.memory_space<vmem>>
      %dma_start3A_221 = tpu.memref_squeeze %dma_start3A_220 : memref<1x128x16xf32, #tpu.memory_space<vmem>> -> memref<128x16xf32, #tpu.memory_space<vmem>>
      %dma_start3A_222 = arith.constant 0 : i32
      %dma_start3A_223 = tpu.memref_slice %arg8[%add3A_215, %dma_start3A_222] : memref<80x128xi32, #tpu.memory_space<vmem>> -> memref<1x128xi32, #tpu.memory_space<vmem>>
      %dma_start3A_224 = tpu.memref_squeeze %dma_start3A_223 : memref<1x128xi32, #tpu.memory_space<vmem>> -> memref<128xi32, #tpu.memory_space<vmem>>
      %dma_start3A_225 = arith.constant 0 : i32
      %dma_start3A_226 = arith.constant 0 : i32
      %dma_start3A_227 = tpu.memref_slice %arg10[%dma_start3A_225, %dma_start3A_226] : memref<10240x16xf32, #tpu.memory_space<vmem_shared>> -> memref<10240x16xf32, #tpu.memory_space<vmem_shared>>
      %dma_start3A_228 = tpu.memref_slice %arg12[%dma_start3A_217] : memref<8x!tpu.dma_semaphore, #tpu.memory_space<semaphore_mem>> -> memref<1x!tpu.dma_semaphore, #tpu.memory_space<semaphore_mem>>
      %dma_start3A_229 = tpu.memref_squeeze %dma_start3A_228 : memref<1x!tpu.dma_semaphore, #tpu.memory_space<semaphore_mem>> -> memref<!tpu.dma_semaphore, #tpu.memory_space<semaphore_mem>>
      tpu.enqueue_indirect_dma source(%dma_start3A_221 : memref<128x16xf32, #tpu.memory_space<vmem>>) target(%dma_start3A_227 : memref<10240x16xf32, #tpu.memory_space<vmem_shared>>) offsets(%dma_start3A_224 : memref<128xi32, #tpu.memory_space<vmem>>) semaphore(%dma_start3A_229 : memref<!tpu.dma_semaphore, #tpu.memory_space<semaphore_mem>>) {add = true}
      %add3A_230 = arith.constant 2 : i32
      %add3A_231 = arith.addi %add3A_39, %add3A_230 : i32
      %dma_wait3A_232 = arith.constant 2 : i32
      %dma_wait3A_233 = arith.constant 2 : i32
      %dma_wait3A_234 = arith.constant 0 : i32
      %dma_wait3A_235 = arith.constant 0 : i32
      %dma_wait3A_236 = tpu.memref_slice %arg9[%dma_wait3A_232, %dma_wait3A_234, %dma_wait3A_235] : memref<8x128x16xf32, #tpu.memory_space<vmem>> -> memref<1x128x16xf32, #tpu.memory_space<vmem>>
      %dma_wait3A_237 = tpu.memref_squeeze %dma_wait3A_236 : memref<1x128x16xf32, #tpu.memory_space<vmem>> -> memref<128x16xf32, #tpu.memory_space<vmem>>
      %dma_wait3A_238 = arith.constant 0 : i32
      %dma_wait3A_239 = tpu.memref_slice %arg7[%add3A_231, %dma_wait3A_238] : memref<80x128xi32, #tpu.memory_space<vmem>> -> memref<1x128xi32, #tpu.memory_space<vmem>>
      %dma_wait3A_240 = tpu.memref_squeeze %dma_wait3A_239 : memref<1x128xi32, #tpu.memory_space<vmem>> -> memref<128xi32, #tpu.memory_space<vmem>>
      %dma_wait3A_241 = arith.constant 0 : i32
      %dma_wait3A_242 = arith.constant 0 : i32
      %dma_wait3A_243 = tpu.memref_slice %arg4[%dma_wait3A_241, %dma_wait3A_242] : memref<10240x16xf32, #tpu.memory_space<hbm>> -> memref<10240x16xf32, #tpu.memory_space<hbm>>
      %dma_wait3A_244 = tpu.memref_slice %arg11[%dma_wait3A_233] : memref<8x!tpu.dma_semaphore, #tpu.memory_space<semaphore_mem>> -> memref<1x!tpu.dma_semaphore, #tpu.memory_space<semaphore_mem>>
      %dma_wait3A_245 = tpu.memref_squeeze %dma_wait3A_244 : memref<1x!tpu.dma_semaphore, #tpu.memory_space<semaphore_mem>> -> memref<!tpu.dma_semaphore, #tpu.memory_space<semaphore_mem>>
      tpu.wait_indirect_dma semaphore(%dma_wait3A_245 : memref<!tpu.dma_semaphore, #tpu.memory_space<semaphore_mem>>) src(%dma_wait3A_243 : memref<10240x16xf32, #tpu.memory_space<hbm>>) dst(%dma_wait3A_237 : memref<128x16xf32, #tpu.memory_space<vmem>>)
      %add3A_246 = arith.constant 2 : i32
      %add3A_247 = arith.addi %add3A_39, %add3A_246 : i32
      %dma_start3A_248 = arith.constant 2 : i32
      %dma_start3A_249 = arith.constant 2 : i32
      %dma_start3A_250 = arith.constant 0 : i32
      %dma_start3A_251 = arith.constant 0 : i32
      %dma_start3A_252 = tpu.memref_slice %arg9[%dma_start3A_248, %dma_start3A_250, %dma_start3A_251] : memref<8x128x16xf32, #tpu.memory_space<vmem>> -> memref<1x128x16xf32, #tpu.memory_space<vmem>>
      %dma_start3A_253 = tpu.memref_squeeze %dma_start3A_252 : memref<1x128x16xf32, #tpu.memory_space<vmem>> -> memref<128x16xf32, #tpu.memory_space<vmem>>
      %dma_start3A_254 = arith.constant 0 : i32
      %dma_start3A_255 = tpu.memref_slice %arg8[%add3A_247, %dma_start3A_254] : memref<80x128xi32, #tpu.memory_space<vmem>> -> memref<1x128xi32, #tpu.memory_space<vmem>>
      %dma_start3A_256 = tpu.memref_squeeze %dma_start3A_255 : memref<1x128xi32, #tpu.memory_space<vmem>> -> memref<128xi32, #tpu.memory_space<vmem>>
      %dma_start3A_257 = arith.constant 0 : i32
      %dma_start3A_258 = arith.constant 0 : i32
      %dma_start3A_259 = tpu.memref_slice %arg10[%dma_start3A_257, %dma_start3A_258] : memref<10240x16xf32, #tpu.memory_space<vmem_shared>> -> memref<10240x16xf32, #tpu.memory_space<vmem_shared>>
      %dma_start3A_260 = tpu.memref_slice %arg12[%dma_start3A_249] : memref<8x!tpu.dma_semaphore, #tpu.memory_space<semaphore_mem>> -> memref<1x!tpu.dma_semaphore, #tpu.memory_space<semaphore_mem>>
      %dma_start3A_261 = tpu.memref_squeeze %dma_start3A_260 : memref<1x!tpu.dma_semaphore, #tpu.memory_space<semaphore_mem>> -> memref<!tpu.dma_semaphore, #tpu.memory_space<semaphore_mem>>
      tpu.enqueue_indirect_dma source(%dma_start3A_253 : memref<128x16xf32, #tpu.memory_space<vmem>>) target(%dma_start3A_259 : memref<10240x16xf32, #tpu.memory_space<vmem_shared>>) offsets(%dma_start3A_256 : memref<128xi32, #tpu.memory_space<vmem>>) semaphore(%dma_start3A_261 : memref<!tpu.dma_semaphore, #tpu.memory_space<semaphore_mem>>) {add = true}
      %add3A_262 = arith.constant 3 : i32
      %add3A_263 = arith.addi %add3A_39, %add3A_262 : i32
      %dma_wait3A_264 = arith.constant 3 : i32
      %dma_wait3A_265 = arith.constant 3 : i32
      %dma_wait3A_266 = arith.constant 0 : i32
      %dma_wait3A_267 = arith.constant 0 : i32
      %dma_wait3A_268 = tpu.memref_slice %arg9[%dma_wait3A_264, %dma_wait3A_266, %dma_wait3A_267] : memref<8x128x16xf32, #tpu.memory_space<vmem>> -> memref<1x128x16xf32, #tpu.memory_space<vmem>>
      %dma_wait3A_269 = tpu.memref_squeeze %dma_wait3A_268 : memref<1x128x16xf32, #tpu.memory_space<vmem>> -> memref<128x16xf32, #tpu.memory_space<vmem>>
      %dma_wait3A_270 = arith.constant 0 : i32
      %dma_wait3A_271 = tpu.memref_slice %arg7[%add3A_263, %dma_wait3A_270] : memref<80x128xi32, #tpu.memory_space<vmem>> -> memref<1x128xi32, #tpu.memory_space<vmem>>
      %dma_wait3A_272 = tpu.memref_squeeze %dma_wait3A_271 : memref<1x128xi32, #tpu.memory_space<vmem>> -> memref<128xi32, #tpu.memory_space<vmem>>
      %dma_wait3A_273 = arith.constant 0 : i32
      %dma_wait3A_274 = arith.constant 0 : i32
      %dma_wait3A_275 = tpu.memref_slice %arg4[%dma_wait3A_273, %dma_wait3A_274] : memref<10240x16xf32, #tpu.memory_space<hbm>> -> memref<10240x16xf32, #tpu.memory_space<hbm>>
      %dma_wait3A_276 = tpu.memref_slice %arg11[%dma_wait3A_265] : memref<8x!tpu.dma_semaphore, #tpu.memory_space<semaphore_mem>> -> memref<1x!tpu.dma_semaphore, #tpu.memory_space<semaphore_mem>>
      %dma_wait3A_277 = tpu.memref_squeeze %dma_wait3A_276 : memref<1x!tpu.dma_semaphore, #tpu.memory_space<semaphore_mem>> -> memref<!tpu.dma_semaphore, #tpu.memory_space<semaphore_mem>>
      tpu.wait_indirect_dma semaphore(%dma_wait3A_277 : memref<!tpu.dma_semaphore, #tpu.memory_space<semaphore_mem>>) src(%dma_wait3A_275 : memref<10240x16xf32, #tpu.memory_space<hbm>>) dst(%dma_wait3A_269 : memref<128x16xf32, #tpu.memory_space<vmem>>)
      %add3A_278 = arith.constant 3 : i32
      %add3A_279 = arith.addi %add3A_39, %add3A_278 : i32
      %dma_start3A_280 = arith.constant 3 : i32
      %dma_start3A_281 = arith.constant 3 : i32
      %dma_start3A_282 = arith.constant 0 : i32
      %dma_start3A_283 = arith.constant 0 : i32
      %dma_start3A_284 = tpu.memref_slice %arg9[%dma_start3A_280, %dma_start3A_282, %dma_start3A_283] : memref<8x128x16xf32, #tpu.memory_space<vmem>> -> memref<1x128x16xf32, #tpu.memory_space<vmem>>
      %dma_start3A_285 = tpu.memref_squeeze %dma_start3A_284 : memref<1x128x16xf32, #tpu.memory_space<vmem>> -> memref<128x16xf32, #tpu.memory_space<vmem>>
      %dma_start3A_286 = arith.constant 0 : i32
      %dma_start3A_287 = tpu.memref_slice %arg8[%add3A_279, %dma_start3A_286] : memref<80x128xi32, #tpu.memory_space<vmem>> -> memref<1x128xi32, #tpu.memory_space<vmem>>
      %dma_start3A_288 = tpu.memref_squeeze %dma_start3A_287 : memref<1x128xi32, #tpu.memory_space<vmem>> -> memref<128xi32, #tpu.memory_space<vmem>>
      %dma_start3A_289 = arith.constant 0 : i32
      %dma_start3A_290 = arith.constant 0 : i32
      %dma_start3A_291 = tpu.memref_slice %arg10[%dma_start3A_289, %dma_start3A_290] : memref<10240x16xf32, #tpu.memory_space<vmem_shared>> -> memref<10240x16xf32, #tpu.memory_space<vmem_shared>>
      %dma_start3A_292 = tpu.memref_slice %arg12[%dma_start3A_281] : memref<8x!tpu.dma_semaphore, #tpu.memory_space<semaphore_mem>> -> memref<1x!tpu.dma_semaphore, #tpu.memory_space<semaphore_mem>>
      %dma_start3A_293 = tpu.memref_squeeze %dma_start3A_292 : memref<1x!tpu.dma_semaphore, #tpu.memory_space<semaphore_mem>> -> memref<!tpu.dma_semaphore, #tpu.memory_space<semaphore_mem>>
      tpu.enqueue_indirect_dma source(%dma_start3A_285 : memref<128x16xf32, #tpu.memory_space<vmem>>) target(%dma_start3A_291 : memref<10240x16xf32, #tpu.memory_space<vmem_shared>>) offsets(%dma_start3A_288 : memref<128xi32, #tpu.memory_space<vmem>>) semaphore(%dma_start3A_293 : memref<!tpu.dma_semaphore, #tpu.memory_space<semaphore_mem>>) {add = true}
      %add3A_294 = arith.constant 4 : i32
      %add3A_295 = arith.addi %add3A_39, %add3A_294 : i32
      %dma_wait3A_296 = arith.constant 4 : i32
      %dma_wait3A_297 = arith.constant 4 : i32
      %dma_wait3A_298 = arith.constant 0 : i32
      %dma_wait3A_299 = arith.constant 0 : i32
      %dma_wait3A_300 = tpu.memref_slice %arg9[%dma_wait3A_296, %dma_wait3A_298, %dma_wait3A_299] : memref<8x128x16xf32, #tpu.memory_space<vmem>> -> memref<1x128x16xf32, #tpu.memory_space<vmem>>
      %dma_wait3A_301 = tpu.memref_squeeze %dma_wait3A_300 : memref<1x128x16xf32, #tpu.memory_space<vmem>> -> memref<128x16xf32, #tpu.memory_space<vmem>>
      %dma_wait3A_302 = arith.constant 0 : i32
      %dma_wait3A_303 = tpu.memref_slice %arg7[%add3A_295, %dma_wait3A_302] : memref<80x128xi32, #tpu.memory_space<vmem>> -> memref<1x128xi32, #tpu.memory_space<vmem>>
      %dma_wait3A_304 = tpu.memref_squeeze %dma_wait3A_303 : memref<1x128xi32, #tpu.memory_space<vmem>> -> memref<128xi32, #tpu.memory_space<vmem>>
      %dma_wait3A_305 = arith.constant 0 : i32
      %dma_wait3A_306 = arith.constant 0 : i32
      %dma_wait3A_307 = tpu.memref_slice %arg4[%dma_wait3A_305, %dma_wait3A_306] : memref<10240x16xf32, #tpu.memory_space<hbm>> -> memref<10240x16xf32, #tpu.memory_space<hbm>>
      %dma_wait3A_308 = tpu.memref_slice %arg11[%dma_wait3A_297] : memref<8x!tpu.dma_semaphore, #tpu.memory_space<semaphore_mem>> -> memref<1x!tpu.dma_semaphore, #tpu.memory_space<semaphore_mem>>
      %dma_wait3A_309 = tpu.memref_squeeze %dma_wait3A_308 : memref<1x!tpu.dma_semaphore, #tpu.memory_space<semaphore_mem>> -> memref<!tpu.dma_semaphore, #tpu.memory_space<semaphore_mem>>
      tpu.wait_indirect_dma semaphore(%dma_wait3A_309 : memref<!tpu.dma_semaphore, #tpu.memory_space<semaphore_mem>>) src(%dma_wait3A_307 : memref<10240x16xf32, #tpu.memory_space<hbm>>) dst(%dma_wait3A_301 : memref<128x16xf32, #tpu.memory_space<vmem>>)
      %add3A_310 = arith.constant 4 : i32
      %add3A_311 = arith.addi %add3A_39, %add3A_310 : i32
      %dma_start3A_312 = arith.constant 4 : i32
      %dma_start3A_313 = arith.constant 4 : i32
      %dma_start3A_314 = arith.constant 0 : i32
      %dma_start3A_315 = arith.constant 0 : i32
      %dma_start3A_316 = tpu.memref_slice %arg9[%dma_start3A_312, %dma_start3A_314, %dma_start3A_315] : memref<8x128x16xf32, #tpu.memory_space<vmem>> -> memref<1x128x16xf32, #tpu.memory_space<vmem>>
      %dma_start3A_317 = tpu.memref_squeeze %dma_start3A_316 : memref<1x128x16xf32, #tpu.memory_space<vmem>> -> memref<128x16xf32, #tpu.memory_space<vmem>>
      %dma_start3A_318 = arith.constant 0 : i32
      %dma_start3A_319 = tpu.memref_slice %arg8[%add3A_311, %dma_start3A_318] : memref<80x128xi32, #tpu.memory_space<vmem>> -> memref<1x128xi32, #tpu.memory_space<vmem>>
      %dma_start3A_320 = tpu.memref_squeeze %dma_start3A_319 : memref<1x128xi32, #tpu.memory_space<vmem>> -> memref<128xi32, #tpu.memory_space<vmem>>
      %dma_start3A_321 = arith.constant 0 : i32
      %dma_start3A_322 = arith.constant 0 : i32
      %dma_start3A_323 = tpu.memref_slice %arg10[%dma_start3A_321, %dma_start3A_322] : memref<10240x16xf32, #tpu.memory_space<vmem_shared>> -> memref<10240x16xf32, #tpu.memory_space<vmem_shared>>
      %dma_start3A_324 = tpu.memref_slice %arg12[%dma_start3A_313] : memref<8x!tpu.dma_semaphore, #tpu.memory_space<semaphore_mem>> -> memref<1x!tpu.dma_semaphore, #tpu.memory_space<semaphore_mem>>
      %dma_start3A_325 = tpu.memref_squeeze %dma_start3A_324 : memref<1x!tpu.dma_semaphore, #tpu.memory_space<semaphore_mem>> -> memref<!tpu.dma_semaphore, #tpu.memory_space<semaphore_mem>>
      tpu.enqueue_indirect_dma source(%dma_start3A_317 : memref<128x16xf32, #tpu.memory_space<vmem>>) target(%dma_start3A_323 : memref<10240x16xf32, #tpu.memory_space<vmem_shared>>) offsets(%dma_start3A_320 : memref<128xi32, #tpu.memory_space<vmem>>) semaphore(%dma_start3A_325 : memref<!tpu.dma_semaphore, #tpu.memory_space<semaphore_mem>>) {add = true}
      %add3A_326 = arith.constant 5 : i32
      %add3A_327 = arith.addi %add3A_39, %add3A_326 : i32
      %dma_wait3A_328 = arith.constant 5 : i32
      %dma_wait3A_329 = arith.constant 5 : i32
      %dma_wait3A_330 = arith.constant 0 : i32
      %dma_wait3A_331 = arith.constant 0 : i32
      %dma_wait3A_332 = tpu.memref_slice %arg9[%dma_wait3A_328, %dma_wait3A_330, %dma_wait3A_331] : memref<8x128x16xf32, #tpu.memory_space<vmem>> -> memref<1x128x16xf32, #tpu.memory_space<vmem>>
      %dma_wait3A_333 = tpu.memref_squeeze %dma_wait3A_332 : memref<1x128x16xf32, #tpu.memory_space<vmem>> -> memref<128x16xf32, #tpu.memory_space<vmem>>
      %dma_wait3A_334 = arith.constant 0 : i32
      %dma_wait3A_335 = tpu.memref_slice %arg7[%add3A_327, %dma_wait3A_334] : memref<80x128xi32, #tpu.memory_space<vmem>> -> memref<1x128xi32, #tpu.memory_space<vmem>>
      %dma_wait3A_336 = tpu.memref_squeeze %dma_wait3A_335 : memref<1x128xi32, #tpu.memory_space<vmem>> -> memref<128xi32, #tpu.memory_space<vmem>>
      %dma_wait3A_337 = arith.constant 0 : i32
      %dma_wait3A_338 = arith.constant 0 : i32
      %dma_wait3A_339 = tpu.memref_slice %arg4[%dma_wait3A_337, %dma_wait3A_338] : memref<10240x16xf32, #tpu.memory_space<hbm>> -> memref<10240x16xf32, #tpu.memory_space<hbm>>
      %dma_wait3A_340 = tpu.memref_slice %arg11[%dma_wait3A_329] : memref<8x!tpu.dma_semaphore, #tpu.memory_space<semaphore_mem>> -> memref<1x!tpu.dma_semaphore, #tpu.memory_space<semaphore_mem>>
      %dma_wait3A_341 = tpu.memref_squeeze %dma_wait3A_340 : memref<1x!tpu.dma_semaphore, #tpu.memory_space<semaphore_mem>> -> memref<!tpu.dma_semaphore, #tpu.memory_space<semaphore_mem>>
      tpu.wait_indirect_dma semaphore(%dma_wait3A_341 : memref<!tpu.dma_semaphore, #tpu.memory_space<semaphore_mem>>) src(%dma_wait3A_339 : memref<10240x16xf32, #tpu.memory_space<hbm>>) dst(%dma_wait3A_333 : memref<128x16xf32, #tpu.memory_space<vmem>>)
      %add3A_342 = arith.constant 5 : i32
      %add3A_343 = arith.addi %add3A_39, %add3A_342 : i32
      %dma_start3A_344 = arith.constant 5 : i32
      %dma_start3A_345 = arith.constant 5 : i32
      %dma_start3A_346 = arith.constant 0 : i32
      %dma_start3A_347 = arith.constant 0 : i32
      %dma_start3A_348 = tpu.memref_slice %arg9[%dma_start3A_344, %dma_start3A_346, %dma_start3A_347] : memref<8x128x16xf32, #tpu.memory_space<vmem>> -> memref<1x128x16xf32, #tpu.memory_space<vmem>>
      %dma_start3A_349 = tpu.memref_squeeze %dma_start3A_348 : memref<1x128x16xf32, #tpu.memory_space<vmem>> -> memref<128x16xf32, #tpu.memory_space<vmem>>
      %dma_start3A_350 = arith.constant 0 : i32
      %dma_start3A_351 = tpu.memref_slice %arg8[%add3A_343, %dma_start3A_350] : memref<80x128xi32, #tpu.memory_space<vmem>> -> memref<1x128xi32, #tpu.memory_space<vmem>>
      %dma_start3A_352 = tpu.memref_squeeze %dma_start3A_351 : memref<1x128xi32, #tpu.memory_space<vmem>> -> memref<128xi32, #tpu.memory_space<vmem>>
      %dma_start3A_353 = arith.constant 0 : i32
      %dma_start3A_354 = arith.constant 0 : i32
      %dma_start3A_355 = tpu.memref_slice %arg10[%dma_start3A_353, %dma_start3A_354] : memref<10240x16xf32, #tpu.memory_space<vmem_shared>> -> memref<10240x16xf32, #tpu.memory_space<vmem_shared>>
      %dma_start3A_356 = tpu.memref_slice %arg12[%dma_start3A_345] : memref<8x!tpu.dma_semaphore, #tpu.memory_space<semaphore_mem>> -> memref<1x!tpu.dma_semaphore, #tpu.memory_space<semaphore_mem>>
      %dma_start3A_357 = tpu.memref_squeeze %dma_start3A_356 : memref<1x!tpu.dma_semaphore, #tpu.memory_space<semaphore_mem>> -> memref<!tpu.dma_semaphore, #tpu.memory_space<semaphore_mem>>
      tpu.enqueue_indirect_dma source(%dma_start3A_349 : memref<128x16xf32, #tpu.memory_space<vmem>>) target(%dma_start3A_355 : memref<10240x16xf32, #tpu.memory_space<vmem_shared>>) offsets(%dma_start3A_352 : memref<128xi32, #tpu.memory_space<vmem>>) semaphore(%dma_start3A_357 : memref<!tpu.dma_semaphore, #tpu.memory_space<semaphore_mem>>) {add = true}
      %add3A_358 = arith.constant 6 : i32
      %add3A_359 = arith.addi %add3A_39, %add3A_358 : i32
      %dma_wait3A_360 = arith.constant 6 : i32
      %dma_wait3A_361 = arith.constant 6 : i32
      %dma_wait3A_362 = arith.constant 0 : i32
      %dma_wait3A_363 = arith.constant 0 : i32
      %dma_wait3A_364 = tpu.memref_slice %arg9[%dma_wait3A_360, %dma_wait3A_362, %dma_wait3A_363] : memref<8x128x16xf32, #tpu.memory_space<vmem>> -> memref<1x128x16xf32, #tpu.memory_space<vmem>>
      %dma_wait3A_365 = tpu.memref_squeeze %dma_wait3A_364 : memref<1x128x16xf32, #tpu.memory_space<vmem>> -> memref<128x16xf32, #tpu.memory_space<vmem>>
      %dma_wait3A_366 = arith.constant 0 : i32
      %dma_wait3A_367 = tpu.memref_slice %arg7[%add3A_359, %dma_wait3A_366] : memref<80x128xi32, #tpu.memory_space<vmem>> -> memref<1x128xi32, #tpu.memory_space<vmem>>
      %dma_wait3A_368 = tpu.memref_squeeze %dma_wait3A_367 : memref<1x128xi32, #tpu.memory_space<vmem>> -> memref<128xi32, #tpu.memory_space<vmem>>
      %dma_wait3A_369 = arith.constant 0 : i32
      %dma_wait3A_370 = arith.constant 0 : i32
      %dma_wait3A_371 = tpu.memref_slice %arg4[%dma_wait3A_369, %dma_wait3A_370] : memref<10240x16xf32, #tpu.memory_space<hbm>> -> memref<10240x16xf32, #tpu.memory_space<hbm>>
      %dma_wait3A_372 = tpu.memref_slice %arg11[%dma_wait3A_361] : memref<8x!tpu.dma_semaphore, #tpu.memory_space<semaphore_mem>> -> memref<1x!tpu.dma_semaphore, #tpu.memory_space<semaphore_mem>>
      %dma_wait3A_373 = tpu.memref_squeeze %dma_wait3A_372 : memref<1x!tpu.dma_semaphore, #tpu.memory_space<semaphore_mem>> -> memref<!tpu.dma_semaphore, #tpu.memory_space<semaphore_mem>>
      tpu.wait_indirect_dma semaphore(%dma_wait3A_373 : memref<!tpu.dma_semaphore, #tpu.memory_space<semaphore_mem>>) src(%dma_wait3A_371 : memref<10240x16xf32, #tpu.memory_space<hbm>>) dst(%dma_wait3A_365 : memref<128x16xf32, #tpu.memory_space<vmem>>)
      %add3A_374 = arith.constant 6 : i32
      %add3A_375 = arith.addi %add3A_39, %add3A_374 : i32
      %dma_start3A_376 = arith.constant 6 : i32
      %dma_start3A_377 = arith.constant 6 : i32
      %dma_start3A_378 = arith.constant 0 : i32
      %dma_start3A_379 = arith.constant 0 : i32
      %dma_start3A_380 = tpu.memref_slice %arg9[%dma_start3A_376, %dma_start3A_378, %dma_start3A_379] : memref<8x128x16xf32, #tpu.memory_space<vmem>> -> memref<1x128x16xf32, #tpu.memory_space<vmem>>
      %dma_start3A_381 = tpu.memref_squeeze %dma_start3A_380 : memref<1x128x16xf32, #tpu.memory_space<vmem>> -> memref<128x16xf32, #tpu.memory_space<vmem>>
      %dma_start3A_382 = arith.constant 0 : i32
      %dma_start3A_383 = tpu.memref_slice %arg8[%add3A_375, %dma_start3A_382] : memref<80x128xi32, #tpu.memory_space<vmem>> -> memref<1x128xi32, #tpu.memory_space<vmem>>
      %dma_start3A_384 = tpu.memref_squeeze %dma_start3A_383 : memref<1x128xi32, #tpu.memory_space<vmem>> -> memref<128xi32, #tpu.memory_space<vmem>>
      %dma_start3A_385 = arith.constant 0 : i32
      %dma_start3A_386 = arith.constant 0 : i32
      %dma_start3A_387 = tpu.memref_slice %arg10[%dma_start3A_385, %dma_start3A_386] : memref<10240x16xf32, #tpu.memory_space<vmem_shared>> -> memref<10240x16xf32, #tpu.memory_space<vmem_shared>>
      %dma_start3A_388 = tpu.memref_slice %arg12[%dma_start3A_377] : memref<8x!tpu.dma_semaphore, #tpu.memory_space<semaphore_mem>> -> memref<1x!tpu.dma_semaphore, #tpu.memory_space<semaphore_mem>>
      %dma_start3A_389 = tpu.memref_squeeze %dma_start3A_388 : memref<1x!tpu.dma_semaphore, #tpu.memory_space<semaphore_mem>> -> memref<!tpu.dma_semaphore, #tpu.memory_space<semaphore_mem>>
      tpu.enqueue_indirect_dma source(%dma_start3A_381 : memref<128x16xf32, #tpu.memory_space<vmem>>) target(%dma_start3A_387 : memref<10240x16xf32, #tpu.memory_space<vmem_shared>>) offsets(%dma_start3A_384 : memref<128xi32, #tpu.memory_space<vmem>>) semaphore(%dma_start3A_389 : memref<!tpu.dma_semaphore, #tpu.memory_space<semaphore_mem>>) {add = true}
      %add3A_390 = arith.constant 7 : i32
      %add3A_391 = arith.addi %add3A_39, %add3A_390 : i32
      %dma_wait3A_392 = arith.constant 7 : i32
      %dma_wait3A_393 = arith.constant 7 : i32
      %dma_wait3A_394 = arith.constant 0 : i32
      %dma_wait3A_395 = arith.constant 0 : i32
      %dma_wait3A_396 = tpu.memref_slice %arg9[%dma_wait3A_392, %dma_wait3A_394, %dma_wait3A_395] : memref<8x128x16xf32, #tpu.memory_space<vmem>> -> memref<1x128x16xf32, #tpu.memory_space<vmem>>
      %dma_wait3A_397 = tpu.memref_squeeze %dma_wait3A_396 : memref<1x128x16xf32, #tpu.memory_space<vmem>> -> memref<128x16xf32, #tpu.memory_space<vmem>>
      %dma_wait3A_398 = arith.constant 0 : i32
      %dma_wait3A_399 = tpu.memref_slice %arg7[%add3A_391, %dma_wait3A_398] : memref<80x128xi32, #tpu.memory_space<vmem>> -> memref<1x128xi32, #tpu.memory_space<vmem>>
      %dma_wait3A_400 = tpu.memref_squeeze %dma_wait3A_399 : memref<1x128xi32, #tpu.memory_space<vmem>> -> memref<128xi32, #tpu.memory_space<vmem>>
      %dma_wait3A_401 = arith.constant 0 : i32
      %dma_wait3A_402 = arith.constant 0 : i32
      %dma_wait3A_403 = tpu.memref_slice %arg4[%dma_wait3A_401, %dma_wait3A_402] : memref<10240x16xf32, #tpu.memory_space<hbm>> -> memref<10240x16xf32, #tpu.memory_space<hbm>>
      %dma_wait3A_404 = tpu.memref_slice %arg11[%dma_wait3A_393] : memref<8x!tpu.dma_semaphore, #tpu.memory_space<semaphore_mem>> -> memref<1x!tpu.dma_semaphore, #tpu.memory_space<semaphore_mem>>
      %dma_wait3A_405 = tpu.memref_squeeze %dma_wait3A_404 : memref<1x!tpu.dma_semaphore, #tpu.memory_space<semaphore_mem>> -> memref<!tpu.dma_semaphore, #tpu.memory_space<semaphore_mem>>
      tpu.wait_indirect_dma semaphore(%dma_wait3A_405 : memref<!tpu.dma_semaphore, #tpu.memory_space<semaphore_mem>>) src(%dma_wait3A_403 : memref<10240x16xf32, #tpu.memory_space<hbm>>) dst(%dma_wait3A_397 : memref<128x16xf32, #tpu.memory_space<vmem>>)
      %add3A_406 = arith.constant 7 : i32
      %add3A_407 = arith.addi %add3A_39, %add3A_406 : i32
      %dma_start3A_408 = arith.constant 7 : i32
      %dma_start3A_409 = arith.constant 7 : i32
      %dma_start3A_410 = arith.constant 0 : i32
      %dma_start3A_411 = arith.constant 0 : i32
      %dma_start3A_412 = tpu.memref_slice %arg9[%dma_start3A_408, %dma_start3A_410, %dma_start3A_411] : memref<8x128x16xf32, #tpu.memory_space<vmem>> -> memref<1x128x16xf32, #tpu.memory_space<vmem>>
      %dma_start3A_413 = tpu.memref_squeeze %dma_start3A_412 : memref<1x128x16xf32, #tpu.memory_space<vmem>> -> memref<128x16xf32, #tpu.memory_space<vmem>>
      %dma_start3A_414 = arith.constant 0 : i32
      %dma_start3A_415 = tpu.memref_slice %arg8[%add3A_407, %dma_start3A_414] : memref<80x128xi32, #tpu.memory_space<vmem>> -> memref<1x128xi32, #tpu.memory_space<vmem>>
      %dma_start3A_416 = tpu.memref_squeeze %dma_start3A_415 : memref<1x128xi32, #tpu.memory_space<vmem>> -> memref<128xi32, #tpu.memory_space<vmem>>
      %dma_start3A_417 = arith.constant 0 : i32
      %dma_start3A_418 = arith.constant 0 : i32
      %dma_start3A_419 = tpu.memref_slice %arg10[%dma_start3A_417, %dma_start3A_418] : memref<10240x16xf32, #tpu.memory_space<vmem_shared>> -> memref<10240x16xf32, #tpu.memory_space<vmem_shared>>
      %dma_start3A_420 = tpu.memref_slice %arg12[%dma_start3A_409] : memref<8x!tpu.dma_semaphore, #tpu.memory_space<semaphore_mem>> -> memref<1x!tpu.dma_semaphore, #tpu.memory_space<semaphore_mem>>
      %dma_start3A_421 = tpu.memref_squeeze %dma_start3A_420 : memref<1x!tpu.dma_semaphore, #tpu.memory_space<semaphore_mem>> -> memref<!tpu.dma_semaphore, #tpu.memory_space<semaphore_mem>>
      tpu.enqueue_indirect_dma source(%dma_start3A_413 : memref<128x16xf32, #tpu.memory_space<vmem>>) target(%dma_start3A_419 : memref<10240x16xf32, #tpu.memory_space<vmem_shared>>) offsets(%dma_start3A_416 : memref<128xi32, #tpu.memory_space<vmem>>) semaphore(%dma_start3A_421 : memref<!tpu.dma_semaphore, #tpu.memory_space<semaphore_mem>>) {add = true}
      %add3A_422 = arith.constant 0 : i32
      %add3A_423 = arith.addi %add3A_39, %add3A_422 : i32
      %dma_wait3A_424 = arith.constant 0 : i32
      %dma_wait3A_425 = arith.constant 0 : i32
      %dma_wait3A_426 = arith.constant 0 : i32
      %dma_wait3A_427 = arith.constant 0 : i32
      %dma_wait3A_428 = tpu.memref_slice %arg9[%dma_wait3A_424, %dma_wait3A_426, %dma_wait3A_427] : memref<8x128x16xf32, #tpu.memory_space<vmem>> -> memref<1x128x16xf32, #tpu.memory_space<vmem>>
      %dma_wait3A_429 = tpu.memref_squeeze %dma_wait3A_428 : memref<1x128x16xf32, #tpu.memory_space<vmem>> -> memref<128x16xf32, #tpu.memory_space<vmem>>
      %dma_wait3A_430 = arith.constant 0 : i32
      %dma_wait3A_431 = tpu.memref_slice %arg8[%add3A_423, %dma_wait3A_430] : memref<80x128xi32, #tpu.memory_space<vmem>> -> memref<1x128xi32, #tpu.memory_space<vmem>>
      %dma_wait3A_432 = tpu.memref_squeeze %dma_wait3A_431 : memref<1x128xi32, #tpu.memory_space<vmem>> -> memref<128xi32, #tpu.memory_space<vmem>>
      %dma_wait3A_433 = arith.constant 0 : i32
      %dma_wait3A_434 = arith.constant 0 : i32
      %dma_wait3A_435 = tpu.memref_slice %arg10[%dma_wait3A_433, %dma_wait3A_434] : memref<10240x16xf32, #tpu.memory_space<vmem_shared>> -> memref<10240x16xf32, #tpu.memory_space<vmem_shared>>
      %dma_wait3A_436 = tpu.memref_slice %arg12[%dma_wait3A_425] : memref<8x!tpu.dma_semaphore, #tpu.memory_space<semaphore_mem>> -> memref<1x!tpu.dma_semaphore, #tpu.memory_space<semaphore_mem>>
      %dma_wait3A_437 = tpu.memref_squeeze %dma_wait3A_436 : memref<1x!tpu.dma_semaphore, #tpu.memory_space<semaphore_mem>> -> memref<!tpu.dma_semaphore, #tpu.memory_space<semaphore_mem>>
      tpu.wait_indirect_dma semaphore(%dma_wait3A_437 : memref<!tpu.dma_semaphore, #tpu.memory_space<semaphore_mem>>) src(%dma_wait3A_429 : memref<128x16xf32, #tpu.memory_space<vmem>>) dst(%dma_wait3A_435 : memref<10240x16xf32, #tpu.memory_space<vmem_shared>>)
      %add3A_438 = arith.constant 1 : i32
      %add3A_439 = arith.addi %add3A_39, %add3A_438 : i32
      %dma_wait3A_440 = arith.constant 1 : i32
      %dma_wait3A_441 = arith.constant 1 : i32
      %dma_wait3A_442 = arith.constant 0 : i32
      %dma_wait3A_443 = arith.constant 0 : i32
      %dma_wait3A_444 = tpu.memref_slice %arg9[%dma_wait3A_440, %dma_wait3A_442, %dma_wait3A_443] : memref<8x128x16xf32, #tpu.memory_space<vmem>> -> memref<1x128x16xf32, #tpu.memory_space<vmem>>
      %dma_wait3A_445 = tpu.memref_squeeze %dma_wait3A_444 : memref<1x128x16xf32, #tpu.memory_space<vmem>> -> memref<128x16xf32, #tpu.memory_space<vmem>>
      %dma_wait3A_446 = arith.constant 0 : i32
      %dma_wait3A_447 = tpu.memref_slice %arg8[%add3A_439, %dma_wait3A_446] : memref<80x128xi32, #tpu.memory_space<vmem>> -> memref<1x128xi32, #tpu.memory_space<vmem>>
      %dma_wait3A_448 = tpu.memref_squeeze %dma_wait3A_447 : memref<1x128xi32, #tpu.memory_space<vmem>> -> memref<128xi32, #tpu.memory_space<vmem>>
      %dma_wait3A_449 = arith.constant 0 : i32
      %dma_wait3A_450 = arith.constant 0 : i32
      %dma_wait3A_451 = tpu.memref_slice %arg10[%dma_wait3A_449, %dma_wait3A_450] : memref<10240x16xf32, #tpu.memory_space<vmem_shared>> -> memref<10240x16xf32, #tpu.memory_space<vmem_shared>>
      %dma_wait3A_452 = tpu.memref_slice %arg12[%dma_wait3A_441] : memref<8x!tpu.dma_semaphore, #tpu.memory_space<semaphore_mem>> -> memref<1x!tpu.dma_semaphore, #tpu.memory_space<semaphore_mem>>
      %dma_wait3A_453 = tpu.memref_squeeze %dma_wait3A_452 : memref<1x!tpu.dma_semaphore, #tpu.memory_space<semaphore_mem>> -> memref<!tpu.dma_semaphore, #tpu.memory_space<semaphore_mem>>
      tpu.wait_indirect_dma semaphore(%dma_wait3A_453 : memref<!tpu.dma_semaphore, #tpu.memory_space<semaphore_mem>>) src(%dma_wait3A_445 : memref<128x16xf32, #tpu.memory_space<vmem>>) dst(%dma_wait3A_451 : memref<10240x16xf32, #tpu.memory_space<vmem_shared>>)
      %add3A_454 = arith.constant 2 : i32
      %add3A_455 = arith.addi %add3A_39, %add3A_454 : i32
      %dma_wait3A_456 = arith.constant 2 : i32
      %dma_wait3A_457 = arith.constant 2 : i32
      %dma_wait3A_458 = arith.constant 0 : i32
      %dma_wait3A_459 = arith.constant 0 : i32
      %dma_wait3A_460 = tpu.memref_slice %arg9[%dma_wait3A_456, %dma_wait3A_458, %dma_wait3A_459] : memref<8x128x16xf32, #tpu.memory_space<vmem>> -> memref<1x128x16xf32, #tpu.memory_space<vmem>>
      %dma_wait3A_461 = tpu.memref_squeeze %dma_wait3A_460 : memref<1x128x16xf32, #tpu.memory_space<vmem>> -> memref<128x16xf32, #tpu.memory_space<vmem>>
      %dma_wait3A_462 = arith.constant 0 : i32
      %dma_wait3A_463 = tpu.memref_slice %arg8[%add3A_455, %dma_wait3A_462] : memref<80x128xi32, #tpu.memory_space<vmem>> -> memref<1x128xi32, #tpu.memory_space<vmem>>
      %dma_wait3A_464 = tpu.memref_squeeze %dma_wait3A_463 : memref<1x128xi32, #tpu.memory_space<vmem>> -> memref<128xi32, #tpu.memory_space<vmem>>
      %dma_wait3A_465 = arith.constant 0 : i32
      %dma_wait3A_466 = arith.constant 0 : i32
      %dma_wait3A_467 = tpu.memref_slice %arg10[%dma_wait3A_465, %dma_wait3A_466] : memref<10240x16xf32, #tpu.memory_space<vmem_shared>> -> memref<10240x16xf32, #tpu.memory_space<vmem_shared>>
      %dma_wait3A_468 = tpu.memref_slice %arg12[%dma_wait3A_457] : memref<8x!tpu.dma_semaphore, #tpu.memory_space<semaphore_mem>> -> memref<1x!tpu.dma_semaphore, #tpu.memory_space<semaphore_mem>>
      %dma_wait3A_469 = tpu.memref_squeeze %dma_wait3A_468 : memref<1x!tpu.dma_semaphore, #tpu.memory_space<semaphore_mem>> -> memref<!tpu.dma_semaphore, #tpu.memory_space<semaphore_mem>>
      tpu.wait_indirect_dma semaphore(%dma_wait3A_469 : memref<!tpu.dma_semaphore, #tpu.memory_space<semaphore_mem>>) src(%dma_wait3A_461 : memref<128x16xf32, #tpu.memory_space<vmem>>) dst(%dma_wait3A_467 : memref<10240x16xf32, #tpu.memory_space<vmem_shared>>)
      %add3A_470 = arith.constant 3 : i32
      %add3A_471 = arith.addi %add3A_39, %add3A_470 : i32
      %dma_wait3A_472 = arith.constant 3 : i32
      %dma_wait3A_473 = arith.constant 3 : i32
      %dma_wait3A_474 = arith.constant 0 : i32
      %dma_wait3A_475 = arith.constant 0 : i32
      %dma_wait3A_476 = tpu.memref_slice %arg9[%dma_wait3A_472, %dma_wait3A_474, %dma_wait3A_475] : memref<8x128x16xf32, #tpu.memory_space<vmem>> -> memref<1x128x16xf32, #tpu.memory_space<vmem>>
      %dma_wait3A_477 = tpu.memref_squeeze %dma_wait3A_476 : memref<1x128x16xf32, #tpu.memory_space<vmem>> -> memref<128x16xf32, #tpu.memory_space<vmem>>
      %dma_wait3A_478 = arith.constant 0 : i32
      %dma_wait3A_479 = tpu.memref_slice %arg8[%add3A_471, %dma_wait3A_478] : memref<80x128xi32, #tpu.memory_space<vmem>> -> memref<1x128xi32, #tpu.memory_space<vmem>>
      %dma_wait3A_480 = tpu.memref_squeeze %dma_wait3A_479 : memref<1x128xi32, #tpu.memory_space<vmem>> -> memref<128xi32, #tpu.memory_space<vmem>>
      %dma_wait3A_481 = arith.constant 0 : i32
      %dma_wait3A_482 = arith.constant 0 : i32
      %dma_wait3A_483 = tpu.memref_slice %arg10[%dma_wait3A_481, %dma_wait3A_482] : memref<10240x16xf32, #tpu.memory_space<vmem_shared>> -> memref<10240x16xf32, #tpu.memory_space<vmem_shared>>
      %dma_wait3A_484 = tpu.memref_slice %arg12[%dma_wait3A_473] : memref<8x!tpu.dma_semaphore, #tpu.memory_space<semaphore_mem>> -> memref<1x!tpu.dma_semaphore, #tpu.memory_space<semaphore_mem>>
      %dma_wait3A_485 = tpu.memref_squeeze %dma_wait3A_484 : memref<1x!tpu.dma_semaphore, #tpu.memory_space<semaphore_mem>> -> memref<!tpu.dma_semaphore, #tpu.memory_space<semaphore_mem>>
      tpu.wait_indirect_dma semaphore(%dma_wait3A_485 : memref<!tpu.dma_semaphore, #tpu.memory_space<semaphore_mem>>) src(%dma_wait3A_477 : memref<128x16xf32, #tpu.memory_space<vmem>>) dst(%dma_wait3A_483 : memref<10240x16xf32, #tpu.memory_space<vmem_shared>>)
      %add3A_486 = arith.constant 4 : i32
      %add3A_487 = arith.addi %add3A_39, %add3A_486 : i32
      %dma_wait3A_488 = arith.constant 4 : i32
      %dma_wait3A_489 = arith.constant 4 : i32
      %dma_wait3A_490 = arith.constant 0 : i32
      %dma_wait3A_491 = arith.constant 0 : i32
      %dma_wait3A_492 = tpu.memref_slice %arg9[%dma_wait3A_488, %dma_wait3A_490, %dma_wait3A_491] : memref<8x128x16xf32, #tpu.memory_space<vmem>> -> memref<1x128x16xf32, #tpu.memory_space<vmem>>
      %dma_wait3A_493 = tpu.memref_squeeze %dma_wait3A_492 : memref<1x128x16xf32, #tpu.memory_space<vmem>> -> memref<128x16xf32, #tpu.memory_space<vmem>>
      %dma_wait3A_494 = arith.constant 0 : i32
      %dma_wait3A_495 = tpu.memref_slice %arg8[%add3A_487, %dma_wait3A_494] : memref<80x128xi32, #tpu.memory_space<vmem>> -> memref<1x128xi32, #tpu.memory_space<vmem>>
      %dma_wait3A_496 = tpu.memref_squeeze %dma_wait3A_495 : memref<1x128xi32, #tpu.memory_space<vmem>> -> memref<128xi32, #tpu.memory_space<vmem>>
      %dma_wait3A_497 = arith.constant 0 : i32
      %dma_wait3A_498 = arith.constant 0 : i32
      %dma_wait3A_499 = tpu.memref_slice %arg10[%dma_wait3A_497, %dma_wait3A_498] : memref<10240x16xf32, #tpu.memory_space<vmem_shared>> -> memref<10240x16xf32, #tpu.memory_space<vmem_shared>>
      %dma_wait3A_500 = tpu.memref_slice %arg12[%dma_wait3A_489] : memref<8x!tpu.dma_semaphore, #tpu.memory_space<semaphore_mem>> -> memref<1x!tpu.dma_semaphore, #tpu.memory_space<semaphore_mem>>
      %dma_wait3A_501 = tpu.memref_squeeze %dma_wait3A_500 : memref<1x!tpu.dma_semaphore, #tpu.memory_space<semaphore_mem>> -> memref<!tpu.dma_semaphore, #tpu.memory_space<semaphore_mem>>
      tpu.wait_indirect_dma semaphore(%dma_wait3A_501 : memref<!tpu.dma_semaphore, #tpu.memory_space<semaphore_mem>>) src(%dma_wait3A_493 : memref<128x16xf32, #tpu.memory_space<vmem>>) dst(%dma_wait3A_499 : memref<10240x16xf32, #tpu.memory_space<vmem_shared>>)
      %add3A_502 = arith.constant 5 : i32
      %add3A_503 = arith.addi %add3A_39, %add3A_502 : i32
      %dma_wait3A_504 = arith.constant 5 : i32
      %dma_wait3A_505 = arith.constant 5 : i32
      %dma_wait3A_506 = arith.constant 0 : i32
      %dma_wait3A_507 = arith.constant 0 : i32
      %dma_wait3A_508 = tpu.memref_slice %arg9[%dma_wait3A_504, %dma_wait3A_506, %dma_wait3A_507] : memref<8x128x16xf32, #tpu.memory_space<vmem>> -> memref<1x128x16xf32, #tpu.memory_space<vmem>>
      %dma_wait3A_509 = tpu.memref_squeeze %dma_wait3A_508 : memref<1x128x16xf32, #tpu.memory_space<vmem>> -> memref<128x16xf32, #tpu.memory_space<vmem>>
      %dma_wait3A_510 = arith.constant 0 : i32
      %dma_wait3A_511 = tpu.memref_slice %arg8[%add3A_503, %dma_wait3A_510] : memref<80x128xi32, #tpu.memory_space<vmem>> -> memref<1x128xi32, #tpu.memory_space<vmem>>
      %dma_wait3A_512 = tpu.memref_squeeze %dma_wait3A_511 : memref<1x128xi32, #tpu.memory_space<vmem>> -> memref<128xi32, #tpu.memory_space<vmem>>
      %dma_wait3A_513 = arith.constant 0 : i32
      %dma_wait3A_514 = arith.constant 0 : i32
      %dma_wait3A_515 = tpu.memref_slice %arg10[%dma_wait3A_513, %dma_wait3A_514] : memref<10240x16xf32, #tpu.memory_space<vmem_shared>> -> memref<10240x16xf32, #tpu.memory_space<vmem_shared>>
      %dma_wait3A_516 = tpu.memref_slice %arg12[%dma_wait3A_505] : memref<8x!tpu.dma_semaphore, #tpu.memory_space<semaphore_mem>> -> memref<1x!tpu.dma_semaphore, #tpu.memory_space<semaphore_mem>>
      %dma_wait3A_517 = tpu.memref_squeeze %dma_wait3A_516 : memref<1x!tpu.dma_semaphore, #tpu.memory_space<semaphore_mem>> -> memref<!tpu.dma_semaphore, #tpu.memory_space<semaphore_mem>>
      tpu.wait_indirect_dma semaphore(%dma_wait3A_517 : memref<!tpu.dma_semaphore, #tpu.memory_space<semaphore_mem>>) src(%dma_wait3A_509 : memref<128x16xf32, #tpu.memory_space<vmem>>) dst(%dma_wait3A_515 : memref<10240x16xf32, #tpu.memory_space<vmem_shared>>)
      %add3A_518 = arith.constant 6 : i32
      %add3A_519 = arith.addi %add3A_39, %add3A_518 : i32
      %dma_wait3A_520 = arith.constant 6 : i32
      %dma_wait3A_521 = arith.constant 6 : i32
      %dma_wait3A_522 = arith.constant 0 : i32
      %dma_wait3A_523 = arith.constant 0 : i32
      %dma_wait3A_524 = tpu.memref_slice %arg9[%dma_wait3A_520, %dma_wait3A_522, %dma_wait3A_523] : memref<8x128x16xf32, #tpu.memory_space<vmem>> -> memref<1x128x16xf32, #tpu.memory_space<vmem>>
      %dma_wait3A_525 = tpu.memref_squeeze %dma_wait3A_524 : memref<1x128x16xf32, #tpu.memory_space<vmem>> -> memref<128x16xf32, #tpu.memory_space<vmem>>
      %dma_wait3A_526 = arith.constant 0 : i32
      %dma_wait3A_527 = tpu.memref_slice %arg8[%add3A_519, %dma_wait3A_526] : memref<80x128xi32, #tpu.memory_space<vmem>> -> memref<1x128xi32, #tpu.memory_space<vmem>>
      %dma_wait3A_528 = tpu.memref_squeeze %dma_wait3A_527 : memref<1x128xi32, #tpu.memory_space<vmem>> -> memref<128xi32, #tpu.memory_space<vmem>>
      %dma_wait3A_529 = arith.constant 0 : i32
      %dma_wait3A_530 = arith.constant 0 : i32
      %dma_wait3A_531 = tpu.memref_slice %arg10[%dma_wait3A_529, %dma_wait3A_530] : memref<10240x16xf32, #tpu.memory_space<vmem_shared>> -> memref<10240x16xf32, #tpu.memory_space<vmem_shared>>
      %dma_wait3A_532 = tpu.memref_slice %arg12[%dma_wait3A_521] : memref<8x!tpu.dma_semaphore, #tpu.memory_space<semaphore_mem>> -> memref<1x!tpu.dma_semaphore, #tpu.memory_space<semaphore_mem>>
      %dma_wait3A_533 = tpu.memref_squeeze %dma_wait3A_532 : memref<1x!tpu.dma_semaphore, #tpu.memory_space<semaphore_mem>> -> memref<!tpu.dma_semaphore, #tpu.memory_space<semaphore_mem>>
      tpu.wait_indirect_dma semaphore(%dma_wait3A_533 : memref<!tpu.dma_semaphore, #tpu.memory_space<semaphore_mem>>) src(%dma_wait3A_525 : memref<128x16xf32, #tpu.memory_space<vmem>>) dst(%dma_wait3A_531 : memref<10240x16xf32, #tpu.memory_space<vmem_shared>>)
      %add3A_534 = arith.constant 7 : i32
      %add3A_535 = arith.addi %add3A_39, %add3A_534 : i32
      %dma_wait3A_536 = arith.constant 7 : i32
      %dma_wait3A_537 = arith.constant 7 : i32
      %dma_wait3A_538 = arith.constant 0 : i32
      %dma_wait3A_539 = arith.constant 0 : i32
      %dma_wait3A_540 = tpu.memref_slice %arg9[%dma_wait3A_536, %dma_wait3A_538, %dma_wait3A_539] : memref<8x128x16xf32, #tpu.memory_space<vmem>> -> memref<1x128x16xf32, #tpu.memory_space<vmem>>
      %dma_wait3A_541 = tpu.memref_squeeze %dma_wait3A_540 : memref<1x128x16xf32, #tpu.memory_space<vmem>> -> memref<128x16xf32, #tpu.memory_space<vmem>>
      %dma_wait3A_542 = arith.constant 0 : i32
      %dma_wait3A_543 = tpu.memref_slice %arg8[%add3A_535, %dma_wait3A_542] : memref<80x128xi32, #tpu.memory_space<vmem>> -> memref<1x128xi32, #tpu.memory_space<vmem>>
      %dma_wait3A_544 = tpu.memref_squeeze %dma_wait3A_543 : memref<1x128xi32, #tpu.memory_space<vmem>> -> memref<128xi32, #tpu.memory_space<vmem>>
      %dma_wait3A_545 = arith.constant 0 : i32
      %dma_wait3A_546 = arith.constant 0 : i32
      %dma_wait3A_547 = tpu.memref_slice %arg10[%dma_wait3A_545, %dma_wait3A_546] : memref<10240x16xf32, #tpu.memory_space<vmem_shared>> -> memref<10240x16xf32, #tpu.memory_space<vmem_shared>>
      %dma_wait3A_548 = tpu.memref_slice %arg12[%dma_wait3A_537] : memref<8x!tpu.dma_semaphore, #tpu.memory_space<semaphore_mem>> -> memref<1x!tpu.dma_semaphore, #tpu.memory_space<semaphore_mem>>
      %dma_wait3A_549 = tpu.memref_squeeze %dma_wait3A_548 : memref<1x!tpu.dma_semaphore, #tpu.memory_space<semaphore_mem>> -> memref<!tpu.dma_semaphore, #tpu.memory_space<semaphore_mem>>
      tpu.wait_indirect_dma semaphore(%dma_wait3A_549 : memref<!tpu.dma_semaphore, #tpu.memory_space<semaphore_mem>>) src(%dma_wait3A_541 : memref<128x16xf32, #tpu.memory_space<vmem>>) dst(%dma_wait3A_547 : memref<10240x16xf32, #tpu.memory_space<vmem_shared>>)
    }
    %scan3A_29 = arith.constant 10 : i32
    %barrier3A_30 = arith.constant 0 : index
    tpu.barrier barrier_id(%barrier3A_30)
    %mul3A_31 = arith.constant 640 : i32
    %mul3A_32 = arith.muli %arg1, %mul3A_31 : i32
    %mul3A_33 = arith.constant 640 : i32
    %mul3A_34 = arith.muli %arg1, %mul3A_33 : i32
    "tpu.region"() ({
      %run_scoped3A_35 = tpu.sem_alloc : memref<!tpu.dma_semaphore, #tpu.memory_space<semaphore_mem>>
      %dma_start3A = arith.constant 0 : i32
      %dma_start3A_36 = tpu.memref_slice %arg6[%arg0, %mul3A_34, %dma_start3A] : memref<2x10240x16xf32, #tpu.memory_space<hbm>> -> memref<1x640x16xf32, #tpu.memory_space<hbm>>
      %dma_start3A_37 = tpu.memref_squeeze %dma_start3A_36 : memref<1x640x16xf32, #tpu.memory_space<hbm>> -> memref<640x16xf32, #tpu.memory_space<hbm>>
      %dma_start3A_38 = arith.constant 0 : i32
      %dma_start3A_39 = tpu.memref_slice %arg10[%mul3A_32, %dma_start3A_38] : memref<10240x16xf32, #tpu.memory_space<vmem_shared>> -> memref<640x16xf32, #tpu.memory_space<vmem_shared>>
      tpu.enqueue_dma source(%dma_start3A_39 : memref<640x16xf32, #tpu.memory_space<vmem_shared>>) target(%dma_start3A_37 : memref<640x16xf32, #tpu.memory_space<hbm>>) target_semaphore(%run_scoped3A_35 : memref<!tpu.dma_semaphore, #tpu.memory_space<semaphore_mem>>)
      %dma_wait3A = arith.constant 0 : i32
      %dma_wait3A_40 = tpu.memref_slice %arg6[%arg0, %mul3A_34, %dma_wait3A] : memref<2x10240x16xf32, #tpu.memory_space<hbm>> -> memref<1x640x16xf32, #tpu.memory_space<hbm>>
      %dma_wait3A_41 = tpu.memref_squeeze %dma_wait3A_40 : memref<1x640x16xf32, #tpu.memory_space<hbm>> -> memref<640x16xf32, #tpu.memory_space<hbm>>
      %dma_wait3A_42 = arith.constant 0 : i32
      %dma_wait3A_43 = tpu.memref_slice %arg10[%mul3A_32, %dma_wait3A_42] : memref<10240x16xf32, #tpu.memory_space<vmem_shared>> -> memref<640x16xf32, #tpu.memory_space<vmem_shared>>
      tpu.wait_dma2 semaphore(%run_scoped3A_35 : memref<!tpu.dma_semaphore, #tpu.memory_space<semaphore_mem>>) src(%dma_wait3A_43 : memref<640x16xf32, #tpu.memory_space<vmem_shared>>) dst(%dma_wait3A_41 : memref<640x16xf32, #tpu.memory_space<hbm>>)
      tpu.yield
    }) : () -> ()
    return
  }
}

module attributes {stable_mosaic.version = 14 : i64} {
  func.func @body(%arg0: i32, %arg1: memref<2x2560x16xf32, #tpu.memory_space<vmem>>, %arg2: memref<2560x128xf32, #tpu.memory_space<vmem>>, %arg3: memref<128x128xf32, #tpu.memory_space<vmem>>, %arg4: memref<2560x128xf32, #tpu.memory_space<vmem>>, %arg5: memref<2560x1xf32, #tpu.memory_space<vmem>>) attributes {dimension_semantics = [#tpu.dimension_semantics<arbitrary>], iteration_bounds = array<i64: 4>, scalar_prefetch = 0 : i64, scratch_operands = 0 : i64, tpu.core_type = #tpu.core_type<tc>, window_params = [{transform_indices = @transform_0, window_bounds = array<i64: 2, 2560, 16>}, {transform_indices = @transform_1, window_bounds = array<i64: 2560, 128>}, {pipeline_mode = #tpu.pipeline_mode<synchronous>, transform_indices = @transform_2, window_bounds = array<i64: 128, 128>}, {transform_indices = @transform_3, window_bounds = array<i64: 2560, 128>}, {transform_indices = @transform_4, window_bounds = array<i64: 2560, 1>}]} {
    %get3A = arith.constant 0 : index
    %get3A_0 = arith.constant 0 : index
    %get3A_1 = vector.load %arg2[%get3A, %get3A_0] : memref<2560x128xf32, #tpu.memory_space<vmem>>, vector<2560x128xf32>
    %get3A_2 = arith.constant 0 : index
    %get3A_3 = arith.constant 0 : index
    %get3A_4 = vector.load %arg3[%get3A_2, %get3A_3] : memref<128x128xf32, #tpu.memory_space<vmem>>, vector<128x128xf32>
    %dot_general3A = arith.constant dense<0.000000e+00> : vector<2560x128xf32>
    %dot_general3A_5 = tpu.matmul %get3A_1, %get3A_4, %dot_general3A {dimension_numbers = #tpu.dot_dimension_numbers<[1], [0], [0], [1], [0, 0, 1, 1], [], []>, transpose_lhs_hint = false} : vector<2560x128xf32>, vector<128x128xf32>, vector<2560x128xf32> -> vector<2560x128xf32>
    %get3A_6 = arith.constant 0 : index
    %get3A_7 = arith.constant 0 : index
    %get3A_8 = arith.constant 0 : index
    %get3A_9 = vector.load %arg1[%get3A_6, %get3A_7, %get3A_8] : memref<2x2560x16xf32, #tpu.memory_space<vmem>>, vector<1x2560x1xf32>
    %get3A_10 = vector.shape_cast %get3A_9 : vector<1x2560x1xf32> to vector<2560x1xf32>
    %get3A_11 = arith.constant 1 : index
    %get3A_12 = arith.constant 0 : index
    %get3A_13 = arith.constant 0 : index
    %get3A_14 = vector.load %arg1[%get3A_11, %get3A_12, %get3A_13] : memref<2x2560x16xf32, #tpu.memory_space<vmem>>, vector<1x2560x1xf32>
    %get3A_15 = vector.shape_cast %get3A_14 : vector<1x2560x1xf32> to vector<2560x1xf32>
    %add3A = arith.addf %get3A_10, %get3A_15 : vector<2560x1xf32>
    %add3A_16 = arith.constant 1.000000e+00 : f32
    %add3A_17 = vector.broadcast %add3A_16 : f32 to vector<2560x1xf32>
    %add3A_18 = arith.addf %add3A, %add3A_17 : vector<2560x1xf32>
    %rsqrt3A = math.rsqrt %add3A_18 : vector<2560x1xf32>
    %swap3A = arith.constant 0 : index
    %swap3A_19 = arith.constant 0 : index
    %swap3A_20 = vector.load %arg5[%swap3A, %swap3A_19] : memref<2560x1xf32, #tpu.memory_space<vmem>>, vector<2560x1xf32>
    tpu.vector_store %arg5[%swap3A, %swap3A_19], %rsqrt3A {strides = array<i32>} : memref<2560x1xf32, #tpu.memory_space<vmem>>, vector<2560x1xf32>,
    %mul3A = vector.broadcast %rsqrt3A : vector<2560x1xf32> to vector<2560x128xf32>
    %mul3A_21 = arith.mulf %dot_general3A_5, %mul3A : vector<2560x128xf32>
    %swap3A_22 = arith.constant 0 : index
    %swap3A_23 = arith.constant 0 : index
    %swap3A_24 = vector.load %arg4[%swap3A_22, %swap3A_23] : memref<2560x128xf32, #tpu.memory_space<vmem>>, vector<2560x128xf32>
    tpu.vector_store %arg4[%swap3A_22, %swap3A_23], %mul3A_21 {strides = array<i32>} : memref<2560x128xf32, #tpu.memory_space<vmem>>, vector<2560x128xf32>,
    return
  }
  func.func @transform_0(%arg0: i32) -> (i32, i32, i32) {
    %c0_i32 = arith.constant 0 : i32
    %c0_i32_0 = arith.constant 0 : i32
    %c0_i32_1 = arith.constant 0 : i32
    return %c0_i32, %arg0, %c0_i32_0 : i32, i32, i32
  }
  func.func @transform_1(%arg0: i32) -> (i32, i32) {
    %c0_i32 = arith.constant 0 : i32
    %c0_i32_0 = arith.constant 0 : i32
    return %arg0, %c0_i32 : i32, i32
  }
  func.func @transform_2(%arg0: i32) -> (i32, i32) {
    %c0_i32 = arith.constant 0 : i32
    %c0_i32_0 = arith.constant 0 : i32
    %c0_i32_1 = arith.constant 0 : i32
    return %c0_i32, %c0_i32_0 : i32, i32
  }
  func.func @transform_3(%arg0: i32) -> (i32, i32) {
    %c0_i32 = arith.constant 0 : i32
    %c0_i32_0 = arith.constant 0 : i32
    return %arg0, %c0_i32 : i32, i32
  }
  func.func @transform_4(%arg0: i32) -> (i32, i32) {
    %c0_i32 = arith.constant 0 : i32
    %c0_i32_0 = arith.constant 0 : i32
    return %arg0, %c0_i32 : i32, i32
  }
}

module attributes {stable_mosaic.version = 14 : i64} {
  func.func @body(%arg0: i32, %arg1: memref<2x2560x128xf32, #tpu.memory_space<vmem>>, %arg2: memref<2560x128xf32, #tpu.memory_space<vmem>>, %arg3: memref<2560x1xf32, #tpu.memory_space<vmem>>, %arg4: memref<1x128xf32, #tpu.memory_space<vmem>>, %arg5: memref<128x16xf32, #tpu.memory_space<vmem>>, %arg6: memref<2560x16xf32, #tpu.memory_space<vmem>>) attributes {dimension_semantics = [#tpu.dimension_semantics<arbitrary>], iteration_bounds = array<i64: 4>, scalar_prefetch = 0 : i64, scratch_operands = 0 : i64, tpu.core_type = #tpu.core_type<tc>, window_params = [{transform_indices = @transform_0, window_bounds = array<i64: 2, 2560, 128>}, {transform_indices = @transform_1, window_bounds = array<i64: 2560, 128>}, {transform_indices = @transform_2, window_bounds = array<i64: 2560, 1>}, {pipeline_mode = #tpu.pipeline_mode<synchronous>, transform_indices = @transform_3, window_bounds = array<i64: 1, 128>}, {pipeline_mode = #tpu.pipeline_mode<synchronous>, transform_indices = @transform_4, window_bounds = array<i64: 128, 16>}, {transform_indices = @transform_5, window_bounds = array<i64: 2560, 16>}]} {
    %get3A = arith.constant 0 : index
    %get3A_0 = arith.constant 0 : index
    %get3A_1 = arith.constant 0 : index
    %get3A_2 = vector.load %arg1[%get3A, %get3A_0, %get3A_1] : memref<2x2560x128xf32, #tpu.memory_space<vmem>>, vector<1x2560x128xf32>
    %get3A_3 = vector.shape_cast %get3A_2 : vector<1x2560x128xf32> to vector<2560x128xf32>
    %get3A_4 = arith.constant 1 : index
    %get3A_5 = arith.constant 0 : index
    %get3A_6 = arith.constant 0 : index
    %get3A_7 = vector.load %arg1[%get3A_4, %get3A_5, %get3A_6] : memref<2x2560x128xf32, #tpu.memory_space<vmem>>, vector<1x2560x128xf32>
    %get3A_8 = vector.shape_cast %get3A_7 : vector<1x2560x128xf32> to vector<2560x128xf32>
    %add3A = arith.addf %get3A_3, %get3A_8 : vector<2560x128xf32>
    %get3A_9 = arith.constant 0 : index
    %get3A_10 = arith.constant 0 : index
    %get3A_11 = vector.load %arg2[%get3A_9, %get3A_10] : memref<2560x128xf32, #tpu.memory_space<vmem>>, vector<2560x128xf32>
    %add3A_12 = arith.addf %add3A, %get3A_11 : vector<2560x128xf32>
    %get3A_13 = arith.constant 0 : index
    %get3A_14 = arith.constant 0 : index
    %get3A_15 = vector.load %arg3[%get3A_13, %get3A_14] : memref<2560x1xf32, #tpu.memory_space<vmem>>, vector<2560x1xf32>
    %mul3A = vector.broadcast %get3A_15 : vector<2560x1xf32> to vector<2560x128xf32>
    %mul3A_16 = arith.mulf %mul3A, %add3A_12 : vector<2560x128xf32>
    %get3A_17 = arith.constant 0 : index
    %get3A_18 = arith.constant 0 : index
    %get3A_19 = vector.load %arg4[%get3A_17, %get3A_18] : memref<1x128xf32, #tpu.memory_space<vmem>>, vector<1x128xf32>
    %add3A_20 = vector.broadcast %get3A_19 : vector<1x128xf32> to vector<2560x128xf32>
    %add3A_21 = arith.addf %mul3A_16, %add3A_20 : vector<2560x128xf32>
    %max3A = arith.constant 0.000000e+00 : f32
    %max3A_22 = vector.broadcast %max3A : f32 to vector<2560x128xf32>
    %max3A_23 = arith.maximumf %add3A_21, %max3A_22 : vector<2560x128xf32>
    %get3A_24 = arith.constant 0 : index
    %get3A_25 = arith.constant 0 : index
    %get3A_26 = vector.load %arg5[%get3A_24, %get3A_25] : memref<128x16xf32, #tpu.memory_space<vmem>>, vector<128x16xf32>
    %dot_general3A = arith.constant dense<0.000000e+00> : vector<2560x16xf32>
    %dot_general3A_27 = tpu.matmul %max3A_23, %get3A_26, %dot_general3A {dimension_numbers = #tpu.dot_dimension_numbers<[1], [0], [0], [1], [0, 0, 1, 1], [], []>, transpose_lhs_hint = false} : vector<2560x128xf32>, vector<128x16xf32>, vector<2560x16xf32> -> vector<2560x16xf32>
    %get3A_28 = arith.constant 0 : index
    %get3A_29 = arith.constant 0 : index
    %get3A_30 = vector.load %arg3[%get3A_28, %get3A_29] : memref<2560x1xf32, #tpu.memory_space<vmem>>, vector<2560x1xf32>
    %mul3A_31 = vector.broadcast %get3A_30 : vector<2560x1xf32> to vector<2560x16xf32>
    %mul3A_32 = arith.mulf %mul3A_31, %dot_general3A_27 : vector<2560x16xf32>
    %swap3A = arith.constant 0 : index
    %swap3A_33 = arith.constant 0 : index
    %swap3A_34 = vector.load %arg6[%swap3A, %swap3A_33] : memref<2560x16xf32, #tpu.memory_space<vmem>>, vector<2560x16xf32>
    tpu.vector_store %arg6[%swap3A, %swap3A_33], %mul3A_32 {strides = array<i32>} : memref<2560x16xf32, #tpu.memory_space<vmem>>, vector<2560x16xf32>,
    return
  }
  func.func @transform_0(%arg0: i32) -> (i32, i32, i32) {
    %c0_i32 = arith.constant 0 : i32
    %c0_i32_0 = arith.constant 0 : i32
    %c0_i32_1 = arith.constant 0 : i32
    return %c0_i32, %arg0, %c0_i32_0 : i32, i32, i32
  }
  func.func @transform_1(%arg0: i32) -> (i32, i32) {
    %c0_i32 = arith.constant 0 : i32
    %c0_i32_0 = arith.constant 0 : i32
    return %arg0, %c0_i32 : i32, i32
  }
  func.func @transform_2(%arg0: i32) -> (i32, i32) {
    %c0_i32 = arith.constant 0 : i32
    %c0_i32_0 = arith.constant 0 : i32
    return %arg0, %c0_i32 : i32, i32
  }
  func.func @transform_3(%arg0: i32) -> (i32, i32) {
    %c0_i32 = arith.constant 0 : i32
    %c0_i32_0 = arith.constant 0 : i32
    %c0_i32_1 = arith.constant 0 : i32
    return %c0_i32, %c0_i32_0 : i32, i32
  }
  func.func @transform_4(%arg0: i32) -> (i32, i32) {
    %c0_i32 = arith.constant 0 : i32
    %c0_i32_0 = arith.constant 0 : i32
    %c0_i32_1 = arith.constant 0 : i32
    return %c0_i32, %c0_i32_0 : i32, i32
  }
  func.func @transform_5(%arg0: i32) -> (i32, i32) {
    %c0_i32 = arith.constant 0 : i32
    %c0_i32_0 = arith.constant 0 : i32
    return %arg0, %c0_i32 : i32, i32
  }
}

module attributes {stable_mosaic.version = 14 : i64} {
  func.func @body(%arg0: i32, %arg1: memref<2x2000x16xf32, #tpu.memory_space<vmem>>, %arg2: memref<2000x16xf32, #tpu.memory_space<vmem>>, %arg3: memref<2000x1xf32, #tpu.memory_space<vmem>>, %arg4: memref<1x16xf32, #tpu.memory_space<vmem>>, %arg5: memref<2000x2xf32, #tpu.memory_space<vmem>>) attributes {dimension_semantics = [#tpu.dimension_semantics<arbitrary>], iteration_bounds = array<i64: 5>, scalar_prefetch = 0 : i64, scratch_operands = 0 : i64, tpu.core_type = #tpu.core_type<tc>, window_params = [{transform_indices = @transform_0, window_bounds = array<i64: 2, 2000, 16>}, {transform_indices = @transform_1, window_bounds = array<i64: 2000, 16>}, {transform_indices = @transform_2, window_bounds = array<i64: 2000, 1>}, {pipeline_mode = #tpu.pipeline_mode<synchronous>, transform_indices = @transform_3, window_bounds = array<i64: 1, 16>}, {transform_indices = @transform_4, window_bounds = array<i64: 2000, 2>}]} {
    %get3A = arith.constant 0 : index
    %get3A_0 = arith.constant 0 : index
    %get3A_1 = vector.load %arg3[%get3A, %get3A_0] : memref<2000x1xf32, #tpu.memory_space<vmem>>, vector<2000x1xf32>
    %get3A_2 = arith.constant 0 : index
    %get3A_3 = arith.constant 0 : index
    %get3A_4 = arith.constant 0 : index
    %get3A_5 = vector.load %arg1[%get3A_2, %get3A_3, %get3A_4] : memref<2x2000x16xf32, #tpu.memory_space<vmem>>, vector<1x2000x16xf32>
    %get3A_6 = vector.shape_cast %get3A_5 : vector<1x2000x16xf32> to vector<2000x16xf32>
    %get3A_7 = arith.constant 1 : index
    %get3A_8 = arith.constant 0 : index
    %get3A_9 = arith.constant 0 : index
    %get3A_10 = vector.load %arg1[%get3A_7, %get3A_8, %get3A_9] : memref<2x2000x16xf32, #tpu.memory_space<vmem>>, vector<1x2000x16xf32>
    %get3A_11 = vector.shape_cast %get3A_10 : vector<1x2000x16xf32> to vector<2000x16xf32>
    %add3A = arith.addf %get3A_6, %get3A_11 : vector<2000x16xf32>
    %get3A_12 = arith.constant 0 : index
    %get3A_13 = arith.constant 0 : index
    %get3A_14 = vector.load %arg2[%get3A_12, %get3A_13] : memref<2000x16xf32, #tpu.memory_space<vmem>>, vector<2000x16xf32>
    %add3A_15 = arith.addf %add3A, %get3A_14 : vector<2000x16xf32>
    %mul3A = vector.broadcast %get3A_1 : vector<2000x1xf32> to vector<2000x16xf32>
    %mul3A_16 = arith.mulf %mul3A, %add3A_15 : vector<2000x16xf32>
    %get3A_17 = arith.constant 0 : index
    %get3A_18 = arith.constant 0 : index
    %get3A_19 = vector.load %arg4[%get3A_17, %get3A_18] : memref<1x16xf32, #tpu.memory_space<vmem>>, vector<1x16xf32>
    %add3A_20 = vector.broadcast %get3A_19 : vector<1x16xf32> to vector<2000x16xf32>
    %add3A_21 = arith.addf %mul3A_16, %add3A_20 : vector<2000x16xf32>
    %iota3A = tpu.iota {dimensions = array<i32: 1>} : vector<2000x16xi32>
    %lt3A = arith.constant 2 : i32
    %lt3A_22 = vector.broadcast %lt3A : i32 to vector<2000x16xi32>
    %lt3A_23 = arith.cmpi slt, %iota3A, %lt3A_22 : vector<2000x16xi32>
    %jit3A = arith.constant 0xFF800000 : f32
    %broadcast_in_dim3A = vector.broadcast %jit3A : f32 to vector<2000x16xf32>
    %select_n3A = arith.select %lt3A_23, %add3A_21, %broadcast_in_dim3A : vector<2000x16xi1>, vector<2000x16xf32>
    %reduce_max3A = arith.constant dense<0xFF800000> : vector<2000xf32>
    %reduce_max3A_24 = vector.multi_reduction <maximumf>, %select_n3A, %reduce_max3A [1] : vector<2000x16xf32> to vector<2000xf32>
    %broadcast_in_dim3A_25 = vector.shape_cast %reduce_max3A_24 : vector<2000xf32> to vector<2000x1xf32>
    %sub3A = vector.broadcast %broadcast_in_dim3A_25 : vector<2000x1xf32> to vector<2000x16xf32>
    %sub3A_26 = arith.subf %add3A_21, %sub3A : vector<2000x16xf32>
    %exp3A = math.exp %sub3A_26 : vector<2000x16xf32>
    %jit3A_27 = arith.constant 0.000000e+00 : f32
    %broadcast_in_dim3A_28 = vector.broadcast %jit3A_27 : f32 to vector<2000x16xf32>
    %select_n3A_29 = arith.select %lt3A_23, %exp3A, %broadcast_in_dim3A_28 : vector<2000x16xi1>, vector<2000x16xf32>
    %reduce_sum3A = arith.constant dense<0.000000e+00> : vector<2000xf32>
    %reduce_sum3A_30 = vector.multi_reduction <add>, %select_n3A_29, %reduce_sum3A [1] : vector<2000x16xf32> to vector<2000xf32>
    %broadcast_in_dim3A_31 = vector.shape_cast %reduce_sum3A_30 : vector<2000xf32> to vector<2000x1xf32>
    %log3A = math.log %broadcast_in_dim3A_31 : vector<2000x1xf32>
    %add3A_32 = arith.addf %broadcast_in_dim3A_25, %log3A : vector<2000x1xf32>
    %sub3A_33 = vector.broadcast %add3A_32 : vector<2000x1xf32> to vector<2000x16xf32>
    %sub3A_34 = arith.subf %add3A_21, %sub3A_33 : vector<2000x16xf32>
    %slice3A = vector.extract_strided_slice %sub3A_34 {offsets = [0, 0], sizes = [2000, 2], strides = [1, 1]} : vector<2000x16xf32> to vector<2000x2xf32>
    %swap3A = arith.constant 0 : index
    %swap3A_35 = arith.constant 0 : index
    %swap3A_36 = vector.load %arg5[%swap3A, %swap3A_35] : memref<2000x2xf32, #tpu.memory_space<vmem>>, vector<2000x2xf32>
    tpu.vector_store %arg5[%swap3A, %swap3A_35], %slice3A {strides = array<i32>} : memref<2000x2xf32, #tpu.memory_space<vmem>>, vector<2000x2xf32>,
    return
  }
  func.func @transform_0(%arg0: i32) -> (i32, i32, i32) {
    %c0_i32 = arith.constant 0 : i32
    %c0_i32_0 = arith.constant 0 : i32
    %c0_i32_1 = arith.constant 0 : i32
    return %c0_i32, %arg0, %c0_i32_0 : i32, i32, i32
  }
  func.func @transform_1(%arg0: i32) -> (i32, i32) {
    %c0_i32 = arith.constant 0 : i32
    %c0_i32_0 = arith.constant 0 : i32
    return %arg0, %c0_i32 : i32, i32
  }
  func.func @transform_2(%arg0: i32) -> (i32, i32) {
    %c0_i32 = arith.constant 0 : i32
    %c0_i32_0 = arith.constant 0 : i32
    return %arg0, %c0_i32 : i32, i32
  }
  func.func @transform_3(%arg0: i32) -> (i32, i32) {
    %c0_i32 = arith.constant 0 : i32
    %c0_i32_0 = arith.constant 0 : i32
    %c0_i32_1 = arith.constant 0 : i32
    return %c0_i32, %c0_i32_0 : i32, i32
  }
  func.func @transform_4(%arg0: i32) -> (i32, i32) {
    %c0_i32 = arith.constant 0 : i32
    %c0_i32_0 = arith.constant 0 : i32
    return %arg0, %c0_i32 : i32, i32
  }
}

</mosaic_0001>

<sc_bundles>
// kernel: kernel.11.cloned.1.call-start
scs
__scs_entry_jumppad:
0x0: {  	(pc) =	sbr.rel $0x88, $3  }
0x1: {  	(tag) =	ssettag $0x0;
	lr =	simm.s32 $0x1  }
0x2: {  	[smem:$0x3F9B] =	sst lr;
	_ =	strace $0xD0000000  }
0x3: {  	_ = 	snop  }
0x4: {  	_ = 	snop  }
0x5: {  	_ = 	snop  }
0x6: {  	_ = 	snop  }
0x7: {  	_ = 	snop  }
__scs_overlays_trampoline_lowered:
0x8: {  	[smem:$0x3FAA] =	sst s0  }
0x9: {  	[smem:$0x3FAB] =	sst s1  }
0xa: {  	[smem:$0x3FAC] =	sst s2  }
0xb: {  	[smem:$0x3FAD] =	sst s3  }
0xc: {  	[smem:$0x3FAE] =	sst s4  }
0xd: {  	[smem:$0x3FAF] =	sst s5  }
0xe: {  	[smem:$0x3FB0] =	sst s6  }
0xf: {  	[smem:$0x3FB1] =	sst s7  }
0x10: {  	[smem:$0x3FB2] =	sst s8  }
0x11: {  	[smem:$0x3FB3] =	sst s9;
	s0 =	simm.s32 @!p0 $0x0  }
0x12: {  	s1 =	sld [smem:$0x3F99];
	s0 =	simm.s32 @p0 $0x1  }
0x13: {  	[smem:$0x3FB4] =	sst s0;
	s0 =	simm.s32 @!p1 $0x0  }
0x14: {  	s2 =	sld [smem:$0x3F98];
	s0 =	simm.s32 @p1 $0x1  }
0x15: {  	[smem:$0x3FB5] =	sst s0;
	s0 =	simm.s32 @!p2 $0x0  }
0x16: {  	s3 =	sld [smem:$0x3FDB];
	s0 =	simm.s32 @p2 $0x1  }
0x17: {  	s4 =	simm.s32 $0x1BF5;
	[smem:$0x3FB7] =	sst s0  }
0x18: {  	s0 =	sld [smem:$0x3F9A];
	_ =	swait.ge [sflag:s4], $0x0  }
0x19: {  	s7 =	sld [smem:$0x3F9B]  }
0x1a: {  	s8 =	sadd.s32 $0xFFFFE003, lr  }
0x1b: {  	s9 =	sadd.s32 $0xFFFFFEF7, lr;
	s5 =	simm.s32 $0xFFFFFFFF;
	p2 =	slt.u32 s8, $0xFFFFF086  }
0x1c: {  	p1 =	slt.u32 s9, $0xF7A;
	s5 =	simm.s32 @!p2 $0x0  }
0x1d: {  	s5 =	simm.s32 @p1 $0x1;
	p0 =	seq.s32 s7, s2  }
0x1e: {  	s7 =	smul.u32 @!p0 $0xF7A, s2;
	p2 =	seq.s32 @!p0 s5, $0x0  }
0x1f: {  	s9 =	smul.u32 $0xF7A, s1;
	s8 =	simm.s32 @!p0 $0x1BF5;
	p2 =	por !p2, p0  }
0x20: {  	[sflag:s8] =	ssyncset.s32 @!p0 $0xFFFFF086;
	s6 =	sadd.s32 @!p0 s3, s7;
	s7 =	simm.s32 @!p0 $0x108  }
0x21: {  	s3 =	sadd.s32 s3, s9;
	s6 =	sadd.s32 @!p0 $0x88, s6;
	s7 =	simm.s32 @p2 $0x1082  }
0x22: {  	[simem:s7], [sflag:s8] =	dma.local @!p0 [hbm:s6], $0xF7A  }
0x23: {  	s9 =	sor.u32 $0xD0000000, s2;
	s6 =	simm.s32 $0x108;
	_ =	swait.ge @!p0 [sflag:s8], $0x0  }
0x24: {  	s3 =	sadd.s32 $0x88, s3;
	s6 =	simm.s32 @!p1 $0x1082;
	[sflag:s4] =	ssyncset.s32 $0xFFFFF086  }
0x25: {  	[simem:s6], [sflag:s4] =	dma.local [hbm:s3], $0xF7A  }
0x26: {  	[smem:$0x3F9B] =	sst s1;
	(tag) =	ssettag s2;
	_ =	strace s9  }
0x27: {  	s1 =	sld [smem:$0x3FAB]  }
0x28: {  	s2 =	sld [smem:$0x3FAC]  }
0x29: {  	s4 =	sld [smem:$0x3FAE]  }
0x2a: {  	p0 =	seq.s32 s5, $0x0;
	s5 =	sld [smem:$0x3FAF]  }
0x2b: {  	s6 =	sld [smem:$0x3FB0]  }
0x2c: {  	s7 =	sld [smem:$0x3FB1]  }
0x2d: {  	s3 =	simm.s32 $0x108;
	s8 =	sld [smem:$0x3FB2]  }
0x2e: {  	s3 =	simm.s32 @!p0 $0x1082;
	s9 =	sld [smem:$0x3FB3]  }
0x2f: {  	lr =	sadd.s32 s0, s3;
	s0 =	sld [smem:$0x3FAA]  }
0x30: {  	s3 =	sld [smem:$0x3FAD]  }
0x31: {  	[smem:$0x3FB6] =	sst s10  }
0x32: {  	s10 =	sld [smem:$0x3FB4];
	_ =	sdelay $0x3  }
0x33: {  	p0 =	seq.s32 s10, $0x1;
	s10 =	sld [smem:$0x3FB6];
	_ =	sdelay $0x3  }
0x34: {  	[smem:$0x3FB6] =	sst s10  }
0x35: {  	s10 =	sld [smem:$0x3FB5];
	_ =	sdelay $0x3  }
0x36: {  	p1 =	seq.s32 s10, $0x1;
	s10 =	sld [smem:$0x3FB6];
	_ =	sdelay $0x3  }
0x37: {  	[smem:$0x3FB6] =	sst s10  }
0x38: {  	s10 =	sld [smem:$0x3FB7]  }
0x39: {  	_ = 	snop;
	(pc) =	sbr.ind lr, $3  }
0x3a: {  	_ = 	snop  }
0x3b: {  	_ = 	snop  }
0x3c: {  	p2 =	seq.s32 s10, $0x1;
	s10 =	sld [smem:$0x3FB6]  }
0x3d: {  	_ =	shalt  }
0x3e: {  	_ =	shalt  }
0x3f: {  	_ =	shalt  }
0x40: {  	_ =	shalt  }
0x41: {  	_ =	shalt  }
0x42: {  	_ =	shalt  }
0x43: {  	_ =	shalt  }
0x44: {  	_ =	shalt  }
0x45: {  	_ =	shalt  }
0x46: {  	_ =	shalt  }
0x47: {  	_ =	shalt  }
0x48: {  	_ =	shalt  }
0x49: {  	_ =	shalt  }
0x4a: {  	_ =	shalt  }
0x4b: {  	_ =	shalt  }
0x4c: {  	_ =	shalt  }
0x4d: {  	_ =	shalt  }
0x4e: {  	_ =	shalt  }
0x4f: {  	_ =	shalt  }
0x50: {  	_ =	shalt  }
0x51: {  	_ =	shalt  }
0x52: {  	_ =	shalt  }
0x53: {  	_ =	shalt  }
0x54: {  	_ =	shalt  }
0x55: {  	_ =	shalt  }
0x56: {  	_ =	shalt  }
0x57: {  	_ =	shalt  }
0x58: {  	_ =	shalt  }
0x59: {  	_ =	shalt  }
0x5a: {  	_ =	shalt  }
0x5b: {  	_ =	shalt  }
0x5c: {  	_ =	shalt  }
0x5d: {  	_ =	shalt  }
0x5e: {  	_ =	shalt  }
0x5f: {  	_ =	shalt  }
0x60: {  	_ =	shalt  }
0x61: {  	_ =	shalt  }
0x62: {  	_ =	shalt  }
0x63: {  	_ =	shalt  }
0x64: {  	_ =	shalt  }
0x65: {  	_ =	shalt  }
0x66: {  	_ =	shalt  }
0x67: {  	_ =	shalt  }
0x68: {  	_ =	shalt  }
0x69: {  	_ =	shalt  }
0x6a: {  	_ =	shalt  }
0x6b: {  	_ =	shalt  }
0x6c: {  	_ =	shalt  }
0x6d: {  	_ =	shalt  }
0x6e: {  	_ =	shalt  }
0x6f: {  	_ =	shalt  }
0x70: {  	_ =	shalt  }
0x71: {  	_ =	shalt  }
0x72: {  	_ =	shalt  }
0x73: {  	_ =	shalt  }
0x74: {  	_ =	shalt  }
0x75: {  	_ =	shalt  }
0x76: {  	_ =	shalt  }
0x77: {  	_ =	shalt  }
0x78: {  	_ =	shalt  }
0x79: {  	_ =	shalt  }
0x7a: {  	_ =	shalt  }
0x7b: {  	_ =	shalt  }
0x7c: {  	_ =	shalt  }
0x7d: {  	_ =	shalt  }
0x7e: {  	_ =	shalt  }
0x7f: {  	_ =	shalt  }
0x80: {  	_ =	shalt  }
0x81: {  	_ =	shalt  }
0x82: {  	_ =	shalt  }
0x83: {  	_ =	shalt  }
0x84: {  	_ =	shalt  }
0x85: {  	_ =	shalt  }
0x86: {  	_ =	shalt  }
0x87: {  	_ =	shalt  }
.Lfunc_end0:
.L_simem_size_0:
called_computation.1_lowered:
.L_overlay_start_0:
0x88: {  	s2 =	sld [smem:$0x3FD9]  }
0x89: {  	s3 =	sld [smem:$0x3FFE];
	_ =	sdelay $0x1  }
0x8a: {  	s1 =	srdreg.scid  }
0x8b: {  	s0 =	sand.u32 $0x1, s1  }
0x8c: {  	s17 =	sshll.u32 s0, $0xA;
	s2 =	sadd.s32 s3, s2  }
0x8d: {  	s2 =	sadd.s32 s2, s17  }
0x8e: {  	[smem:$0x3FC2] =	sst s2  }
0x8f: {  	_ = 	snop  }
0x90: {  	s2 =	sld [smem:$0x3FD0];
	(tm) =	ssettm $0x1  }
0x91: {  	s18 =	sld [smem:$0x3FFB];
	_ =	sdelay $0x3  }
0x92: {  	_ =	strace s18  }
0x93: {  	s3 =	sld [smem:$0x3FFC];
	_ =	sdelay $0x3  }
0x94: {  	_ =	strace s3  }
0x95: {  	s3 =	sld [smem:$0x3FFD];
	_ =	sdelay $0x3  }
0x96: {  	_ =	strace s3  }
0x97: {  	_ =	strace $0x8FFFFFFF  }
0x98: {  	s19 =	sld [smem:$0x3FDB];
	_ =	sdelay $0x1  }
0x99: {  	s4 =	simm.s32 $_scs_section_size  }
0x9a: {  	s5 =	simm.s32 $_size__tile_overlayer_lowered;
	s6 =	simm.s32 $_tile_overlayer_lowered  }
0x9b: {  	s22 =	simm.s32 $0x1BFF;
	s21 =	sshll.u32 s6, $0x1;
	s3 =	sadd.s32 s4, s19  }
0x9c: {  	s7 =	simm.s32 $0x0;
	s20 =	sshll.u32 s5, $0x1;
	s5 =	sadd.s32 s21, s3  }
0x9d: {  	[timem:s7], [sflag:s22] =	dma.local [hbm:s5], s20  }
0x9e: {  	_ =	swait.ge [sflag:s22], s20  }
0x9f: {  	s4 =	ssub.s32 $0x0, s20;
	[sflag:s22] =	ssyncset.done $0x0  }
0xa0: {  	[sflag:s22] =	ssyncadd.s32 s4;
	_ =	sdelay $0x1  }
0xa1: {  	s23 =	simm.s32 $0x1B8B  }
0xa2: {  	_ =	swait.ge [sflag:s23], $0x1  }
0xa3: {  	[sflag:s23] =	ssyncset.done $0x0  }
0xa4: {  	s25 =	simm.s32 $0x1B8E;
	s24 =	sld [smem:$0x3FFE];
	[sflag:s23] =	ssyncadd.s32 $0xFFFFFFFF  }
0xa5: {  	s26 =	simm.s32 $execute0_lowered;
	[smem:$0x3FD2] =	sst s25  }
0xa6: {  	s5 =	sshll.u32 s26, $0x1;
	_ =	strace $0x80000049;
	[dreg:$0x1] =	wrdreg $0xFFFFFFFF  }
0xa7: {  	s28 =	simm.s32 $_size_execute0_lowered;
	s3 =	sadd.s32 s3, s5;
	[dreg:$0x0] =	wrdreg $0x0  }
0xa8: {  	s5 =	sshll.u32 s28, $0x1;
	[dreg:$0x2] =	wrdreg s3  }
0xa9: {  	[dreg:$0x3] =	wrdreg s5  }
0xaa: {  	[dreg:$0x4] =	wrdreg $0xC0  }
0xab: {  	_ =	task [dreg:s7], $0x5FFFF  }
0xac: {  	[dreg:$0x1] =	wrdreg $0xFFFFFFFF  }
0xad: {  	[dreg:$0x0] =	wrdreg $0x60  }
0xae: {  	[dreg:$0x2] =	wrdreg s24  }
0xaf: {  	[dreg:$0x3] =	wrdreg s2  }
0xb0: {  	[dreg:$0x4] =	wrdreg $0xA8000  }
0xb1: {  	[dreg:$0x5] =	wrdreg $0x9  }
0xb2: {  	_ =	task.clear_ibuf [dreg:s7], $0x6FFFF;
	_ =	strace $0x90000049  }
0xb3: {  	s29 =	simm.s32 $0x9;
	_ =	strace $0x8000004B  }
0xb4: {  	_ =	swait.ge [sflag:s29], $0x1  }
0xb5: {  	[sflag:s29] =	ssyncadd.s32 $0xFFFFFFFF  }
0xb6: {  	_ =	strace $0x9000004B  }
0xb7: {  	_ =	sfence  }
0xb8: {  	s30 =	sld [smem:$0x0];
	_ =	sdelay $0x2  }
0xb9: {  	s31 =	sshll.u32 s1, $0xD;
	s1 =	sshrl.u32 s1, $0x2  }
0xba: {  	s3 =	sand.u32 $0x4000, s31;
	s1 =	sadd.s32 s1, s30  }
0xbb: {  	s0 =	sor.u32 s3, s0;
	s1 =	sshll.u32 s1, $0x11  }
0xbc: {  	s0 =	sor.u32 s1, s0  }
0xbd: {  	s0 =	sadd.s32 $0x8F2B, s0  }
0xbe: {  	[sflag:s0] =	ssyncadd.remote.s32 $0x1  }
0xbf: {  	_ =	sfence.sel $0xFFFF  }
0xc0: {  	[dreg:$0x0] =	wrdreg $0xFFFFFFFF;
	(pc) =	sbr.abs _section_cstart, $3  }
0xc1: {  	[dreg:$0x1] =	wrdreg $0xFFFFFFFF  }
0xc2: {  	_ =	task.clear_ibuf [dreg:s7], $0x2FFFF;
	_ =	strace $0x9FFFFFFF  }
0xc3: {  	(tm) =	ssettm $0x7FFFFFFF  }
tec
execute0_lowered:
.L_overlay_start_1:
0x0: {  	(tag) =	ssettag $0x1  }
0x1: {  	s6 =	rddreg [dreg:$0x0]  }
0x2: {  	s2 =	rddreg [dreg:$0x1]  }
0x3: {  	s3 =	rddreg [dreg:$0x2]  }
0x4: {  	s0 =	rddreg [dreg:$0x3]  }
0x5: {  	s5 =	srdreg.scid;
	s1 =	stileid.u32  }
0x6: {  	s4 =	simm.s32 $0x0;
	s18 =	simm.s32 $0x3;
	s19 =	simm.s32 $0x1400  }
0x7: {  	s20 =	simm.s32 $0x80;
	s21 =	simm.s32 $0x1;
	s22 =	simm.s32 $0x6800  }
0x8: {  	s23 =	simm.s32 $0x2;
	s24 =	simm.s32 $0x1380;
	s25 =	simm.s32 $0x2700  }
0x9: {  	s26 =	simm.s32 $0x2780;
	s28 =	simm.s32 $0x0;
	s8 =	smul.u32 $0x14000, s1  }
0xa: {  	s7 =	sand.u32 $0x1, s5;
	[smem:$0x7FF] =	sst s4;
	s10 =	smul.u32 $0x50000, s1  }
0xb: {  	s13 =	sadd.s32 $0xBE00, s6;
	s14 =	sadd.s32 $0x1E00, s6;
	s5 =	smul.u32 $0x140000, s7  }
0xc: {  	_ =	strace $0x8000004A;
	s30 =	ssub.s32 $0x2, s7;
	s7 =	sshll.u32 s7, $0x4  }
0xd: {  	s31 =	sshrl.u32 s30, $0x1;
	s7 =	sor.u32 s1, s7;
	s10 =	sshrl.u32 s10, $0x2  }
0xe: {  	s9 =	sadd.s32 s8, s5;
	s5 =	sadd.s32 $0x16000, s6;
	s16 =	ssub.s32 s30, s31  }
0xf: {  	s10 =	sadd.s32 s10, s3;
	s11 =	smul.u32 $0x2800, s7;
	s9 =	sshrl.u32 s9, $0x3  }
0x10: {  	s7 =	sadd.s32 $0x4000, s10;
	s16 =	smax.u32 s16, $0x1;
	s15 =	sadd.s32 s9, s6  }
0x11: {  	s6 =	sadd.s32 s8, s3;
	s8 =	sadd.s32 $0x8000, s10;
	s17 =	sshrl.u32 s11, $0x3  }
0x12: {  	s9 =	sadd.s32 $0xC000, s10;
	s10 =	sadd.s32 $0x10000, s10;
	s11 =	sadd.s32 s13, s17  }
0x13: {  	s12 =	sadd.s32 s14, s17;
	s17 =	sadd.s32 $0x280, s17;
	s15 =	sadd.s32 $0x3E000, s15  }
0x14: {  	s13 =	sadd.s32 s13, s17;
	s14 =	sadd.s32 s14, s17;
	s17 =	simm.s32 $0x2800  }
.LBB2_1:
0x15: {  	[tilespmem:s17], [sflag:$0x3] =	stream.linear.gather [hbm4b:s2+s4], $0x4000, $0x38;
	[tilespmem:$0x1E800] =	vst v63  }
0x16: {  	_ =	swait.ge [sflag:s18], $0x4000  }
0x17: {  	[sflag:s18] =	ssyncset.done $0x0  }
0x18: {  	[sflag:s18] =	ssyncadd.s32 $0xFFFFC000  }
0x19: {  	[spmem:s6] =	stream.linear.scatter [tilespmem:s17], [sflag:$0x3], $0x4000, $0x38;
	[tilespmem:$0x1E800] =	vst v63  }
0x1a: {  	_ =	swait.ge [sflag:s18], $0x4000  }
0x1b: {  	[sflag:s18] =	ssyncset.done $0x0  }
0x1c: {  	[sflag:s18] =	ssyncadd.s32 $0xFFFFC000  }
0x1d: {  	[spmem:s7] =	stream.linear.scatter [tilespmem:s17], [sflag:$0x3], $0x4000, $0x38;
	[tilespmem:$0x1E800] =	vst v63  }
0x1e: {  	_ =	swait.ge [sflag:s18], $0x4000  }
0x1f: {  	[sflag:s18] =	ssyncset.done $0x0  }
0x20: {  	[sflag:s18] =	ssyncadd.s32 $0xFFFFC000  }
0x21: {  	[spmem:s8] =	stream.linear.scatter [tilespmem:s17], [sflag:$0x3], $0x4000, $0x38;
	[tilespmem:$0x1E800] =	vst v63  }
0x22: {  	_ =	swait.ge [sflag:s18], $0x4000  }
0x23: {  	[sflag:s18] =	ssyncset.done $0x0  }
0x24: {  	[sflag:s18] =	ssyncadd.s32 $0xFFFFC000  }
0x25: {  	[spmem:s9] =	stream.linear.scatter [tilespmem:s17], [sflag:$0x3], $0x4000, $0x38;
	[tilespmem:$0x1E800] =	vst v63  }
0x26: {  	_ =	swait.ge [sflag:s18], $0x4000  }
0x27: {  	[sflag:s18] =	ssyncset.done $0x0  }
0x28: {  	[sflag:s18] =	ssyncadd.s32 $0xFFFFC000  }
0x29: {  	[spmem:s10] =	stream.linear.scatter [tilespmem:s17], [sflag:$0x3], $0x4000, $0x38;
	[tilespmem:$0x1E800] =	vst v63  }
0x2a: {  	_ =	swait.ge [sflag:s18], $0x4000  }
0x2b: {  	[sflag:s18] =	ssyncset.done $0x0  }
0x2c: {  	[sflag:s18] =	ssyncadd.s32 $0xFFFFC000  }
0x2d: {  	[bflag:$0x0] =	sbarrier.arrive $0xFFFF  }
0x2e: {  	[tilespmem:s4], [sflag:$0x3] =	stream.linear.gather [hbm4b:s11+s4], $0x1400, $0x38;
	[tilespmem:$0x1E800] =	vst v63  }
0x2f: {  	_ =	swait.ge [sflag:s18], $0x1400  }
0x30: {  	[sflag:s18] =	ssyncset.done $0x0  }
0x31: {  	[sflag:s18] =	ssyncadd.s32 $0xFFFFEC00  }
0x32: {  	[tilespmem:s19], [sflag:$0x3] =	stream.linear.gather [hbm4b:s12+s4], $0x1400, $0x38;
	[tilespmem:$0x1E800] =	vst v63  }
0x33: {  	_ =	swait.ge [sflag:s18], $0x1400  }
0x34: {  	[sflag:s18] =	ssyncset.done $0x0  }
0x35: {  	[sflag:s18] =	ssyncadd.s32 $0xFFFFEC00  }
0x36: {  	[tilespmem:s17], [sflag:$0x1] =	stream.indirect.gather [hbm4b:s5+s20], $0x80, s4, s20, $0xb8;
	[tilespmem:$0x1E800] =	vst v63  }
0x37: {  	_ =	swait.ge [sflag:s21], $0x4000  }
0x38: {  	[sflag:s21] =	ssyncset.done $0x0  }
0x39: {  	s29 =	simm.s32 $0x80;
	[sflag:s21] =	ssyncadd.s32 $0xFFFFC000  }
0x3a: {  	[tilespmem:s22], [sflag:$0x2] =	stream.indirect.gather [hbm4b:s5+s20], $0x80, s29, s20, $0xb8;
	[tilespmem:$0x1E800] =	vst v63  }
0x3b: {  	s29 =	simm.s32 $0x1400  }
0x3c: {  	[spmem:s3] =	stream.indirect.scatter.add.f32 [tilespmem:s17], [sflag:$0x3], $0x80, s29, s20, $0xb8;
	[tilespmem:$0x1E800] =	vst v63  }
0x3d: {  	_ =	swait.ge [sflag:s18], $0x4000  }
0x3e: {  	[sflag:s18] =	ssyncset.done $0x0  }
0x3f: {  	[sflag:s18] =	ssyncadd.s32 $0xFFFFC000  }
0x40: {  	_ =	swait.ge [sflag:s23], $0x4000  }
0x41: {  	[sflag:s23] =	ssyncset.done $0x0  }
0x42: {  	s29 =	simm.s32 $0x100;
	[sflag:s23] =	ssyncadd.s32 $0xFFFFC000  }
0x43: {  	[tilespmem:s17], [sflag:$0x1] =	stream.indirect.gather [hbm4b:s5+s20], $0x80, s29, s20, $0xb8;
	[tilespmem:$0x1E800] =	vst v63  }
0x44: {  	s29 =	simm.s32 $0x1480  }
0x45: {  	[spmem:s3] =	stream.indirect.scatter.add.f32 [tilespmem:s22], [sflag:$0x3], $0x80, s29, s20, $0xb8;
	[tilespmem:$0x1E800] =	vst v63  }
0x46: {  	_ =	swait.ge [sflag:s18], $0x4000  }
0x47: {  	s29 =	simm.s32 $0x400;
	[sflag:s18] =	ssyncset.done $0x0  }
.LBB2_2:
0x48: {  	p0 =	sne.s32 s29, $0x4800  }
0x49: {  	[sflag:s18] =	ssyncadd.s32 $0xFFFFC000;
	s30 =	smov.u32 s29;
	s29 =	sadd.s32 $0x400, s29  }
0x4a: {  	_ = 	snop  }
0x4b: {  	_ =	swait.ge [sflag:s21], $0x4000  }
0x4c: {  	s30 =	sshra.s32 s30, $0x2;
	[sflag:s21] =	ssyncset.done $0x0  }
0x4d: {  	s31 =	sadd.s32 $0x80, s30;
	[sflag:s21] =	ssyncadd.s32 $0xFFFFC000  }
0x4e: {  	[tilespmem:s22], [sflag:$0x2] =	stream.indirect.gather [hbm4b:s5+s20], $0x80, s31, s20, $0xb8;
	[tilespmem:$0x1E800] =	vst v63  }
0x4f: {  	s31 =	sadd.s32 $0x1400, s30  }
0x50: {  	[spmem:s3] =	stream.indirect.scatter.add.f32 [tilespmem:s17], [sflag:$0x3], $0x80, s31, s20, $0xb8;
	[tilespmem:$0x1E800] =	vst v63  }
0x51: {  	_ =	swait.ge [sflag:s18], $0x4000  }
0x52: {  	[sflag:s18] =	ssyncset.done $0x0  }
0x53: {  	[sflag:s18] =	ssyncadd.s32 $0xFFFFC000  }
0x54: {  	_ =	swait.ge [sflag:s23], $0x4000  }
0x55: {  	[sflag:s23] =	ssyncset.done $0x0  }
0x56: {  	s31 =	sadd.s32 $0x100, s30;
	[sflag:s23] =	ssyncadd.s32 $0xFFFFC000  }
0x57: {  	[tilespmem:s17], [sflag:$0x1] =	stream.indirect.gather [hbm4b:s5+s20], $0x80, s31, s20, $0xb8;
	[tilespmem:$0x1E800] =	vst v63  }
.Ltmp0:
0x58: {  	_ = 	snop;
	(pc) =	sbr.rel @p0 .LBB2_2-.Ltmp0, $4  }
0x59: {  	s30 =	sadd.s32 $0x1480, s30  }
0x5a: {  	[spmem:s3] =	stream.indirect.scatter.add.f32 [tilespmem:s22], [sflag:$0x3], $0x80, s30, s20, $0xb8;
	[tilespmem:$0x1E800] =	vst v63  }
0x5b: {  	_ =	swait.ge [sflag:s18], $0x4000  }
0x5c: {  	[sflag:s18] =	ssyncset.done $0x0  }
0x5d: {  	[sflag:s18] =	ssyncadd.s32 $0xFFFFC000  }
0x5e: {  	_ =	swait.ge [sflag:s21], $0x4000  }
0x5f: {  	[sflag:s21] =	ssyncset.done $0x0  }
0x60: {  	[sflag:s21] =	ssyncadd.s32 $0xFFFFC000  }
0x61: {  	[tilespmem:s22], [sflag:$0x2] =	stream.indirect.gather [hbm4b:s5+s20], $0x80, s24, s20, $0xb8;
	[tilespmem:$0x1E800] =	vst v63  }
0x62: {  	_ = 	snop  }
0x63: {  	[spmem:s3] =	stream.indirect.scatter.add.f32 [tilespmem:s17], [sflag:$0x3], $0x80, s25, s20, $0xb8;
	[tilespmem:$0x1E800] =	vst v63  }
0x64: {  	_ =	swait.ge [sflag:s18], $0x4000  }
0x65: {  	[sflag:s18] =	ssyncset.done $0x0  }
0x66: {  	[sflag:s18] =	ssyncadd.s32 $0xFFFFC000  }
0x67: {  	_ =	swait.ge [sflag:s23], $0x4000  }
0x68: {  	[sflag:s23] =	ssyncset.done $0x0  }
0x69: {  	[sflag:s23] =	ssyncadd.s32 $0xFFFFC000  }
0x6a: {  	[spmem:s3] =	stream.indirect.scatter.add.f32 [tilespmem:s22], [sflag:$0x3], $0x80, s26, s20, $0xb8;
	[tilespmem:$0x1E800] =	vst v63  }
0x6b: {  	_ =	swait.ge [sflag:s18], $0x4000  }
0x6c: {  	[sflag:s18] =	ssyncset.done $0x0  }
0x6d: {  	s29 =	simm.s32 $0x0;
	[sflag:s18] =	ssyncadd.s32 $0xFFFFC000  }
0x6e: {  	[tilespmem:s29], [sflag:$0x3] =	stream.linear.gather [hbm4b:s13+s29], $0x1400, $0x38;
	[tilespmem:$0x1E800] =	vst v63  }
0x6f: {  	_ =	swait.ge [sflag:s18], $0x1400  }
0x70: {  	[sflag:s18] =	ssyncset.done $0x0  }
0x71: {  	[sflag:s18] =	ssyncadd.s32 $0xFFFFEC00  }
0x72: {  	[tilespmem:s19], [sflag:$0x3] =	stream.linear.gather [hbm4b:s14+s29], $0x1400, $0x38;
	[tilespmem:$0x1E800] =	vst v63  }
0x73: {  	_ =	swait.ge [sflag:s18], $0x1400  }
0x74: {  	[sflag:s18] =	ssyncset.done $0x0  }
0x75: {  	[sflag:s18] =	ssyncadd.s32 $0xFFFFEC00  }
0x76: {  	[tilespmem:s17], [sflag:$0x1] =	stream.indirect.gather [hbm4b:s5+s20], $0x80, s29, s20, $0xb8;
	[tilespmem:$0x1E800] =	vst v63  }
0x77: {  	_ =	swait.ge [sflag:s21], $0x4000  }
0x78: {  	[sflag:s21] =	ssyncset.done $0x0  }
0x79: {  	s29 =	simm.s32 $0x80;
	[sflag:s21] =	ssyncadd.s32 $0xFFFFC000  }
0x7a: {  	[tilespmem:s22], [sflag:$0x2] =	stream.indirect.gather [hbm4b:s5+s20], $0x80, s29, s20, $0xb8;
	[tilespmem:$0x1E800] =	vst v63  }
0x7b: {  	s29 =	simm.s32 $0x1400  }
0x7c: {  	[spmem:s3] =	stream.indirect.scatter.add.f32 [tilespmem:s17], [sflag:$0x3], $0x80, s29, s20, $0xb8;
	[tilespmem:$0x1E800] =	vst v63  }
0x7d: {  	_ =	swait.ge [sflag:s18], $0x4000  }
0x7e: {  	[sflag:s18] =	ssyncset.done $0x0  }
0x7f: {  	[sflag:s18] =	ssyncadd.s32 $0xFFFFC000  }
0x80: {  	_ =	swait.ge [sflag:s23], $0x4000  }
0x81: {  	[sflag:s23] =	ssyncset.done $0x0  }
0x82: {  	s29 =	simm.s32 $0x100;
	[sflag:s23] =	ssyncadd.s32 $0xFFFFC000  }
0x83: {  	[tilespmem:s17], [sflag:$0x1] =	stream.indirect.gather [hbm4b:s5+s20], $0x80, s29, s20, $0xb8;
	[tilespmem:$0x1E800] =	vst v63  }
0x84: {  	s29 =	simm.s32 $0x1480  }
0x85: {  	[spmem:s3] =	stream.indirect.scatter.add.f32 [tilespmem:s22], [sflag:$0x3], $0x80, s29, s20, $0xb8;
	[tilespmem:$0x1E800] =	vst v63  }
0x86: {  	_ =	swait.ge [sflag:s18], $0x4000  }
0x87: {  	s29 =	simm.s32 $0x400;
	[sflag:s18] =	ssyncset.done $0x0  }
.LBB2_4:
0x88: {  	p0 =	sne.s32 s29, $0x4800  }
0x89: {  	[sflag:s18] =	ssyncadd.s32 $0xFFFFC000;
	s30 =	smov.u32 s29;
	s29 =	sadd.s32 $0x400, s29  }
0x8a: {  	_ = 	snop  }
0x8b: {  	_ =	swait.ge [sflag:s21], $0x4000  }
0x8c: {  	s30 =	sshra.s32 s30, $0x2;
	[sflag:s21] =	ssyncset.done $0x0  }
0x8d: {  	s31 =	sadd.s32 $0x80, s30;
	[sflag:s21] =	ssyncadd.s32 $0xFFFFC000  }
0x8e: {  	[tilespmem:s22], [sflag:$0x2] =	stream.indirect.gather [hbm4b:s5+s20], $0x80, s31, s20, $0xb8;
	[tilespmem:$0x1E800] =	vst v63  }
0x8f: {  	s31 =	sadd.s32 $0x1400, s30  }
0x90: {  	[spmem:s3] =	stream.indirect.scatter.add.f32 [tilespmem:s17], [sflag:$0x3], $0x80, s31, s20, $0xb8;
	[tilespmem:$0x1E800] =	vst v63  }
0x91: {  	_ =	swait.ge [sflag:s18], $0x4000  }
0x92: {  	[sflag:s18] =	ssyncset.done $0x0  }
0x93: {  	[sflag:s18] =	ssyncadd.s32 $0xFFFFC000  }
0x94: {  	_ =	swait.ge [sflag:s23], $0x4000  }
0x95: {  	[sflag:s23] =	ssyncset.done $0x0  }
0x96: {  	s31 =	sadd.s32 $0x100, s30;
	[sflag:s23] =	ssyncadd.s32 $0xFFFFC000  }
0x97: {  	[tilespmem:s17], [sflag:$0x1] =	stream.indirect.gather [hbm4b:s5+s20], $0x80, s31, s20, $0xb8;
	[tilespmem:$0x1E800] =	vst v63  }
.Ltmp1:
0x98: {  	_ = 	snop;
	(pc) =	sbr.rel @p0 .LBB2_4-.Ltmp1, $4  }
0x99: {  	s30 =	sadd.s32 $0x1480, s30  }
0x9a: {  	[spmem:s3] =	stream.indirect.scatter.add.f32 [tilespmem:s22], [sflag:$0x3], $0x80, s30, s20, $0xb8;
	[tilespmem:$0x1E800] =	vst v63  }
0x9b: {  	_ =	swait.ge [sflag:s18], $0x4000  }
0x9c: {  	[sflag:s18] =	ssyncset.done $0x0  }
0x9d: {  	[sflag:s18] =	ssyncadd.s32 $0xFFFFC000  }
0x9e: {  	_ =	swait.ge [sflag:s21], $0x4000  }
0x9f: {  	[sflag:s21] =	ssyncset.done $0x0  }
0xa0: {  	[sflag:s21] =	ssyncadd.s32 $0xFFFFC000  }
0xa1: {  	[tilespmem:s22], [sflag:$0x2] =	stream.indirect.gather [hbm4b:s5+s20], $0x80, s24, s20, $0xb8;
	[tilespmem:$0x1E800] =	vst v63  }
0xa2: {  	_ = 	snop  }
0xa3: {  	[spmem:s3] =	stream.indirect.scatter.add.f32 [tilespmem:s17], [sflag:$0x3], $0x80, s25, s20, $0xb8;
	[tilespmem:$0x1E800] =	vst v63  }
0xa4: {  	_ =	swait.ge [sflag:s18], $0x4000  }
0xa5: {  	[sflag:s18] =	ssyncset.done $0x0  }
0xa6: {  	[sflag:s18] =	ssyncadd.s32 $0xFFFFC000  }
0xa7: {  	_ =	swait.ge [sflag:s23], $0x4000  }
0xa8: {  	[sflag:s23] =	ssyncset.done $0x0  }
0xa9: {  	[sflag:s23] =	ssyncadd.s32 $0xFFFFC000  }
0xaa: {  	[spmem:s3] =	stream.indirect.scatter.add.f32 [tilespmem:s22], [sflag:$0x3], $0x80, s26, s20, $0xb8;
	[tilespmem:$0x1E800] =	vst v63  }
0xab: {  	_ =	swait.ge [sflag:s18], $0x4000  }
0xac: {  	s29 =	sshll.u32 s1, $0x6;
	s28 =	sadd.s32 $0x1, s28;
	[sflag:s18] =	ssyncset.done $0x0  }
0xad: {  	s30 =	sshrl.u32 s6, $0x3;
	p0 =	sne.s32 s28, s16;
	[sflag:s18] =	ssyncadd.s32 $0xFFFFC000  }
.Ltmp2:
0xae: {  	s29 =	sor.u32 $0x1C03, s29;
	[bflag:$0x0] =	sbarrier.arrive $0xFFFF;
	(pc) =	sbr.rel @p0 .LBB2_1-.Ltmp2, $4  }
0xaf: {  	[hbm:s15], [sflag:s29] =	dma.local [spmem:s30], $0x2800  }
0xb0: {  	_ =	swait.ge [sflag:s18], $0x2800  }
0xb1: {  	[sflag:s18] =	ssyncset.done $0x0  }
0xb2: {  	[sflag:s18] =	ssyncadd.s32 $0xFFFFD800  }
0xb3: {  	_ =	sfence.sel $0x180000  }
0xb4: {  	[bflag:$0x0] =	sbarrier.arrive $0xFFFF  }
0xb5: {  	p0 =	sne.s32 s1, $0x0;
	_ =	strace $0x9000004A  }
0xb6: {  	s0 =	sadd.s32 @!p0 $0x100000, s0;
	[bflag:$0x2] =	sbarrier.arrive $0xFFFF  }
0xb7: {  	[sflag:s0] =	ssyncadd.tile.s32 @!p0 $0x1;
	_ =	shalt  }
.Lfunc_end2:
_tile_overlayer_lowered:
.L_overlay_start_2:
0xb8: {  	(tag) =	ssettag $0x2  }
0xb9: {  	s0 =	rddreg [dreg:$0x0];
	s2 =	stileid.u32  }
0xba: {  	s1 =	rddreg [dreg:$0x1];
	p0 =	sne.s32 s2, $0x0  }
0xbb: {  	s3 =	rddreg [dreg:$0x2];
	[bflag:$0x3] =	sbarrier.arrive $0xFFFF;
	s2 =	simm.s32 @!p0 $0x1C03  }
0xbc: {  	[timem:s3], [sflag:s2] =	dma.local @!p0 [hbm:s0], s1  }
0xbd: {  	s0 =	simm.s32 @!p0 $0x3  }
0xbe: {  	_ =	swait.ge @!p0 [sflag:s0], s1  }
0xbf: {  	s1 =	ssub.s32 @!p0 $0x0, s1;
	[sflag:s0] =	ssyncset.done @!p0 $0x0  }
0xc0: {  	[sflag:s0] =	ssyncadd.s32 @!p0 s1  }
0xc1: {  	[bflag:$0x3] =	sbarrier.arrive $0xFFFF  }
0xc2: {  	_ =	shalt  }

// kernel: kernel.14.cloned.1.call-start
scs
__scs_entry_jumppad:
0x0: {  	(pc) =	sbr.rel $0x88, $3  }
0x1: {  	(tag) =	ssettag $0x0;
	lr =	simm.s32 $0x1  }
0x2: {  	[smem:$0x3F9B] =	sst lr;
	_ =	strace $0xD0000000  }
0x3: {  	_ = 	snop  }
0x4: {  	_ = 	snop  }
0x5: {  	_ = 	snop  }
0x6: {  	_ = 	snop  }
0x7: {  	_ = 	snop  }
__scs_overlays_trampoline_lowered:
0x8: {  	[smem:$0x3FAA] =	sst s0  }
0x9: {  	[smem:$0x3FAB] =	sst s1  }
0xa: {  	[smem:$0x3FAC] =	sst s2  }
0xb: {  	[smem:$0x3FAD] =	sst s3  }
0xc: {  	[smem:$0x3FAE] =	sst s4  }
0xd: {  	[smem:$0x3FAF] =	sst s5  }
0xe: {  	[smem:$0x3FB0] =	sst s6  }
0xf: {  	[smem:$0x3FB1] =	sst s7  }
0x10: {  	[smem:$0x3FB2] =	sst s8  }
0x11: {  	[smem:$0x3FB3] =	sst s9;
	s0 =	simm.s32 @!p0 $0x0  }
0x12: {  	s1 =	sld [smem:$0x3F99];
	s0 =	simm.s32 @p0 $0x1  }
0x13: {  	[smem:$0x3FB4] =	sst s0;
	s0 =	simm.s32 @!p1 $0x0  }
0x14: {  	s2 =	sld [smem:$0x3F98];
	s0 =	simm.s32 @p1 $0x1  }
0x15: {  	[smem:$0x3FB5] =	sst s0;
	s0 =	simm.s32 @!p2 $0x0  }
0x16: {  	s3 =	sld [smem:$0x3FDB];
	s0 =	simm.s32 @p2 $0x1  }
0x17: {  	s4 =	simm.s32 $0x1BF5;
	[smem:$0x3FB7] =	sst s0  }
0x18: {  	s0 =	sld [smem:$0x3F9A];
	_ =	swait.ge [sflag:s4], $0x0  }
0x19: {  	s7 =	sld [smem:$0x3F9B]  }
0x1a: {  	s8 =	sadd.s32 $0xFFFFE003, lr  }
0x1b: {  	s9 =	sadd.s32 $0xFFFFFEF7, lr;
	s5 =	simm.s32 $0xFFFFFFFF;
	p2 =	slt.u32 s8, $0xFFFFF086  }
0x1c: {  	p1 =	slt.u32 s9, $0xF7A;
	s5 =	simm.s32 @!p2 $0x0  }
0x1d: {  	s5 =	simm.s32 @p1 $0x1;
	p0 =	seq.s32 s7, s2  }
0x1e: {  	s7 =	smul.u32 @!p0 $0xF7A, s2;
	p2 =	seq.s32 @!p0 s5, $0x0  }
0x1f: {  	s9 =	smul.u32 $0xF7A, s1;
	s8 =	simm.s32 @!p0 $0x1BF5;
	p2 =	por !p2, p0  }
0x20: {  	[sflag:s8] =	ssyncset.s32 @!p0 $0xFFFFF086;
	s6 =	sadd.s32 @!p0 s3, s7;
	s7 =	simm.s32 @!p0 $0x108  }
0x21: {  	s3 =	sadd.s32 s3, s9;
	s6 =	sadd.s32 @!p0 $0x88, s6;
	s7 =	simm.s32 @p2 $0x1082  }
0x22: {  	[simem:s7], [sflag:s8] =	dma.local @!p0 [hbm:s6], $0xF7A  }
0x23: {  	s9 =	sor.u32 $0xD0000000, s2;
	s6 =	simm.s32 $0x108;
	_ =	swait.ge @!p0 [sflag:s8], $0x0  }
0x24: {  	s3 =	sadd.s32 $0x88, s3;
	s6 =	simm.s32 @!p1 $0x1082;
	[sflag:s4] =	ssyncset.s32 $0xFFFFF086  }
0x25: {  	[simem:s6], [sflag:s4] =	dma.local [hbm:s3], $0xF7A  }
0x26: {  	[smem:$0x3F9B] =	sst s1;
	(tag) =	ssettag s2;
	_ =	strace s9  }
0x27: {  	s1 =	sld [smem:$0x3FAB]  }
0x28: {  	s2 =	sld [smem:$0x3FAC]  }
0x29: {  	s4 =	sld [smem:$0x3FAE]  }
0x2a: {  	p0 =	seq.s32 s5, $0x0;
	s5 =	sld [smem:$0x3FAF]  }
0x2b: {  	s6 =	sld [smem:$0x3FB0]  }
0x2c: {  	s7 =	sld [smem:$0x3FB1]  }
0x2d: {  	s3 =	simm.s32 $0x108;
	s8 =	sld [smem:$0x3FB2]  }
0x2e: {  	s3 =	simm.s32 @!p0 $0x1082;
	s9 =	sld [smem:$0x3FB3]  }
0x2f: {  	lr =	sadd.s32 s0, s3;
	s0 =	sld [smem:$0x3FAA]  }
0x30: {  	s3 =	sld [smem:$0x3FAD]  }
0x31: {  	[smem:$0x3FB6] =	sst s10  }
0x32: {  	s10 =	sld [smem:$0x3FB4];
	_ =	sdelay $0x3  }
0x33: {  	p0 =	seq.s32 s10, $0x1;
	s10 =	sld [smem:$0x3FB6];
	_ =	sdelay $0x3  }
0x34: {  	[smem:$0x3FB6] =	sst s10  }
0x35: {  	s10 =	sld [smem:$0x3FB5];
	_ =	sdelay $0x3  }
0x36: {  	p1 =	seq.s32 s10, $0x1;
	s10 =	sld [smem:$0x3FB6];
	_ =	sdelay $0x3  }
0x37: {  	[smem:$0x3FB6] =	sst s10  }
0x38: {  	s10 =	sld [smem:$0x3FB7]  }
0x39: {  	_ = 	snop;
	(pc) =	sbr.ind lr, $3  }
0x3a: {  	_ = 	snop  }
0x3b: {  	_ = 	snop  }
0x3c: {  	p2 =	seq.s32 s10, $0x1;
	s10 =	sld [smem:$0x3FB6]  }
0x3d: {  	_ =	shalt  }
0x3e: {  	_ =	shalt  }
0x3f: {  	_ =	shalt  }
0x40: {  	_ =	shalt  }
0x41: {  	_ =	shalt  }
0x42: {  	_ =	shalt  }
0x43: {  	_ =	shalt  }
0x44: {  	_ =	shalt  }
0x45: {  	_ =	shalt  }
0x46: {  	_ =	shalt  }
0x47: {  	_ =	shalt  }
0x48: {  	_ =	shalt  }
0x49: {  	_ =	shalt  }
0x4a: {  	_ =	shalt  }
0x4b: {  	_ =	shalt  }
0x4c: {  	_ =	shalt  }
0x4d: {  	_ =	shalt  }
0x4e: {  	_ =	shalt  }
0x4f: {  	_ =	shalt  }
0x50: {  	_ =	shalt  }
0x51: {  	_ =	shalt  }
0x52: {  	_ =	shalt  }
0x53: {  	_ =	shalt  }
0x54: {  	_ =	shalt  }
0x55: {  	_ =	shalt  }
0x56: {  	_ =	shalt  }
0x57: {  	_ =	shalt  }
0x58: {  	_ =	shalt  }
0x59: {  	_ =	shalt  }
0x5a: {  	_ =	shalt  }
0x5b: {  	_ =	shalt  }
0x5c: {  	_ =	shalt  }
0x5d: {  	_ =	shalt  }
0x5e: {  	_ =	shalt  }
0x5f: {  	_ =	shalt  }
0x60: {  	_ =	shalt  }
0x61: {  	_ =	shalt  }
0x62: {  	_ =	shalt  }
0x63: {  	_ =	shalt  }
0x64: {  	_ =	shalt  }
0x65: {  	_ =	shalt  }
0x66: {  	_ =	shalt  }
0x67: {  	_ =	shalt  }
0x68: {  	_ =	shalt  }
0x69: {  	_ =	shalt  }
0x6a: {  	_ =	shalt  }
0x6b: {  	_ =	shalt  }
0x6c: {  	_ =	shalt  }
0x6d: {  	_ =	shalt  }
0x6e: {  	_ =	shalt  }
0x6f: {  	_ =	shalt  }
0x70: {  	_ =	shalt  }
0x71: {  	_ =	shalt  }
0x72: {  	_ =	shalt  }
0x73: {  	_ =	shalt  }
0x74: {  	_ =	shalt  }
0x75: {  	_ =	shalt  }
0x76: {  	_ =	shalt  }
0x77: {  	_ =	shalt  }
0x78: {  	_ =	shalt  }
0x79: {  	_ =	shalt  }
0x7a: {  	_ =	shalt  }
0x7b: {  	_ =	shalt  }
0x7c: {  	_ =	shalt  }
0x7d: {  	_ =	shalt  }
0x7e: {  	_ =	shalt  }
0x7f: {  	_ =	shalt  }
0x80: {  	_ =	shalt  }
0x81: {  	_ =	shalt  }
0x82: {  	_ =	shalt  }
0x83: {  	_ =	shalt  }
0x84: {  	_ =	shalt  }
0x85: {  	_ =	shalt  }
0x86: {  	_ =	shalt  }
0x87: {  	_ =	shalt  }
.Lfunc_end0:
.L_simem_size_0:
called_computation.2_lowered:
.L_overlay_start_0:
0x88: {  	s2 =	sld [smem:$0x3FD9]  }
0x89: {  	s3 =	sld [smem:$0x3FFE];
	_ =	sdelay $0x1  }
0x8a: {  	s1 =	srdreg.scid  }
0x8b: {  	s0 =	sand.u32 $0x1, s1  }
0x8c: {  	s16 =	sshll.u32 s0, $0xA;
	s2 =	sadd.s32 s3, s2  }
0x8d: {  	s2 =	sadd.s32 s2, s16  }
0x8e: {  	[smem:$0x3FC2] =	sst s2  }
0x8f: {  	_ = 	snop  }
0x90: {  	(tm) =	ssettm $0x1  }
0x91: {  	s17 =	sld [smem:$0x3FFB];
	_ =	sdelay $0x3  }
0x92: {  	_ =	strace s17  }
0x93: {  	s2 =	sld [smem:$0x3FFC];
	_ =	sdelay $0x3  }
0x94: {  	_ =	strace s2  }
0x95: {  	s2 =	sld [smem:$0x3FFD];
	_ =	sdelay $0x3  }
0x96: {  	_ =	strace s2  }
0x97: {  	_ =	strace $0x8FFFFFFF  }
0x98: {  	s18 =	sld [smem:$0x3FDB];
	_ =	sdelay $0x1  }
0x99: {  	s19 =	simm.s32 $_scs_section_size  }
0x9a: {  	s4 =	simm.s32 $_size__tile_overlayer_lowered;
	s5 =	simm.s32 $_tile_overlayer_lowered  }
0x9b: {  	s22 =	simm.s32 $0x1BFF;
	s21 =	sshll.u32 s5, $0x1;
	s2 =	sadd.s32 s19, s18  }
0x9c: {  	s6 =	simm.s32 $0x0;
	s20 =	sshll.u32 s4, $0x1;
	s4 =	sadd.s32 s21, s2  }
0x9d: {  	[timem:s6], [sflag:s22] =	dma.local [hbm:s4], s20  }
0x9e: {  	_ =	swait.ge [sflag:s22], s20  }
0x9f: {  	s3 =	ssub.s32 $0x0, s20;
	[sflag:s22] =	ssyncset.done $0x0  }
0xa0: {  	[sflag:s22] =	ssyncadd.s32 s3;
	_ =	sdelay $0x1  }
0xa1: {  	s23 =	simm.s32 $0x1B8B  }
0xa2: {  	_ =	swait.ge [sflag:s23], $0x1  }
0xa3: {  	[sflag:s23] =	ssyncset.done $0x0  }
0xa4: {  	s25 =	simm.s32 $0x1B8E;
	s24 =	sld [smem:$0x3FFE];
	[sflag:s23] =	ssyncadd.s32 $0xFFFFFFFF  }
0xa5: {  	s26 =	simm.s32 $execute0_lowered;
	[smem:$0x3FD2] =	sst s25  }
0xa6: {  	s4 =	sshll.u32 s26, $0x1;
	_ =	strace $0x8000004C;
	[dreg:$0x1] =	wrdreg $0xFFFFFFFF  }
0xa7: {  	s28 =	simm.s32 $_size_execute0_lowered;
	s2 =	sadd.s32 s2, s4;
	[dreg:$0x0] =	wrdreg $0x0  }
0xa8: {  	s4 =	sshll.u32 s28, $0x1;
	[dreg:$0x2] =	wrdreg s2  }
0xa9: {  	[dreg:$0x3] =	wrdreg s4  }
0xaa: {  	[dreg:$0x4] =	wrdreg $0xC0  }
0xab: {  	_ =	task [dreg:s6], $0x5FFFF  }
0xac: {  	[dreg:$0x1] =	wrdreg $0xFFFFFFFF  }
0xad: {  	[dreg:$0x0] =	wrdreg $0x60  }
0xae: {  	[dreg:$0x2] =	wrdreg s24  }
0xaf: {  	[dreg:$0x3] =	wrdreg $0x90000  }
0xb0: {  	[dreg:$0x4] =	wrdreg $0x9  }
0xb1: {  	_ =	task.clear_ibuf [dreg:s6], $0x5FFFF;
	_ =	strace $0x9000004C  }
0xb2: {  	s29 =	simm.s32 $0x9;
	_ =	strace $0x8000004E  }
0xb3: {  	_ =	swait.ge [sflag:s29], $0x1  }
0xb4: {  	[sflag:s29] =	ssyncadd.s32 $0xFFFFFFFF  }
0xb5: {  	_ =	strace $0x9000004E  }
0xb6: {  	_ =	sfence  }
0xb7: {  	s30 =	sld [smem:$0x0];
	_ =	sdelay $0x2  }
0xb8: {  	s31 =	sshll.u32 s1, $0xD;
	s1 =	sshrl.u32 s1, $0x2  }
0xb9: {  	s3 =	sand.u32 $0x4000, s31;
	s1 =	sadd.s32 s1, s30  }
0xba: {  	s0 =	sor.u32 s3, s0;
	s1 =	sshll.u32 s1, $0x11  }
0xbb: {  	s0 =	sor.u32 s1, s0  }
0xbc: {  	s0 =	sadd.s32 $0x8F2B, s0  }
0xbd: {  	[sflag:s0] =	ssyncadd.remote.s32 $0x1  }
0xbe: {  	_ =	sfence.sel $0xFFFF  }
0xbf: {  	[dreg:$0x0] =	wrdreg $0xFFFFFFFF;
	(pc) =	sbr.abs _section_cstart, $3  }
0xc0: {  	[dreg:$0x1] =	wrdreg $0xFFFFFFFF  }
0xc1: {  	_ =	task.clear_ibuf [dreg:s6], $0x2FFFF;
	_ =	strace $0x9FFFFFFF  }
0xc2: {  	(tm) =	ssettm $0x7FFFFFFF  }
0xc3: {  	_ =	shalt  }
tec
execute0_lowered:
.L_overlay_start_1:
0x0: {  	(tag) =	ssettag $0x1  }
0x1: {  	s0 =	srdreg.scid;
	s3 =	rddreg [dreg:$0x0]  }
0x2: {  	s7 =	stileid.u32;
	s2 =	rddreg [dreg:$0x1];
	s4 =	simm.s32 $0x0  }
0x3: {  	s15 =	simm.s32 $0x5000;
	s16 =	simm.s32 $0x11;
	s18 =	simm.s32 $0x80  }
0x4: {  	s19 =	simm.s32 $0x5800;
	s28 =	simm.s32 $0x2;
	s29 =	simm.s32 $0x3  }
0x5: {  	s30 =	simm.s32 $0x4;
	s31 =	simm.s32 $0x5;
	s17 =	simm.s32 $0x7  }
0x6: {  	s9 =	simm.s32 $0xC;
	s10 =	simm.s32 $0xD;
	s11 =	simm.s32 $0xE  }
0x7: {  	s12 =	simm.s32 $0xF;
	s13 =	simm.s32 $0x10;
	s0 =	sand.u32 $0x1, s0  }
0x8: {  	s5 =	smul.u32 $0x2800, s7;
	[smem:$0x7FF] =	sst s4;
	s4 =	sadd.s32 $0x16000, s3  }
0x9: {  	s8 =	sadd.s32 $0x15E00, s3;
	s1 =	sshll.u32 s0, $0x4;
	s6 =	smul.u32 $0x28000, s0  }
0xa: {  	_ =	strace $0x8000004D;
	[dreg:$0x3] =	wrdreg s8;
	s0 =	ssub.s32 $0x2, s0  }
0xb: {  	s8 =	simm.s32 $0xB;
	s1 =	sor.u32 s7, s1;
	s7 =	smul.u32 $0xA000, s7  }
0xc: {  	s20 =	sshrl.u32 s0, $0x1;
	s14 =	sadd.s32 s5, s2;
	s1 =	smul.u32 $0x500, s1  }
0xd: {  	s6 =	sadd.s32 s5, s6;
	s0 =	ssub.s32 s0, s20;
	s7 =	sshrl.u32 s7, $0x2  }
0xe: {  	[dreg:$0x4] =	wrdreg s14;
	s0 =	smax.u32 s0, $0x1;
	s21 =	sadd.s32 s7, s2  }
0xf: {  	s20 =	simm.s32 $0x6000;
	[dreg:$0xc] =	wrdreg s0;
	s22 =	sadd.s32 $0x800, s21  }
0x10: {  	s6 =	sshrl.u32 s6, $0x3;
	s23 =	sadd.s32 $0x1000, s21;
	[dreg:$0x5] =	wrdreg s22  }
0x11: {  	s1 =	sadd.s32 s1, s3;
	s24 =	sadd.s32 $0x1800, s21;
	[dreg:$0x6] =	wrdreg s23  }
0x12: {  	s3 =	sadd.s32 s6, s3;
	s5 =	sadd.s32 $0x2000, s21;
	[dreg:$0x7] =	wrdreg s24  }
0x13: {  	s0 =	simm.s32 $0x8;
	s25 =	sadd.s32 $0xBE00, s1;
	[dreg:$0x8] =	wrdreg s5  }
0x14: {  	s7 =	simm.s32 $0xA;
	s1 =	sadd.s32 $0x1E00, s1;
	[dreg:$0x9] =	wrdreg s25  }
0x15: {  	s6 =	simm.s32 $0x0;
	s26 =	sadd.s32 $0x1B000, s3;
	[dreg:$0xa] =	wrdreg s1  }
0x16: {  	s21 =	simm.s32 $0x6800;
	[dreg:$0xb] =	wrdreg s26;
	s22 =	simm.s32 $0x7000  }
0x17: {  	s23 =	simm.s32 $0x7800;
	s24 =	simm.s32 $0x8000;
	s25 =	simm.s32 $0x8800  }
0x18: {  	s26 =	simm.s32 $0x1;
	s1 =	simm.s32 $0x6;
	s5 =	simm.s32 $0x9  }
.LBB2_1:
0x19: {  	[dreg:$0xd] =	wrdreg s6  }
0x1a: {  	s3 =	simm.s32 $0x0;
	s6 =	rddreg [dreg:$0x3]  }
0x1b: {  	[tilespmem:s15], [sflag:$0x11] =	stream.linear.gather [hbm4b:s6+s3], $0x800, $0x38;
	[tilespmem:$0xB800] =	vst v63  }
0x1c: {  	_ =	swait.ge [sflag:s16], $0x800  }
0x1d: {  	[sflag:s16] =	ssyncset.done $0x0  }
0x1e: {  	[sflag:s16] =	ssyncadd.s32 $0xFFFFF800  }
0x1f: {  	[spmem:s14] =	stream.linear.scatter [tilespmem:s15], [sflag:$0x11], $0x800, $0x38;
	[tilespmem:$0xB800] =	vst v63  }
0x20: {  	_ =	swait.ge [sflag:s16], $0x800  }
0x21: {  	[sflag:s16] =	ssyncset.done $0x0  }
0x22: {  	s14 =	rddreg [dreg:$0x5];
	[sflag:s16] =	ssyncadd.s32 $0xFFFFF800  }
0x23: {  	[spmem:s14] =	stream.linear.scatter [tilespmem:s15], [sflag:$0x11], $0x800, $0x38;
	[tilespmem:$0xB800] =	vst v63  }
0x24: {  	_ =	swait.ge [sflag:s16], $0x800  }
0x25: {  	[sflag:s16] =	ssyncset.done $0x0  }
0x26: {  	s14 =	rddreg [dreg:$0x6];
	[sflag:s16] =	ssyncadd.s32 $0xFFFFF800  }
0x27: {  	[spmem:s14] =	stream.linear.scatter [tilespmem:s15], [sflag:$0x11], $0x800, $0x38;
	[tilespmem:$0xB800] =	vst v63  }
0x28: {  	_ =	swait.ge [sflag:s16], $0x800  }
0x29: {  	[sflag:s16] =	ssyncset.done $0x0  }
0x2a: {  	s14 =	rddreg [dreg:$0x7];
	[sflag:s16] =	ssyncadd.s32 $0xFFFFF800  }
0x2b: {  	[spmem:s14] =	stream.linear.scatter [tilespmem:s15], [sflag:$0x11], $0x800, $0x38;
	[tilespmem:$0xB800] =	vst v63  }
0x2c: {  	_ =	swait.ge [sflag:s16], $0x800  }
0x2d: {  	[sflag:s16] =	ssyncset.done $0x0  }
0x2e: {  	s14 =	rddreg [dreg:$0x8];
	[sflag:s16] =	ssyncadd.s32 $0xFFFFF800  }
0x2f: {  	[spmem:s14] =	stream.linear.scatter [tilespmem:s15], [sflag:$0x11], $0x800, $0x38;
	[tilespmem:$0xB800] =	vst v63  }
0x30: {  	_ =	swait.ge [sflag:s16], $0x800  }
0x31: {  	[sflag:s16] =	ssyncset.done $0x0  }
0x32: {  	[sflag:s16] =	ssyncadd.s32 $0xFFFFF800  }
0x33: {  	[bflag:$0x0] =	sbarrier.arrive $0xFFFF  }
0x34: {  	s14 =	rddreg [dreg:$0x9]  }
0x35: {  	[tilespmem:s3], [sflag:$0x11] =	stream.linear.gather [hbm4b:s14+s3], $0x2800, $0x38;
	[tilespmem:$0xB800] =	vst v63  }
0x36: {  	_ =	swait.ge [sflag:s16], $0x2800  }
0x37: {  	[sflag:s16] =	ssyncset.done $0x0  }
0x38: {  	s14 =	simm.s32 $0x2800;
	s6 =	rddreg [dreg:$0xa];
	[sflag:s16] =	ssyncadd.s32 $0xFFFFD800  }
0x39: {  	[tilespmem:s14], [sflag:$0x11] =	stream.linear.gather [hbm4b:s6+s3], $0x2800, $0x38;
	[tilespmem:$0xB800] =	vst v63  }
0x3a: {  	_ =	swait.ge [sflag:s16], $0x2800  }
0x3b: {  	[sflag:s16] =	ssyncset.done $0x0  }
0x3c: {  	[sflag:s16] =	ssyncadd.s32 $0xFFFFD800;
	s16 =	simm.s32 $0x0  }
0x3d: {  	[tilespmem:s15], [sflag:$0x1] =	stream.indirect.gather [hbm4b:s4+s18], $0x10, s16, s18, $0xb8;
	[tilespmem:$0xB800] =	vst v63  }
0x3e: {  	s6 =	simm.s32 $0x80  }
0x3f: {  	[tilespmem:s19], [sflag:$0x2] =	stream.indirect.gather [hbm4b:s4+s18], $0x10, s6, s18, $0xb8;
	[tilespmem:$0xB800] =	vst v63  }
0x40: {  	s14 =	simm.s32 $0x100  }
0x41: {  	[tilespmem:s20], [sflag:$0x3] =	stream.indirect.gather [hbm4b:s4+s18], $0x10, s14, s18, $0xb8;
	[tilespmem:$0xB800] =	vst v63  }
0x42: {  	s16 =	simm.s32 $0x180  }
0x43: {  	[tilespmem:s21], [sflag:$0x4] =	stream.indirect.gather [hbm4b:s4+s18], $0x10, s16, s18, $0xb8;
	[tilespmem:$0xB800] =	vst v63  }
0x44: {  	s6 =	simm.s32 $0x200  }
0x45: {  	[tilespmem:s22], [sflag:$0x5] =	stream.indirect.gather [hbm4b:s4+s18], $0x10, s6, s18, $0xb8;
	[tilespmem:$0xB800] =	vst v63  }
0x46: {  	s14 =	simm.s32 $0x280  }
0x47: {  	[tilespmem:s23], [sflag:$0x6] =	stream.indirect.gather [hbm4b:s4+s18], $0x10, s14, s18, $0xb8;
	[tilespmem:$0xB800] =	vst v63  }
0x48: {  	s16 =	simm.s32 $0x300  }
0x49: {  	[tilespmem:s24], [sflag:$0x7] =	stream.indirect.gather [hbm4b:s4+s18], $0x10, s16, s18, $0xb8;
	[tilespmem:$0xB800] =	vst v63  }
0x4a: {  	s6 =	simm.s32 $0x380  }
0x4b: {  	[tilespmem:s25], [sflag:$0x8] =	stream.indirect.gather [hbm4b:s4+s18], $0x10, s6, s18, $0xb8;
	[tilespmem:$0xB800] =	vst v63  }
0x4c: {  	_ =	swait.ge [sflag:s26], $0x800  }
0x4d: {  	[sflag:s26] =	ssyncset.done $0x0  }
0x4e: {  	s14 =	simm.s32 $0x2800;
	[sflag:s26] =	ssyncadd.s32 $0xFFFFF800  }
0x4f: {  	[spmem:s2] =	stream.indirect.scatter.add.f32 [tilespmem:s15], [sflag:$0x9], $0x10, s14, s18, $0xb8;
	[tilespmem:$0xB800] =	vst v63  }
0x50: {  	_ =	swait.ge [sflag:s28], $0x800  }
0x51: {  	[sflag:s28] =	ssyncset.done $0x0  }
0x52: {  	s16 =	simm.s32 $0x2880;
	[sflag:s28] =	ssyncadd.s32 $0xFFFFF800  }
0x53: {  	[spmem:s2] =	stream.indirect.scatter.add.f32 [tilespmem:s19], [sflag:$0xA], $0x10, s16, s18, $0xb8;
	[tilespmem:$0xB800] =	vst v63  }
0x54: {  	_ =	swait.ge [sflag:s29], $0x800  }
0x55: {  	[sflag:s29] =	ssyncset.done $0x0  }
0x56: {  	s6 =	simm.s32 $0x2900;
	[sflag:s29] =	ssyncadd.s32 $0xFFFFF800  }
0x57: {  	[spmem:s2] =	stream.indirect.scatter.add.f32 [tilespmem:s20], [sflag:$0xB], $0x10, s6, s18, $0xb8;
	[tilespmem:$0xB800] =	vst v63  }
0x58: {  	_ =	swait.ge [sflag:s30], $0x800  }
0x59: {  	[sflag:s30] =	ssyncset.done $0x0  }
0x5a: {  	s14 =	simm.s32 $0x2980;
	[sflag:s30] =	ssyncadd.s32 $0xFFFFF800  }
0x5b: {  	[spmem:s2] =	stream.indirect.scatter.add.f32 [tilespmem:s21], [sflag:$0xC], $0x10, s14, s18, $0xb8;
	[tilespmem:$0xB800] =	vst v63  }
0x5c: {  	_ =	swait.ge [sflag:s31], $0x800  }
0x5d: {  	[sflag:s31] =	ssyncset.done $0x0  }
0x5e: {  	s16 =	simm.s32 $0x2A00;
	[sflag:s31] =	ssyncadd.s32 $0xFFFFF800  }
0x5f: {  	[spmem:s2] =	stream.indirect.scatter.add.f32 [tilespmem:s22], [sflag:$0xD], $0x10, s16, s18, $0xb8;
	[tilespmem:$0xB800] =	vst v63  }
0x60: {  	_ =	swait.ge [sflag:s1], $0x800  }
0x61: {  	[sflag:s1] =	ssyncset.done $0x0  }
0x62: {  	s6 =	simm.s32 $0x2A80;
	[sflag:s1] =	ssyncadd.s32 $0xFFFFF800  }
0x63: {  	[spmem:s2] =	stream.indirect.scatter.add.f32 [tilespmem:s23], [sflag:$0xE], $0x10, s6, s18, $0xb8;
	[tilespmem:$0xB800] =	vst v63  }
0x64: {  	_ =	swait.ge [sflag:s17], $0x800  }
0x65: {  	[sflag:s17] =	ssyncset.done $0x0  }
0x66: {  	s14 =	simm.s32 $0x2B00;
	[sflag:s17] =	ssyncadd.s32 $0xFFFFF800  }
0x67: {  	[spmem:s2] =	stream.indirect.scatter.add.f32 [tilespmem:s24], [sflag:$0xF], $0x10, s14, s18, $0xb8;
	[tilespmem:$0xB800] =	vst v63  }
0x68: {  	_ =	swait.ge [sflag:s0], $0x800  }
0x69: {  	[sflag:s0] =	ssyncset.done $0x0  }
0x6a: {  	s16 =	simm.s32 $0x2B80;
	[sflag:s0] =	ssyncadd.s32 $0xFFFFF800  }
0x6b: {  	[spmem:s2] =	stream.indirect.scatter.add.f32 [tilespmem:s25], [sflag:$0x10], $0x10, s16, s18, $0xb8;
	[tilespmem:$0xB800] =	vst v63  }
0x6c: {  	_ =	swait.ge [sflag:s5], $0x800  }
0x6d: {  	[sflag:s5] =	ssyncset.done $0x0  }
0x6e: {  	[sflag:s5] =	ssyncadd.s32 $0xFFFFF800  }
0x6f: {  	_ =	swait.ge [sflag:s7], $0x800  }
0x70: {  	[sflag:s7] =	ssyncset.done $0x0  }
0x71: {  	[sflag:s7] =	ssyncadd.s32 $0xFFFFF800  }
0x72: {  	_ =	swait.ge [sflag:s8], $0x800  }
0x73: {  	[sflag:s8] =	ssyncset.done $0x0  }
0x74: {  	[sflag:s8] =	ssyncadd.s32 $0xFFFFF800  }
0x75: {  	_ =	swait.ge [sflag:s9], $0x800  }
0x76: {  	[sflag:s9] =	ssyncset.done $0x0  }
0x77: {  	[sflag:s9] =	ssyncadd.s32 $0xFFFFF800  }
0x78: {  	_ =	swait.ge [sflag:s10], $0x800  }
0x79: {  	[sflag:s10] =	ssyncset.done $0x0  }
0x7a: {  	[sflag:s10] =	ssyncadd.s32 $0xFFFFF800  }
0x7b: {  	_ =	swait.ge [sflag:s11], $0x800  }
0x7c: {  	[sflag:s11] =	ssyncset.done $0x0  }
0x7d: {  	[sflag:s11] =	ssyncadd.s32 $0xFFFFF800  }
0x7e: {  	_ =	swait.ge [sflag:s12], $0x800  }
0x7f: {  	[sflag:s12] =	ssyncset.done $0x0  }
0x80: {  	[sflag:s12] =	ssyncadd.s32 $0xFFFFF800  }
0x81: {  	_ =	swait.ge [sflag:s13], $0x800  }
0x82: {  	s3 =	simm.s32 $0x1000;
	s6 =	simm.s32 $0x2000;
	[sflag:s13] =	ssyncset.done $0x0  }
.LBB2_2:
0x83: {  	s14 =	sshra.s32 s3, $0x2  }
0x84: {  	[sflag:s13] =	ssyncadd.s32 $0xFFFFF800;
	s3 =	smov.u32 s6;
	s16 =	sadd.s32 $0x1000, s6  }
0x85: {  	[tilespmem:s15], [sflag:$0x1] =	stream.indirect.gather [hbm4b:s4+s18], $0x10, s14, s18, $0xb8;
	[tilespmem:$0xB800] =	vst v63  }
0x86: {  	p0 =	sne.s32 s6, $0x9000;
	s6 =	sadd.s32 $0x80, s14  }
0x87: {  	[tilespmem:s19], [sflag:$0x2] =	stream.indirect.gather [hbm4b:s4+s18], $0x10, s6, s18, $0xb8;
	[tilespmem:$0xB800] =	vst v63  }
0x88: {  	s6 =	sadd.s32 $0x100, s14  }
0x89: {  	[tilespmem:s20], [sflag:$0x3] =	stream.indirect.gather [hbm4b:s4+s18], $0x10, s6, s18, $0xb8;
	[tilespmem:$0xB800] =	vst v63  }
0x8a: {  	s6 =	sadd.s32 $0x180, s14  }
0x8b: {  	[tilespmem:s21], [sflag:$0x4] =	stream.indirect.gather [hbm4b:s4+s18], $0x10, s6, s18, $0xb8;
	[tilespmem:$0xB800] =	vst v63  }
0x8c: {  	s6 =	sadd.s32 $0x200, s14  }
0x8d: {  	[tilespmem:s22], [sflag:$0x5] =	stream.indirect.gather [hbm4b:s4+s18], $0x10, s6, s18, $0xb8;
	[tilespmem:$0xB800] =	vst v63  }
0x8e: {  	s6 =	sadd.s32 $0x280, s14  }
0x8f: {  	[tilespmem:s23], [sflag:$0x6] =	stream.indirect.gather [hbm4b:s4+s18], $0x10, s6, s18, $0xb8;
	[tilespmem:$0xB800] =	vst v63  }
0x90: {  	s6 =	sadd.s32 $0x300, s14  }
0x91: {  	[tilespmem:s24], [sflag:$0x7] =	stream.indirect.gather [hbm4b:s4+s18], $0x10, s6, s18, $0xb8;
	[tilespmem:$0xB800] =	vst v63  }
0x92: {  	s6 =	sadd.s32 $0x380, s14  }
0x93: {  	[tilespmem:s25], [sflag:$0x8] =	stream.indirect.gather [hbm4b:s4+s18], $0x10, s6, s18, $0xb8;
	[tilespmem:$0xB800] =	vst v63  }
0x94: {  	_ =	swait.ge [sflag:s26], $0x800  }
0x95: {  	[sflag:s26] =	ssyncset.done $0x0  }
0x96: {  	s6 =	sadd.s32 $0x2800, s14;
	[sflag:s26] =	ssyncadd.s32 $0xFFFFF800  }
0x97: {  	[spmem:s2] =	stream.indirect.scatter.add.f32 [tilespmem:s15], [sflag:$0x9], $0x10, s6, s18, $0xb8;
	[tilespmem:$0xB800] =	vst v63  }
0x98: {  	_ =	swait.ge [sflag:s28], $0x800  }
0x99: {  	[sflag:s28] =	ssyncset.done $0x0  }
0x9a: {  	s6 =	sadd.s32 $0x2880, s14;
	[sflag:s28] =	ssyncadd.s32 $0xFFFFF800  }
0x9b: {  	[spmem:s2] =	stream.indirect.scatter.add.f32 [tilespmem:s19], [sflag:$0xA], $0x10, s6, s18, $0xb8;
	[tilespmem:$0xB800] =	vst v63  }
0x9c: {  	_ =	swait.ge [sflag:s29], $0x800  }
0x9d: {  	[sflag:s29] =	ssyncset.done $0x0  }
0x9e: {  	s6 =	sadd.s32 $0x2900, s14;
	[sflag:s29] =	ssyncadd.s32 $0xFFFFF800  }
0x9f: {  	[spmem:s2] =	stream.indirect.scatter.add.f32 [tilespmem:s20], [sflag:$0xB], $0x10, s6, s18, $0xb8;
	[tilespmem:$0xB800] =	vst v63  }
0xa0: {  	_ =	swait.ge [sflag:s30], $0x800  }
0xa1: {  	[sflag:s30] =	ssyncset.done $0x0  }
0xa2: {  	s6 =	sadd.s32 $0x2980, s14;
	[sflag:s30] =	ssyncadd.s32 $0xFFFFF800  }
0xa3: {  	[spmem:s2] =	stream.indirect.scatter.add.f32 [tilespmem:s21], [sflag:$0xC], $0x10, s6, s18, $0xb8;
	[tilespmem:$0xB800] =	vst v63  }
0xa4: {  	_ =	swait.ge [sflag:s31], $0x800  }
0xa5: {  	[sflag:s31] =	ssyncset.done $0x0  }
0xa6: {  	s6 =	sadd.s32 $0x2A00, s14;
	[sflag:s31] =	ssyncadd.s32 $0xFFFFF800  }
0xa7: {  	[spmem:s2] =	stream.indirect.scatter.add.f32 [tilespmem:s22], [sflag:$0xD], $0x10, s6, s18, $0xb8;
	[tilespmem:$0xB800] =	vst v63  }
0xa8: {  	_ =	swait.ge [sflag:s1], $0x800  }
0xa9: {  	[sflag:s1] =	ssyncset.done $0x0  }
0xaa: {  	s6 =	sadd.s32 $0x2A80, s14;
	[sflag:s1] =	ssyncadd.s32 $0xFFFFF800  }
0xab: {  	[spmem:s2] =	stream.indirect.scatter.add.f32 [tilespmem:s23], [sflag:$0xE], $0x10, s6, s18, $0xb8;
	[tilespmem:$0xB800] =	vst v63  }
0xac: {  	_ =	swait.ge [sflag:s17], $0x800  }
0xad: {  	[sflag:s17] =	ssyncset.done $0x0  }
0xae: {  	s6 =	sadd.s32 $0x2B00, s14;
	[sflag:s17] =	ssyncadd.s32 $0xFFFFF800  }
0xaf: {  	[spmem:s2] =	stream.indirect.scatter.add.f32 [tilespmem:s24], [sflag:$0xF], $0x10, s6, s18, $0xb8;
	[tilespmem:$0xB800] =	vst v63  }
0xb0: {  	_ =	swait.ge [sflag:s0], $0x800  }
0xb1: {  	[sflag:s0] =	ssyncset.done $0x0  }
0xb2: {  	s6 =	sadd.s32 $0x2B80, s14;
	[sflag:s0] =	ssyncadd.s32 $0xFFFFF800  }
0xb3: {  	[spmem:s2] =	stream.indirect.scatter.add.f32 [tilespmem:s25], [sflag:$0x10], $0x10, s6, s18, $0xb8;
	[tilespmem:$0xB800] =	vst v63  }
0xb4: {  	_ =	swait.ge [sflag:s5], $0x800  }
0xb5: {  	[sflag:s5] =	ssyncset.done $0x0  }
0xb6: {  	[sflag:s5] =	ssyncadd.s32 $0xFFFFF800  }
0xb7: {  	_ =	swait.ge [sflag:s7], $0x800  }
0xb8: {  	[sflag:s7] =	ssyncset.done $0x0  }
0xb9: {  	[sflag:s7] =	ssyncadd.s32 $0xFFFFF800  }
0xba: {  	_ =	swait.ge [sflag:s8], $0x800  }
0xbb: {  	[sflag:s8] =	ssyncset.done $0x0  }
0xbc: {  	[sflag:s8] =	ssyncadd.s32 $0xFFFFF800  }
0xbd: {  	_ =	swait.ge [sflag:s9], $0x800  }
0xbe: {  	[sflag:s9] =	ssyncset.done $0x0  }
0xbf: {  	[sflag:s9] =	ssyncadd.s32 $0xFFFFF800  }
0xc0: {  	_ =	swait.ge [sflag:s10], $0x800  }
0xc1: {  	[sflag:s10] =	ssyncset.done $0x0  }
0xc2: {  	[sflag:s10] =	ssyncadd.s32 $0xFFFFF800  }
0xc3: {  	_ =	swait.ge [sflag:s11], $0x800  }
0xc4: {  	[sflag:s11] =	ssyncset.done $0x0  }
0xc5: {  	[sflag:s11] =	ssyncadd.s32 $0xFFFFF800  }
.Ltmp0:
0xc6: {  	_ =	swait.ge [sflag:s12], $0x800;
	(pc) =	sbr.rel @p0 .LBB2_2-.Ltmp0, $4  }
0xc7: {  	[sflag:s12] =	ssyncset.done $0x0  }
0xc8: {  	[sflag:s12] =	ssyncadd.s32 $0xFFFFF800  }
0xc9: {  	_ =	swait.ge [sflag:s13], $0x800  }
0xca: {  	s6 =	smov.u32 s16;
	[sflag:s13] =	ssyncset.done $0x0  }
0xcb: {  	s3 =	sshra.s32 s3, $0x2;
	[sflag:s13] =	ssyncadd.s32 $0xFFFFF800  }
0xcc: {  	[tilespmem:s15], [sflag:$0x1] =	stream.indirect.gather [hbm4b:s4+s18], $0x10, s3, s18, $0xb8;
	[tilespmem:$0xB800] =	vst v63  }
0xcd: {  	s6 =	sadd.s32 $0x80, s3  }
0xce: {  	[tilespmem:s19], [sflag:$0x2] =	stream.indirect.gather [hbm4b:s4+s18], $0x10, s6, s18, $0xb8;
	[tilespmem:$0xB800] =	vst v63  }
0xcf: {  	s14 =	sadd.s32 $0x100, s3  }
0xd0: {  	[tilespmem:s20], [sflag:$0x3] =	stream.indirect.gather [hbm4b:s4+s18], $0x10, s14, s18, $0xb8;
	[tilespmem:$0xB800] =	vst v63  }
0xd1: {  	s16 =	sadd.s32 $0x180, s3  }
0xd2: {  	[tilespmem:s21], [sflag:$0x4] =	stream.indirect.gather [hbm4b:s4+s18], $0x10, s16, s18, $0xb8;
	[tilespmem:$0xB800] =	vst v63  }
0xd3: {  	s14 =	sadd.s32 $0x200, s3  }
0xd4: {  	[tilespmem:s22], [sflag:$0x5] =	stream.indirect.gather [hbm4b:s4+s18], $0x10, s14, s18, $0xb8;
	[tilespmem:$0xB800] =	vst v63  }
0xd5: {  	s16 =	sadd.s32 $0x280, s3  }
0xd6: {  	[tilespmem:s23], [sflag:$0x6] =	stream.indirect.gather [hbm4b:s4+s18], $0x10, s16, s18, $0xb8;
	[tilespmem:$0xB800] =	vst v63  }
0xd7: {  	s14 =	sadd.s32 $0x300, s3  }
0xd8: {  	[tilespmem:s24], [sflag:$0x7] =	stream.indirect.gather [hbm4b:s4+s18], $0x10, s14, s18, $0xb8;
	[tilespmem:$0xB800] =	vst v63  }
0xd9: {  	s16 =	sadd.s32 $0x380, s3  }
0xda: {  	[tilespmem:s25], [sflag:$0x8] =	stream.indirect.gather [hbm4b:s4+s18], $0x10, s16, s18, $0xb8;
	[tilespmem:$0xB800] =	vst v63  }
0xdb: {  	_ =	swait.ge [sflag:s26], $0x800  }
0xdc: {  	[sflag:s26] =	ssyncset.done $0x0  }
0xdd: {  	s14 =	sadd.s32 $0x2800, s3;
	[sflag:s26] =	ssyncadd.s32 $0xFFFFF800  }
0xde: {  	[spmem:s2] =	stream.indirect.scatter.add.f32 [tilespmem:s15], [sflag:$0x9], $0x10, s14, s18, $0xb8;
	[tilespmem:$0xB800] =	vst v63  }
0xdf: {  	_ =	swait.ge [sflag:s28], $0x800  }
0xe0: {  	[sflag:s28] =	ssyncset.done $0x0  }
0xe1: {  	s16 =	sadd.s32 $0x2880, s3;
	[sflag:s28] =	ssyncadd.s32 $0xFFFFF800  }
0xe2: {  	[spmem:s2] =	stream.indirect.scatter.add.f32 [tilespmem:s19], [sflag:$0xA], $0x10, s16, s18, $0xb8;
	[tilespmem:$0xB800] =	vst v63  }
0xe3: {  	_ =	swait.ge [sflag:s29], $0x800  }
0xe4: {  	[sflag:s29] =	ssyncset.done $0x0  }
0xe5: {  	s14 =	sadd.s32 $0x2900, s3;
	[sflag:s29] =	ssyncadd.s32 $0xFFFFF800  }
0xe6: {  	[spmem:s2] =	stream.indirect.scatter.add.f32 [tilespmem:s20], [sflag:$0xB], $0x10, s14, s18, $0xb8;
	[tilespmem:$0xB800] =	vst v63  }
0xe7: {  	_ =	swait.ge [sflag:s30], $0x800  }
0xe8: {  	[sflag:s30] =	ssyncset.done $0x0  }
0xe9: {  	s16 =	sadd.s32 $0x2980, s3;
	[sflag:s30] =	ssyncadd.s32 $0xFFFFF800  }
0xea: {  	[spmem:s2] =	stream.indirect.scatter.add.f32 [tilespmem:s21], [sflag:$0xC], $0x10, s16, s18, $0xb8;
	[tilespmem:$0xB800] =	vst v63  }
0xeb: {  	_ =	swait.ge [sflag:s31], $0x800  }
0xec: {  	[sflag:s31] =	ssyncset.done $0x0  }
0xed: {  	s14 =	sadd.s32 $0x2A00, s3;
	[sflag:s31] =	ssyncadd.s32 $0xFFFFF800  }
0xee: {  	[spmem:s2] =	stream.indirect.scatter.add.f32 [tilespmem:s22], [sflag:$0xD], $0x10, s14, s18, $0xb8;
	[tilespmem:$0xB800] =	vst v63  }
0xef: {  	_ =	swait.ge [sflag:s1], $0x800  }
0xf0: {  	[sflag:s1] =	ssyncset.done $0x0  }
0xf1: {  	s16 =	sadd.s32 $0x2A80, s3;
	[sflag:s1] =	ssyncadd.s32 $0xFFFFF800  }
0xf2: {  	[spmem:s2] =	stream.indirect.scatter.add.f32 [tilespmem:s23], [sflag:$0xE], $0x10, s16, s18, $0xb8;
	[tilespmem:$0xB800] =	vst v63  }
0xf3: {  	_ =	swait.ge [sflag:s17], $0x800  }
0xf4: {  	[sflag:s17] =	ssyncset.done $0x0  }
0xf5: {  	s14 =	sadd.s32 $0x2B00, s3;
	[sflag:s17] =	ssyncadd.s32 $0xFFFFF800  }
0xf6: {  	[spmem:s2] =	stream.indirect.scatter.add.f32 [tilespmem:s24], [sflag:$0xF], $0x10, s14, s18, $0xb8;
	[tilespmem:$0xB800] =	vst v63  }
0xf7: {  	_ =	swait.ge [sflag:s0], $0x800  }
0xf8: {  	[sflag:s0] =	ssyncset.done $0x0  }
0xf9: {  	s3 =	sadd.s32 $0x2B80, s3;
	[sflag:s0] =	ssyncadd.s32 $0xFFFFF800  }
0xfa: {  	[spmem:s2] =	stream.indirect.scatter.add.f32 [tilespmem:s25], [sflag:$0x10], $0x10, s3, s18, $0xb8;
	[tilespmem:$0xB800] =	vst v63  }
0xfb: {  	_ =	swait.ge [sflag:s5], $0x800  }
0xfc: {  	[sflag:s5] =	ssyncset.done $0x0  }
0xfd: {  	[sflag:s5] =	ssyncadd.s32 $0xFFFFF800  }
0xfe: {  	_ =	swait.ge [sflag:s7], $0x800  }
0xff: {  	[sflag:s7] =	ssyncset.done $0x0  }
0x100: {  	[sflag:s7] =	ssyncadd.s32 $0xFFFFF800  }
0x101: {  	_ =	swait.ge [sflag:s8], $0x800  }
0x102: {  	[sflag:s8] =	ssyncset.done $0x0  }
0x103: {  	[sflag:s8] =	ssyncadd.s32 $0xFFFFF800  }
0x104: {  	_ =	swait.ge [sflag:s9], $0x800  }
0x105: {  	[sflag:s9] =	ssyncset.done $0x0  }
0x106: {  	[sflag:s9] =	ssyncadd.s32 $0xFFFFF800  }
0x107: {  	_ =	swait.ge [sflag:s10], $0x800  }
0x108: {  	[sflag:s10] =	ssyncset.done $0x0  }
0x109: {  	[sflag:s10] =	ssyncadd.s32 $0xFFFFF800  }
0x10a: {  	_ =	swait.ge [sflag:s11], $0x800  }
0x10b: {  	[sflag:s11] =	ssyncset.done $0x0  }
0x10c: {  	[sflag:s11] =	ssyncadd.s32 $0xFFFFF800  }
0x10d: {  	_ =	swait.ge [sflag:s12], $0x800  }
0x10e: {  	[sflag:s12] =	ssyncset.done $0x0  }
0x10f: {  	[sflag:s12] =	ssyncadd.s32 $0xFFFFF800  }
0x110: {  	_ =	swait.ge [sflag:s13], $0x800  }
0x111: {  	[sflag:s13] =	ssyncset.done $0x0  }
0x112: {  	[sflag:s13] =	ssyncadd.s32 $0xFFFFF800  }
0x113: {  	s16 =	stileid.u32;
	[bflag:$0x0] =	sbarrier.arrive $0xFFFF  }
0x114: {  	s3 =	sshll.u32 s16, $0x6;
	s14 =	rddreg [dreg:$0x4]  }
0x115: {  	s3 =	sor.u32 $0x1C11, s3;
	s16 =	rddreg [dreg:$0xb];
	s6 =	sshrl.u32 s14, $0x3  }
0x116: {  	[hbm:s16], [sflag:s3] =	dma.local [spmem:s6], $0x500  }
0x117: {  	s16 =	simm.s32 $0x11  }
0x118: {  	_ =	swait.ge [sflag:s16], $0x500  }
0x119: {  	s3 =	rddreg [dreg:$0xd]  }
0x11a: {  	s6 =	sadd.s32 $0x1, s3;
	s3 =	rddreg [dreg:$0xc]  }
0x11b: {  	p0 =	sne.s32 s6, s3  }
.Ltmp1:
0x11c: {  	_ = 	snop;
	(pc) =	sbr.rel @p0 .LBB2_1-.Ltmp1, $3  }
0x11d: {  	_ =	sdelay $0x1  }
0x11e: {  	[sflag:s16] =	ssyncset.done $0x0  }
0x11f: {  	[sflag:s16] =	ssyncadd.s32 $0xFFFFFB00  }
0x120: {  	_ =	sfence.sel $0x180000  }
0x121: {  	[bflag:$0x0] =	sbarrier.arrive $0xFFFF  }
0x122: {  	_ =	strace $0x9000004D  }
0x123: {  	s0 =	stileid.u32;
	[bflag:$0x2] =	sbarrier.arrive $0xFFFF  }
0x124: {  	p0 =	sne.s32 s0, $0x0;
	s0 =	rddreg [dreg:$0x2]  }
0x125: {  	s0 =	sadd.s32 @!p0 $0x100000, s0  }
0x126: {  	[sflag:s0] =	ssyncadd.tile.s32 @!p0 $0x1;
	_ =	shalt  }
.Lfunc_end2:
_tile_overlayer_lowered:
.L_overlay_start_2:
0x127: {  	(tag) =	ssettag $0x2  }
0x128: {  	s0 =	rddreg [dreg:$0x0];
	s2 =	stileid.u32  }
0x129: {  	s1 =	rddreg [dreg:$0x1];
	p0 =	sne.s32 s2, $0x0  }
0x12a: {  	s3 =	rddreg [dreg:$0x2];
	[bflag:$0x3] =	sbarrier.arrive $0xFFFF;
	s2 =	simm.s32 @!p0 $0x1C11  }
0x12b: {  	[timem:s3], [sflag:s2] =	dma.local @!p0 [hbm:s0], s1  }
0x12c: {  	s0 =	simm.s32 @!p0 $0x11  }
0x12d: {  	_ =	swait.ge @!p0 [sflag:s0], s1  }
0x12e: {  	s1 =	ssub.s32 @!p0 $0x0, s1;
	[sflag:s0] =	ssyncset.done @!p0 $0x0  }
0x12f: {  	[sflag:s0] =	ssyncadd.s32 @!p0 s1  }
0x130: {  	[bflag:$0x3] =	sbarrier.arrive $0xFFFF  }
0x131: {  	_ =	shalt  }

// kernel: kernel.8.cloned.1.call-start
scs
__scs_entry_jumppad:
0x0: {  	(pc) =	sbr.rel $0x88, $3  }
0x1: {  	(tag) =	ssettag $0x0;
	lr =	simm.s32 $0x1  }
0x2: {  	[smem:$0x3F9B] =	sst lr;
	_ =	strace $0xD0000000  }
0x3: {  	_ = 	snop  }
0x4: {  	_ = 	snop  }
0x5: {  	_ = 	snop  }
0x6: {  	_ = 	snop  }
0x7: {  	_ = 	snop  }
__scs_overlays_trampoline_lowered:
0x8: {  	[smem:$0x3FAA] =	sst s0  }
0x9: {  	[smem:$0x3FAB] =	sst s1  }
0xa: {  	[smem:$0x3FAC] =	sst s2  }
0xb: {  	[smem:$0x3FAD] =	sst s3  }
0xc: {  	[smem:$0x3FAE] =	sst s4  }
0xd: {  	[smem:$0x3FAF] =	sst s5  }
0xe: {  	[smem:$0x3FB0] =	sst s6  }
0xf: {  	[smem:$0x3FB1] =	sst s7  }
0x10: {  	[smem:$0x3FB2] =	sst s8  }
0x11: {  	[smem:$0x3FB3] =	sst s9;
	s0 =	simm.s32 @!p0 $0x0  }
0x12: {  	s1 =	sld [smem:$0x3F99];
	s0 =	simm.s32 @p0 $0x1  }
0x13: {  	[smem:$0x3FB4] =	sst s0;
	s0 =	simm.s32 @!p1 $0x0  }
0x14: {  	s2 =	sld [smem:$0x3F98];
	s0 =	simm.s32 @p1 $0x1  }
0x15: {  	[smem:$0x3FB5] =	sst s0;
	s0 =	simm.s32 @!p2 $0x0  }
0x16: {  	s3 =	sld [smem:$0x3FDB];
	s0 =	simm.s32 @p2 $0x1  }
0x17: {  	s4 =	simm.s32 $0x1BF5;
	[smem:$0x3FB7] =	sst s0  }
0x18: {  	s0 =	sld [smem:$0x3F9A];
	_ =	swait.ge [sflag:s4], $0x0  }
0x19: {  	s7 =	sld [smem:$0x3F9B]  }
0x1a: {  	s8 =	sadd.s32 $0xFFFFE003, lr  }
0x1b: {  	s9 =	sadd.s32 $0xFFFFFEF7, lr;
	s5 =	simm.s32 $0xFFFFFFFF;
	p2 =	slt.u32 s8, $0xFFFFF086  }
0x1c: {  	p1 =	slt.u32 s9, $0xF7A;
	s5 =	simm.s32 @!p2 $0x0  }
0x1d: {  	s5 =	simm.s32 @p1 $0x1;
	p0 =	seq.s32 s7, s2  }
0x1e: {  	s7 =	smul.u32 @!p0 $0xF7A, s2;
	p2 =	seq.s32 @!p0 s5, $0x0  }
0x1f: {  	s9 =	smul.u32 $0xF7A, s1;
	s8 =	simm.s32 @!p0 $0x1BF5;
	p2 =	por !p2, p0  }
0x20: {  	[sflag:s8] =	ssyncset.s32 @!p0 $0xFFFFF086;
	s6 =	sadd.s32 @!p0 s3, s7;
	s7 =	simm.s32 @!p0 $0x108  }
0x21: {  	s3 =	sadd.s32 s3, s9;
	s6 =	sadd.s32 @!p0 $0x88, s6;
	s7 =	simm.s32 @p2 $0x1082  }
0x22: {  	[simem:s7], [sflag:s8] =	dma.local @!p0 [hbm:s6], $0xF7A  }
0x23: {  	s9 =	sor.u32 $0xD0000000, s2;
	s6 =	simm.s32 $0x108;
	_ =	swait.ge @!p0 [sflag:s8], $0x0  }
0x24: {  	s3 =	sadd.s32 $0x88, s3;
	s6 =	simm.s32 @!p1 $0x1082;
	[sflag:s4] =	ssyncset.s32 $0xFFFFF086  }
0x25: {  	[simem:s6], [sflag:s4] =	dma.local [hbm:s3], $0xF7A  }
0x26: {  	[smem:$0x3F9B] =	sst s1;
	(tag) =	ssettag s2;
	_ =	strace s9  }
0x27: {  	s1 =	sld [smem:$0x3FAB]  }
0x28: {  	s2 =	sld [smem:$0x3FAC]  }
0x29: {  	s4 =	sld [smem:$0x3FAE]  }
0x2a: {  	p0 =	seq.s32 s5, $0x0;
	s5 =	sld [smem:$0x3FAF]  }
0x2b: {  	s6 =	sld [smem:$0x3FB0]  }
0x2c: {  	s7 =	sld [smem:$0x3FB1]  }
0x2d: {  	s3 =	simm.s32 $0x108;
	s8 =	sld [smem:$0x3FB2]  }
0x2e: {  	s3 =	simm.s32 @!p0 $0x1082;
	s9 =	sld [smem:$0x3FB3]  }
0x2f: {  	lr =	sadd.s32 s0, s3;
	s0 =	sld [smem:$0x3FAA]  }
0x30: {  	s3 =	sld [smem:$0x3FAD]  }
0x31: {  	[smem:$0x3FB6] =	sst s10  }
0x32: {  	s10 =	sld [smem:$0x3FB4];
	_ =	sdelay $0x3  }
0x33: {  	p0 =	seq.s32 s10, $0x1;
	s10 =	sld [smem:$0x3FB6];
	_ =	sdelay $0x3  }
0x34: {  	[smem:$0x3FB6] =	sst s10  }
0x35: {  	s10 =	sld [smem:$0x3FB5];
	_ =	sdelay $0x3  }
0x36: {  	p1 =	seq.s32 s10, $0x1;
	s10 =	sld [smem:$0x3FB6];
	_ =	sdelay $0x3  }
0x37: {  	[smem:$0x3FB6] =	sst s10  }
0x38: {  	s10 =	sld [smem:$0x3FB7]  }
0x39: {  	_ = 	snop;
	(pc) =	sbr.ind lr, $3  }
0x3a: {  	_ = 	snop  }
0x3b: {  	_ = 	snop  }
0x3c: {  	p2 =	seq.s32 s10, $0x1;
	s10 =	sld [smem:$0x3FB6]  }
0x3d: {  	_ =	shalt  }
0x3e: {  	_ =	shalt  }
0x3f: {  	_ =	shalt  }
0x40: {  	_ =	shalt  }
0x41: {  	_ =	shalt  }
0x42: {  	_ =	shalt  }
0x43: {  	_ =	shalt  }
0x44: {  	_ =	shalt  }
0x45: {  	_ =	shalt  }
0x46: {  	_ =	shalt  }
0x47: {  	_ =	shalt  }
0x48: {  	_ =	shalt  }
0x49: {  	_ =	shalt  }
0x4a: {  	_ =	shalt  }
0x4b: {  	_ =	shalt  }
0x4c: {  	_ =	shalt  }
0x4d: {  	_ =	shalt  }
0x4e: {  	_ =	shalt  }
0x4f: {  	_ =	shalt  }
0x50: {  	_ =	shalt  }
0x51: {  	_ =	shalt  }
0x52: {  	_ =	shalt  }
0x53: {  	_ =	shalt  }
0x54: {  	_ =	shalt  }
0x55: {  	_ =	shalt  }
0x56: {  	_ =	shalt  }
0x57: {  	_ =	shalt  }
0x58: {  	_ =	shalt  }
0x59: {  	_ =	shalt  }
0x5a: {  	_ =	shalt  }
0x5b: {  	_ =	shalt  }
0x5c: {  	_ =	shalt  }
0x5d: {  	_ =	shalt  }
0x5e: {  	_ =	shalt  }
0x5f: {  	_ =	shalt  }
0x60: {  	_ =	shalt  }
0x61: {  	_ =	shalt  }
0x62: {  	_ =	shalt  }
0x63: {  	_ =	shalt  }
0x64: {  	_ =	shalt  }
0x65: {  	_ =	shalt  }
0x66: {  	_ =	shalt  }
0x67: {  	_ =	shalt  }
0x68: {  	_ =	shalt  }
0x69: {  	_ =	shalt  }
0x6a: {  	_ =	shalt  }
0x6b: {  	_ =	shalt  }
0x6c: {  	_ =	shalt  }
0x6d: {  	_ =	shalt  }
0x6e: {  	_ =	shalt  }
0x6f: {  	_ =	shalt  }
0x70: {  	_ =	shalt  }
0x71: {  	_ =	shalt  }
0x72: {  	_ =	shalt  }
0x73: {  	_ =	shalt  }
0x74: {  	_ =	shalt  }
0x75: {  	_ =	shalt  }
0x76: {  	_ =	shalt  }
0x77: {  	_ =	shalt  }
0x78: {  	_ =	shalt  }
0x79: {  	_ =	shalt  }
0x7a: {  	_ =	shalt  }
0x7b: {  	_ =	shalt  }
0x7c: {  	_ =	shalt  }
0x7d: {  	_ =	shalt  }
0x7e: {  	_ =	shalt  }
0x7f: {  	_ =	shalt  }
0x80: {  	_ =	shalt  }
0x81: {  	_ =	shalt  }
0x82: {  	_ =	shalt  }
0x83: {  	_ =	shalt  }
0x84: {  	_ =	shalt  }
0x85: {  	_ =	shalt  }
0x86: {  	_ =	shalt  }
0x87: {  	_ =	shalt  }
.Lfunc_end0:
.L_simem_size_0:
called_computation_lowered:
.L_overlay_start_0:
0x88: {  	s2 =	sld [smem:$0x3FD9]  }
0x89: {  	s3 =	sld [smem:$0x3FFE];
	_ =	sdelay $0x1  }
0x8a: {  	s1 =	srdreg.scid  }
0x8b: {  	s0 =	sand.u32 $0x1, s1  }
0x8c: {  	s17 =	sshll.u32 s0, $0xA;
	s2 =	sadd.s32 s3, s2  }
0x8d: {  	s2 =	sadd.s32 s2, s17  }
0x8e: {  	[smem:$0x3FC2] =	sst s2  }
0x8f: {  	_ = 	snop  }
0x90: {  	s2 =	sld [smem:$0x3FD0];
	(tm) =	ssettm $0x1  }
0x91: {  	s18 =	sld [smem:$0x3FFB];
	_ =	sdelay $0x3  }
0x92: {  	_ =	strace s18  }
0x93: {  	s3 =	sld [smem:$0x3FFC];
	_ =	sdelay $0x3  }
0x94: {  	_ =	strace s3  }
0x95: {  	s3 =	sld [smem:$0x3FFD];
	_ =	sdelay $0x3  }
0x96: {  	_ =	strace s3  }
0x97: {  	_ =	strace $0x8FFFFFFF  }
0x98: {  	s19 =	sld [smem:$0x3FDB];
	_ =	sdelay $0x1  }
0x99: {  	s4 =	simm.s32 $_scs_section_size  }
0x9a: {  	s5 =	simm.s32 $_size__tile_overlayer_lowered;
	s6 =	simm.s32 $_tile_overlayer_lowered  }
0x9b: {  	s22 =	simm.s32 $0x1BFF;
	s21 =	sshll.u32 s6, $0x1;
	s3 =	sadd.s32 s4, s19  }
0x9c: {  	s7 =	simm.s32 $0x0;
	s20 =	sshll.u32 s5, $0x1;
	s5 =	sadd.s32 s21, s3  }
0x9d: {  	[timem:s7], [sflag:s22] =	dma.local [hbm:s5], s20  }
0x9e: {  	_ =	swait.ge [sflag:s22], s20  }
0x9f: {  	s4 =	ssub.s32 $0x0, s20;
	[sflag:s22] =	ssyncset.done $0x0  }
0xa0: {  	[sflag:s22] =	ssyncadd.s32 s4;
	_ =	sdelay $0x1  }
0xa1: {  	s23 =	simm.s32 $0x1B8B  }
0xa2: {  	_ =	swait.ge [sflag:s23], $0x1  }
0xa3: {  	[sflag:s23] =	ssyncset.done $0x0  }
0xa4: {  	s25 =	simm.s32 $0x1B8E;
	s24 =	sld [smem:$0x3FFE];
	[sflag:s23] =	ssyncadd.s32 $0xFFFFFFFF  }
0xa5: {  	s26 =	simm.s32 $execute0_lowered;
	[smem:$0x3FD2] =	sst s25  }
0xa6: {  	s5 =	sshll.u32 s26, $0x1;
	_ =	strace $0x80000046;
	[dreg:$0x1] =	wrdreg $0xFFFFFFFF  }
0xa7: {  	s28 =	simm.s32 $_size_execute0_lowered;
	s3 =	sadd.s32 s3, s5;
	[dreg:$0x0] =	wrdreg $0x0  }
0xa8: {  	s5 =	sshll.u32 s28, $0x1;
	[dreg:$0x2] =	wrdreg s3  }
0xa9: {  	[dreg:$0x3] =	wrdreg s5  }
0xaa: {  	[dreg:$0x4] =	wrdreg $0xC0  }
0xab: {  	_ =	task [dreg:s7], $0x5FFFF  }
0xac: {  	[dreg:$0x1] =	wrdreg $0xFFFFFFFF  }
0xad: {  	[dreg:$0x0] =	wrdreg $0x60  }
0xae: {  	[dreg:$0x2] =	wrdreg s24  }
0xaf: {  	[dreg:$0x3] =	wrdreg s2  }
0xb0: {  	[dreg:$0x4] =	wrdreg $0x38000  }
0xb1: {  	[dreg:$0x5] =	wrdreg $0x9  }
0xb2: {  	_ =	task.clear_ibuf [dreg:s7], $0x6FFFF;
	_ =	strace $0x90000046  }
0xb3: {  	s29 =	simm.s32 $0x9;
	_ =	strace $0x80000048  }
0xb4: {  	_ =	swait.ge [sflag:s29], $0x1  }
0xb5: {  	[sflag:s29] =	ssyncadd.s32 $0xFFFFFFFF  }
0xb6: {  	_ =	strace $0x90000048  }
0xb7: {  	_ =	sfence  }
0xb8: {  	s30 =	sld [smem:$0x0];
	_ =	sdelay $0x2  }
0xb9: {  	s31 =	sshll.u32 s1, $0xD;
	s1 =	sshrl.u32 s1, $0x2  }
0xba: {  	s3 =	sand.u32 $0x4000, s31;
	s1 =	sadd.s32 s1, s30  }
0xbb: {  	s0 =	sor.u32 s3, s0;
	s1 =	sshll.u32 s1, $0x11  }
0xbc: {  	s0 =	sor.u32 s1, s0  }
0xbd: {  	s0 =	sadd.s32 $0x8F2B, s0  }
0xbe: {  	[sflag:s0] =	ssyncadd.remote.s32 $0x1  }
0xbf: {  	_ =	sfence.sel $0xFFFF  }
0xc0: {  	[dreg:$0x0] =	wrdreg $0xFFFFFFFF;
	(pc) =	sbr.abs _section_cstart, $3  }
0xc1: {  	[dreg:$0x1] =	wrdreg $0xFFFFFFFF  }
0xc2: {  	_ =	task.clear_ibuf [dreg:s7], $0x2FFFF;
	_ =	strace $0x9FFFFFFF  }
0xc3: {  	(tm) =	ssettm $0x7FFFFFFF  }
tec
execute0_lowered:
.L_overlay_start_1:
0x0: {  	(tag) =	ssettag $0x1  }
0x1: {  	s6 =	rddreg [dreg:$0x0]  }
0x2: {  	s2 =	rddreg [dreg:$0x1]  }
0x3: {  	s0 =	srdreg.scid;
	s3 =	rddreg [dreg:$0x2]  }
0x4: {  	s4 =	simm.s32 $0x0;
	s15 =	simm.s32 $0x2800;
	s16 =	simm.s32 $0x3000  }
0x5: {  	s17 =	simm.s32 $0x80;
	s5 =	sand.u32 $0x1, s0;
	s0 =	stileid.u32  }
0x6: {  	s18 =	simm.s32 $0x1;
	s21 =	simm.s32 $0x0;
	s8 =	smul.u32 $0x2800, s0  }
0x7: {  	[smem:$0x7FF] =	sst s4;
	s1 =	sshll.u32 s5, $0x4;
	s9 =	smul.u32 $0x28000, s5  }
0x8: {  	s10 =	ssub.s32 $0x2, s5;
	s11 =	smul.u32 $0xA000, s0;
	s5 =	sadd.s32 $0x15E00, s6  }
0x9: {  	s19 =	sshll.u32 s0, $0x6;
	s1 =	sor.u32 s0, s1;
	s12 =	sshrl.u32 s10, $0x1  }
0xa: {  	s19 =	sor.u32 $0x1C02, s19;
	s7 =	smul.u32 $0x500, s1;
	s1 =	rddreg [dreg:$0x3]  }
0xb: {  	_ =	strace $0x80000047;
	s9 =	sadd.s32 s8, s9;
	s31 =	sshrl.u32 s11, $0x2  }
0xc: {  	s14 =	ssub.s32 s10, s12;
	s9 =	sshrl.u32 s9, $0x3;
	s11 =	sadd.s32 s31, s3  }
0xd: {  	s7 =	sadd.s32 s7, s6;
	s13 =	sadd.s32 s9, s6;
	s9 =	sadd.s32 $0x1000, s11  }
0xe: {  	s10 =	sadd.s32 $0x1800, s11;
	s6 =	sadd.s32 $0x1E00, s7;
	s7 =	sadd.s32 s8, s3  }
0xf: {  	s8 =	sadd.s32 $0x800, s11;
	s11 =	sadd.s32 $0x2000, s11;
	s12 =	sadd.s32 $0x16000, s13  }
0x10: {  	s13 =	smax.u32 s14, $0x1;
	s14 =	simm.s32 $0x2;
	s20 =	sshrl.u32 s7, $0x3  }
.LBB2_1:
0x11: {  	[tilespmem:s4], [sflag:$0x2] =	stream.linear.gather [hbm4b:s6+s4], $0x2800, $0x38;
	[tilespmem:$0x6000] =	vst v63  }
0x12: {  	_ =	swait.ge [sflag:s14], $0x2800  }
0x13: {  	[sflag:s14] =	ssyncset.done $0x0  }
0x14: {  	[sflag:s14] =	ssyncadd.s32 $0xFFFFD800  }
0x15: {  	[tilespmem:s15], [sflag:$0x2] =	stream.linear.gather [hbm4b:s2+s4], $0x800, $0x38;
	[tilespmem:$0x6000] =	vst v63  }
0x16: {  	_ =	swait.ge [sflag:s14], $0x800  }
0x17: {  	[sflag:s14] =	ssyncset.done $0x0  }
0x18: {  	[sflag:s14] =	ssyncadd.s32 $0xFFFFF800  }
0x19: {  	[tilespmem:s16], [sflag:$0x2] =	stream.linear.gather [hbm4b:s5+s4], $0x800, $0x38;
	[tilespmem:$0x6000] =	vst v63  }
0x1a: {  	_ =	swait.ge [sflag:s14], $0x800  }
0x1b: {  	[sflag:s14] =	ssyncset.done $0x0  }
0x1c: {  	[sflag:s14] =	ssyncadd.s32 $0xFFFFF800  }
0x1d: {  	[spmem:s7] =	stream.linear.scatter [tilespmem:s16], [sflag:$0x2], $0x800, $0x38;
	[tilespmem:$0x6000] =	vst v63  }
0x1e: {  	_ =	swait.ge [sflag:s14], $0x800  }
0x1f: {  	[sflag:s14] =	ssyncset.done $0x0  }
0x20: {  	[sflag:s14] =	ssyncadd.s32 $0xFFFFF800  }
0x21: {  	[spmem:s8] =	stream.linear.scatter [tilespmem:s16], [sflag:$0x2], $0x800, $0x38;
	[tilespmem:$0x6000] =	vst v63  }
0x22: {  	_ =	swait.ge [sflag:s14], $0x800  }
0x23: {  	[sflag:s14] =	ssyncset.done $0x0  }
0x24: {  	[sflag:s14] =	ssyncadd.s32 $0xFFFFF800  }
0x25: {  	[spmem:s9] =	stream.linear.scatter [tilespmem:s16], [sflag:$0x2], $0x800, $0x38;
	[tilespmem:$0x6000] =	vst v63  }
0x26: {  	_ =	swait.ge [sflag:s14], $0x800  }
0x27: {  	[sflag:s14] =	ssyncset.done $0x0  }
0x28: {  	[sflag:s14] =	ssyncadd.s32 $0xFFFFF800  }
0x29: {  	[spmem:s10] =	stream.linear.scatter [tilespmem:s16], [sflag:$0x2], $0x800, $0x38;
	[tilespmem:$0x6000] =	vst v63  }
0x2a: {  	_ =	swait.ge [sflag:s14], $0x800  }
0x2b: {  	[sflag:s14] =	ssyncset.done $0x0  }
0x2c: {  	[sflag:s14] =	ssyncadd.s32 $0xFFFFF800  }
0x2d: {  	[spmem:s11] =	stream.linear.scatter [tilespmem:s16], [sflag:$0x2], $0x800, $0x38;
	[tilespmem:$0x6000] =	vst v63  }
0x2e: {  	_ =	swait.ge [sflag:s14], $0x800  }
0x2f: {  	[sflag:s14] =	ssyncset.done $0x0  }
0x30: {  	[sflag:s14] =	ssyncadd.s32 $0xFFFFF800  }
0x31: {  	s22 =	simm.s32 $0x0;
	[bflag:$0x0] =	sbarrier.arrive $0xFFFF  }
.LBB2_2:
0x32: {  	p0 =	sne.s32 s22, $0x9E00  }
.Ltmp0:
0x33: {  	_ = 	snop;
	(pc) =	sbr.rel @p0 .LBB2_2-.Ltmp0, $3  }
0x34: {  	_ =	sdelay $0x1  }
0x35: {  	s23 =	sshra.s32 s22, $0x2;
	s22 =	sadd.s32 $0x200, s22  }
0x36: {  	[spmem:s3] =	stream.indirect.scatter.add.f32 [tilespmem:s15], [sflag:$0x1], $0x10, s23, s17, $0xb8;
	[tilespmem:$0x6000] =	vst v63  }
0x37: {  	_ =	swait.ge [sflag:s18], $0x800  }
0x38: {  	s22 =	simm.s32 $0x4F;
	[sflag:s18] =	ssyncset.done $0x0  }
.LBB2_4:
0x39: {  	p0 =	sne.s32 s22, $0x1;
	s22 =	sadd.s32 $0xFFFFFFFF, s22;
	[sflag:s18] =	ssyncadd.s32 $0xFFFFF800  }
.Ltmp1:
0x3a: {  	(pc) =	sbr.rel @p0 .LBB2_4-.Ltmp1, $3  }
0x3b: {  	_ =	sdelay $0x1  }
0x3c: {  	_ =	swait.ge [sflag:s18], $0x800  }
0x3d: {  	[sflag:s18] =	ssyncset.done $0x0  }
0x3e: {  	s21 =	sadd.s32 $0x1, s21  }
0x3f: {  	[sflag:s18] =	ssyncadd.s32 $0xFFFFF800;
	p0 =	sne.s32 s21, s13  }
.Ltmp2:
0x40: {  	[bflag:$0x0] =	sbarrier.arrive $0xFFFF;
	(pc) =	sbr.rel @p0 .LBB2_1-.Ltmp2, $4  }
0x41: {  	[hbm:s12], [sflag:s19] =	dma.local [spmem:s20], $0x500  }
0x42: {  	_ =	swait.ge [sflag:s14], $0x500  }
0x43: {  	[sflag:s14] =	ssyncset.done $0x0  }
0x44: {  	[sflag:s14] =	ssyncadd.s32 $0xFFFFFB00  }
0x45: {  	_ =	sfence.sel $0x180000  }
0x46: {  	[bflag:$0x0] =	sbarrier.arrive $0xFFFF  }
0x47: {  	p0 =	sne.s32 s0, $0x0;
	_ =	strace $0x90000047  }
0x48: {  	s0 =	sadd.s32 @!p0 $0x100000, s1;
	[bflag:$0x2] =	sbarrier.arrive $0xFFFF  }
0x49: {  	[sflag:s0] =	ssyncadd.tile.s32 @!p0 $0x1;
	_ =	shalt  }
.Lfunc_end2:
_tile_overlayer_lowered:
.L_overlay_start_2:
0x4a: {  	(tag) =	ssettag $0x2  }
0x4b: {  	s0 =	rddreg [dreg:$0x0];
	s2 =	stileid.u32  }
0x4c: {  	s1 =	rddreg [dreg:$0x1];
	p0 =	sne.s32 s2, $0x0  }
0x4d: {  	s3 =	rddreg [dreg:$0x2];
	[bflag:$0x3] =	sbarrier.arrive $0xFFFF;
	s2 =	simm.s32 @!p0 $0x1C02  }
0x4e: {  	[timem:s3], [sflag:s2] =	dma.local @!p0 [hbm:s0], s1  }
0x4f: {  	s0 =	simm.s32 @!p0 $0x2  }
0x50: {  	_ =	swait.ge @!p0 [sflag:s0], s1  }
0x51: {  	s1 =	ssub.s32 @!p0 $0x0, s1;
	[sflag:s0] =	ssyncset.done @!p0 $0x0  }
0x52: {  	[sflag:s0] =	ssyncadd.s32 @!p0 s1  }
0x53: {  	[bflag:$0x3] =	sbarrier.arrive $0xFFFF  }
0x54: {  	_ =	shalt  }

</sc_bundles>
